<compile_context>
chip_gen: v7x
topology: tpu7x:2x2x1
jax: 0.10.2.dev20260603
libtpu: 0.0.44.dev20260713+nightly
codegen_flags: <defaults>
</compile_context>

<pallas_src>
import functools

import jax
import jax.numpy as jnp
from jax import lax
from jax.experimental import pallas as pl
from jax.experimental.pallas import tpu as pltpu
from jax.experimental.pallas import tpu_sc as plsc

ROWS = 64
COLS = 32768
NC = 2
NS = 16
NW = NC * NS
RPW = ROWS // NW
LANES = 16
ACC = 4
UNROLL = 16
CHUNK = 8192
NCHUNK = COLS // CHUNK

_mesh = plsc.VectorSubcoreMesh(core_axis_name="c", subcore_axis_name="s")


@functools.partial(
    pl.kernel,
    mesh=_mesh,
    out_type=jax.ShapeDtypeStruct((NW, LANES), jnp.int32),
    scratch_types=[
        pltpu.VMEM((RPW, COLS), jnp.float32),
        pltpu.VMEM((LANES,), jnp.int32),
    ] + [pltpu.SemaphoreType.DMA] * (RPW * NCHUNK),
)
def _argmax_sc(x_hbm, out_hbm, buf, obuf, *sems):
    wid = lax.axis_index("c") * NS + lax.axis_index("s")
    base_row = wid * RPW

    cps = []
    for r in range(RPW):
        for c in range(NCHUNK):
            cps.append(pltpu.async_copy(
                x_hbm.at[pl.ds(base_row + r, 1), pl.ds(c * CHUNK, CHUNK)],
                buf.at[pl.ds(r, 1), pl.ds(c * CHUNK, CHUNK)],
                sems[r * NCHUNK + c]))

    lane = lax.iota(jnp.int32, 16)
    res = jnp.zeros((LANES,), jnp.int32)
    for r in range(RPW):
        ms = [jnp.full((LANES,), -jnp.inf, jnp.float32)] * ACC
        bis = [jnp.zeros((LANES,), jnp.int32)] * ACC
        for c in range(NCHUNK):
            cps[r * NCHUNK + c].wait()
            cbase = c * CHUNK

            def body(jo, carry, r=r, cbase=cbase):
                ms = list(carry[0])
                bis = list(carry[1])
                base = cbase + jo * (LANES * UNROLL)
                for u in range(UNROLL):
                    a = u % ACC
                    eb = base + u * LANES
                    v = buf[r, pl.ds(eb, LANES)]
                    gt = v > ms[a]
                    ms[a] = jnp.maximum(v, ms[a])
                    bis[a] = jnp.where(gt, eb, bis[a])
                return tuple(ms), tuple(bis)

            out_c = lax.fori_loop(0, CHUNK // (LANES * UNROLL), body,
                                  (tuple(ms), tuple(bis)))
            ms, bis = list(out_c[0]), list(out_c[1])

        stride = ACC
        while stride > 1:
            stride //= 2
            for a in range(stride):
                m2, b2 = ms[a + stride], bis[a + stride]
                tk = (m2 > ms[a]) | ((m2 == ms[a]) & (b2 < bis[a]))
                ms[a] = jnp.where(tk, m2, ms[a])
                bis[a] = jnp.where(tk, b2, bis[a])

        mv, iv = ms[0], bis[0] + lane
        for k in (8, 4, 2, 1):
            perm = lane ^ k
            pm = mv.at[perm].get(mode="promise_in_bounds")
            pi = iv.at[perm].get(mode="promise_in_bounds")
            tk = (pm > mv) | ((pm == mv) & (pi < iv))
            mv = jnp.where(tk, pm, mv)
            iv = jnp.where(tk, pi, iv)
        res = jnp.where(lane == r, iv, res)

    obuf[...] = res
    pltpu.sync_copy(obuf, out_hbm.at[wid])


def kernel(x):
    out = _argmax_sc(x)
    return out[:, :RPW].reshape(ROWS)

# --- scband reference (transcript-rebuilt; emitter-appended) ---
"""Pipeline reference for scband-arg-max-78606491452388 (READ-ONLY COPY).

The authoritative reference and input builder live on the scoring server;
editing this copy changes nothing except your own understanding.
"""

import jax, jax.numpy as jnp
import numpy as np

DIM = -1

def setup_inputs(seed: int = 0) -> dict:
    key = jax.random.key(seed)
    x = jax.random.normal(key, (64, 32768), dtype=jnp.float32)
    return {"x": x}

def reference(x):
    # torch.argmax(x, dim=self.dim) with dim=-1
    return jnp.argmax(x, axis=DIM)

if __name__ == "__main__":
    import jax
    _d = setup_inputs()
    print(jax.jit(kernel)(*tuple(_d.values())))

</pallas_src>

<mosaic_0001>
#map = affine_map<(d0, d1) -> (0, 0)>
module attributes {stable_mosaic.version = 14 : i64} {
  func.func @_argmax_sc(%arg0: i32, %arg1: i32, %arg2: memref<64x32768xf32, #tpu.memory_space<hbm>>, %arg3: memref<32x16xi32, #tpu.memory_space<hbm>>, %arg4: memref<2x32768xf32, #tpu.memory_space<vmem>>, %arg5: memref<16xi32, #tpu.memory_space<vmem>>, %arg6: memref<!tpu.dma_semaphore, #tpu.memory_space<semaphore_mem>>, %arg7: memref<!tpu.dma_semaphore, #tpu.memory_space<semaphore_mem>>, %arg8: memref<!tpu.dma_semaphore, #tpu.memory_space<semaphore_mem>>, %arg9: memref<!tpu.dma_semaphore, #tpu.memory_space<semaphore_mem>>, %arg10: memref<!tpu.dma_semaphore, #tpu.memory_space<semaphore_mem>>, %arg11: memref<!tpu.dma_semaphore, #tpu.memory_space<semaphore_mem>>, %arg12: memref<!tpu.dma_semaphore, #tpu.memory_space<semaphore_mem>>, %arg13: memref<!tpu.dma_semaphore, #tpu.memory_space<semaphore_mem>>) attributes {dimension_semantics = [#tpu.dimension_semantics<core_parallel>, #tpu.dimension_semantics<subcore_parallel>], iteration_bounds = array<i64: 2, 16>, scalar_prefetch = 0 : i64, scratch_operands = 10 : i64, tpu.core_type = #tpu.core_type<sc_vector_subcore>, window_params = [{transform_indices = #map}, {transform_indices = #map}]} {
    %mul3A = arith.constant 16 : i32
    %mul3A_0 = arith.muli %arg0, %mul3A : i32
    %add3A = arith.addi %mul3A_0, %arg1 : i32
    %mul3A_1 = arith.constant 2 : i32
    %mul3A_2 = arith.muli %add3A, %mul3A_1 : i32
    %add3A_3 = arith.constant 0 : i32
    %add3A_4 = arith.addi %mul3A_2, %add3A_3 : i32
    %dma_start3A = arith.constant 0 : i32
    %dma_start3A_5 = arith.constant 0 : i32
    %dma_start3A_6 = tpu.memref_slice %arg4[%dma_start3A, %dma_start3A_5] : memref<2x32768xf32, #tpu.memory_space<vmem>> -> memref<1x8192xf32, #tpu.memory_space<vmem>>
    %dma_start3A_7 = arith.constant 0 : i32
    %dma_start3A_8 = tpu.memref_slice %arg2[%add3A_4, %dma_start3A_7] : memref<64x32768xf32, #tpu.memory_space<hbm>> -> memref<1x8192xf32, #tpu.memory_space<hbm>>
    %dma_start3A_9 = arith.constant 0 : i32
    %dma_start3A_10 = arith.constant 0 : i32
    %dma_start3A_11 = tpu.memref_slice %arg4[%dma_start3A_9, %dma_start3A_10] : memref<2x32768xf32, #tpu.memory_space<vmem>> -> memref<1x8192xf32, #tpu.memory_space<vmem>>
    %dma_start3A_12 = arith.constant 0 : i32
    %dma_start3A_13 = tpu.memref_slice %arg2[%add3A_4, %dma_start3A_12] : memref<64x32768xf32, #tpu.memory_space<hbm>> -> memref<1x8192xf32, #tpu.memory_space<hbm>>
    tpu.enqueue_dma source(%dma_start3A_13 : memref<1x8192xf32, #tpu.memory_space<hbm>>) target(%dma_start3A_11 : memref<1x8192xf32, #tpu.memory_space<vmem>>) target_semaphore(%arg6 : memref<!tpu.dma_semaphore, #tpu.memory_space<semaphore_mem>>)
    %add3A_14 = arith.constant 0 : i32
    %add3A_15 = arith.addi %mul3A_2, %add3A_14 : i32
    %dma_start3A_16 = arith.constant 0 : i32
    %dma_start3A_17 = arith.constant 8192 : i32
    %dma_start3A_18 = tpu.memref_slice %arg4[%dma_start3A_16, %dma_start3A_17] : memref<2x32768xf32, #tpu.memory_space<vmem>> -> memref<1x8192xf32, #tpu.memory_space<vmem>>
    %dma_start3A_19 = arith.constant 8192 : i32
    %dma_start3A_20 = tpu.memref_slice %arg2[%add3A_15, %dma_start3A_19] : memref<64x32768xf32, #tpu.memory_space<hbm>> -> memref<1x8192xf32, #tpu.memory_space<hbm>>
    %dma_start3A_21 = arith.constant 0 : i32
    %dma_start3A_22 = arith.constant 8192 : i32
    %dma_start3A_23 = tpu.memref_slice %arg4[%dma_start3A_21, %dma_start3A_22] : memref<2x32768xf32, #tpu.memory_space<vmem>> -> memref<1x8192xf32, #tpu.memory_space<vmem>>
    %dma_start3A_24 = arith.constant 8192 : i32
    %dma_start3A_25 = tpu.memref_slice %arg2[%add3A_15, %dma_start3A_24] : memref<64x32768xf32, #tpu.memory_space<hbm>> -> memref<1x8192xf32, #tpu.memory_space<hbm>>
    tpu.enqueue_dma source(%dma_start3A_25 : memref<1x8192xf32, #tpu.memory_space<hbm>>) target(%dma_start3A_23 : memref<1x8192xf32, #tpu.memory_space<vmem>>) target_semaphore(%arg7 : memref<!tpu.dma_semaphore, #tpu.memory_space<semaphore_mem>>)
    %add3A_26 = arith.constant 0 : i32
    %add3A_27 = arith.addi %mul3A_2, %add3A_26 : i32
    %dma_start3A_28 = arith.constant 0 : i32
    %dma_start3A_29 = arith.constant 16384 : i32
    %dma_start3A_30 = tpu.memref_slice %arg4[%dma_start3A_28, %dma_start3A_29] : memref<2x32768xf32, #tpu.memory_space<vmem>> -> memref<1x8192xf32, #tpu.memory_space<vmem>>
    %dma_start3A_31 = arith.constant 16384 : i32
    %dma_start3A_32 = tpu.memref_slice %arg2[%add3A_27, %dma_start3A_31] : memref<64x32768xf32, #tpu.memory_space<hbm>> -> memref<1x8192xf32, #tpu.memory_space<hbm>>
    %dma_start3A_33 = arith.constant 0 : i32
    %dma_start3A_34 = arith.constant 16384 : i32
    %dma_start3A_35 = tpu.memref_slice %arg4[%dma_start3A_33, %dma_start3A_34] : memref<2x32768xf32, #tpu.memory_space<vmem>> -> memref<1x8192xf32, #tpu.memory_space<vmem>>
    %dma_start3A_36 = arith.constant 16384 : i32
    %dma_start3A_37 = tpu.memref_slice %arg2[%add3A_27, %dma_start3A_36] : memref<64x32768xf32, #tpu.memory_space<hbm>> -> memref<1x8192xf32, #tpu.memory_space<hbm>>
    tpu.enqueue_dma source(%dma_start3A_37 : memref<1x8192xf32, #tpu.memory_space<hbm>>) target(%dma_start3A_35 : memref<1x8192xf32, #tpu.memory_space<vmem>>) target_semaphore(%arg8 : memref<!tpu.dma_semaphore, #tpu.memory_space<semaphore_mem>>)
    %add3A_38 = arith.constant 0 : i32
    %add3A_39 = arith.addi %mul3A_2, %add3A_38 : i32
    %dma_start3A_40 = arith.constant 0 : i32
    %dma_start3A_41 = arith.constant 24576 : i32
    %dma_start3A_42 = tpu.memref_slice %arg4[%dma_start3A_40, %dma_start3A_41] : memref<2x32768xf32, #tpu.memory_space<vmem>> -> memref<1x8192xf32, #tpu.memory_space<vmem>>
    %dma_start3A_43 = arith.constant 24576 : i32
    %dma_start3A_44 = tpu.memref_slice %arg2[%add3A_39, %dma_start3A_43] : memref<64x32768xf32, #tpu.memory_space<hbm>> -> memref<1x8192xf32, #tpu.memory_space<hbm>>
    %dma_start3A_45 = arith.constant 0 : i32
    %dma_start3A_46 = arith.constant 24576 : i32
    %dma_start3A_47 = tpu.memref_slice %arg4[%dma_start3A_45, %dma_start3A_46] : memref<2x32768xf32, #tpu.memory_space<vmem>> -> memref<1x8192xf32, #tpu.memory_space<vmem>>
    %dma_start3A_48 = arith.constant 24576 : i32
    %dma_start3A_49 = tpu.memref_slice %arg2[%add3A_39, %dma_start3A_48] : memref<64x32768xf32, #tpu.memory_space<hbm>> -> memref<1x8192xf32, #tpu.memory_space<hbm>>
    tpu.enqueue_dma source(%dma_start3A_49 : memref<1x8192xf32, #tpu.memory_space<hbm>>) target(%dma_start3A_47 : memref<1x8192xf32, #tpu.memory_space<vmem>>) target_semaphore(%arg9 : memref<!tpu.dma_semaphore, #tpu.memory_space<semaphore_mem>>)
    %add3A_50 = arith.constant 1 : i32
    %add3A_51 = arith.addi %mul3A_2, %add3A_50 : i32
    %dma_start3A_52 = arith.constant 1 : i32
    %dma_start3A_53 = arith.constant 0 : i32
    %dma_start3A_54 = tpu.memref_slice %arg4[%dma_start3A_52, %dma_start3A_53] : memref<2x32768xf32, #tpu.memory_space<vmem>> -> memref<1x8192xf32, #tpu.memory_space<vmem>>
    %dma_start3A_55 = arith.constant 0 : i32
    %dma_start3A_56 = tpu.memref_slice %arg2[%add3A_51, %dma_start3A_55] : memref<64x32768xf32, #tpu.memory_space<hbm>> -> memref<1x8192xf32, #tpu.memory_space<hbm>>
    %dma_start3A_57 = arith.constant 1 : i32
    %dma_start3A_58 = arith.constant 0 : i32
    %dma_start3A_59 = tpu.memref_slice %arg4[%dma_start3A_57, %dma_start3A_58] : memref<2x32768xf32, #tpu.memory_space<vmem>> -> memref<1x8192xf32, #tpu.memory_space<vmem>>
    %dma_start3A_60 = arith.constant 0 : i32
    %dma_start3A_61 = tpu.memref_slice %arg2[%add3A_51, %dma_start3A_60] : memref<64x32768xf32, #tpu.memory_space<hbm>> -> memref<1x8192xf32, #tpu.memory_space<hbm>>
    tpu.enqueue_dma source(%dma_start3A_61 : memref<1x8192xf32, #tpu.memory_space<hbm>>) target(%dma_start3A_59 : memref<1x8192xf32, #tpu.memory_space<vmem>>) target_semaphore(%arg10 : memref<!tpu.dma_semaphore, #tpu.memory_space<semaphore_mem>>)
    %add3A_62 = arith.constant 1 : i32
    %add3A_63 = arith.addi %mul3A_2, %add3A_62 : i32
    %dma_start3A_64 = arith.constant 1 : i32
    %dma_start3A_65 = arith.constant 8192 : i32
    %dma_start3A_66 = tpu.memref_slice %arg4[%dma_start3A_64, %dma_start3A_65] : memref<2x32768xf32, #tpu.memory_space<vmem>> -> memref<1x8192xf32, #tpu.memory_space<vmem>>
    %dma_start3A_67 = arith.constant 8192 : i32
    %dma_start3A_68 = tpu.memref_slice %arg2[%add3A_63, %dma_start3A_67] : memref<64x32768xf32, #tpu.memory_space<hbm>> -> memref<1x8192xf32, #tpu.memory_space<hbm>>
    %dma_start3A_69 = arith.constant 1 : i32
    %dma_start3A_70 = arith.constant 8192 : i32
    %dma_start3A_71 = tpu.memref_slice %arg4[%dma_start3A_69, %dma_start3A_70] : memref<2x32768xf32, #tpu.memory_space<vmem>> -> memref<1x8192xf32, #tpu.memory_space<vmem>>
    %dma_start3A_72 = arith.constant 8192 : i32
    %dma_start3A_73 = tpu.memref_slice %arg2[%add3A_63, %dma_start3A_72] : memref<64x32768xf32, #tpu.memory_space<hbm>> -> memref<1x8192xf32, #tpu.memory_space<hbm>>
    tpu.enqueue_dma source(%dma_start3A_73 : memref<1x8192xf32, #tpu.memory_space<hbm>>) target(%dma_start3A_71 : memref<1x8192xf32, #tpu.memory_space<vmem>>) target_semaphore(%arg11 : memref<!tpu.dma_semaphore, #tpu.memory_space<semaphore_mem>>)
    %add3A_74 = arith.constant 1 : i32
    %add3A_75 = arith.addi %mul3A_2, %add3A_74 : i32
    %dma_start3A_76 = arith.constant 1 : i32
    %dma_start3A_77 = arith.constant 16384 : i32
    %dma_start3A_78 = tpu.memref_slice %arg4[%dma_start3A_76, %dma_start3A_77] : memref<2x32768xf32, #tpu.memory_space<vmem>> -> memref<1x8192xf32, #tpu.memory_space<vmem>>
    %dma_start3A_79 = arith.constant 16384 : i32
    %dma_start3A_80 = tpu.memref_slice %arg2[%add3A_75, %dma_start3A_79] : memref<64x32768xf32, #tpu.memory_space<hbm>> -> memref<1x8192xf32, #tpu.memory_space<hbm>>
    %dma_start3A_81 = arith.constant 1 : i32
    %dma_start3A_82 = arith.constant 16384 : i32
    %dma_start3A_83 = tpu.memref_slice %arg4[%dma_start3A_81, %dma_start3A_82] : memref<2x32768xf32, #tpu.memory_space<vmem>> -> memref<1x8192xf32, #tpu.memory_space<vmem>>
    %dma_start3A_84 = arith.constant 16384 : i32
    %dma_start3A_85 = tpu.memref_slice %arg2[%add3A_75, %dma_start3A_84] : memref<64x32768xf32, #tpu.memory_space<hbm>> -> memref<1x8192xf32, #tpu.memory_space<hbm>>
    tpu.enqueue_dma source(%dma_start3A_85 : memref<1x8192xf32, #tpu.memory_space<hbm>>) target(%dma_start3A_83 : memref<1x8192xf32, #tpu.memory_space<vmem>>) target_semaphore(%arg12 : memref<!tpu.dma_semaphore, #tpu.memory_space<semaphore_mem>>)
    %add3A_86 = arith.constant 1 : i32
    %add3A_87 = arith.addi %mul3A_2, %add3A_86 : i32
    %dma_start3A_88 = arith.constant 1 : i32
    %dma_start3A_89 = arith.constant 24576 : i32
    %dma_start3A_90 = tpu.memref_slice %arg4[%dma_start3A_88, %dma_start3A_89] : memref<2x32768xf32, #tpu.memory_space<vmem>> -> memref<1x8192xf32, #tpu.memory_space<vmem>>
    %dma_start3A_91 = arith.constant 24576 : i32
    %dma_start3A_92 = tpu.memref_slice %arg2[%add3A_87, %dma_start3A_91] : memref<64x32768xf32, #tpu.memory_space<hbm>> -> memref<1x8192xf32, #tpu.memory_space<hbm>>
    %dma_start3A_93 = arith.constant 1 : i32
    %dma_start3A_94 = arith.constant 24576 : i32
    %dma_start3A_95 = tpu.memref_slice %arg4[%dma_start3A_93, %dma_start3A_94] : memref<2x32768xf32, #tpu.memory_space<vmem>> -> memref<1x8192xf32, #tpu.memory_space<vmem>>
    %dma_start3A_96 = arith.constant 24576 : i32
    %dma_start3A_97 = tpu.memref_slice %arg2[%add3A_87, %dma_start3A_96] : memref<64x32768xf32, #tpu.memory_space<hbm>> -> memref<1x8192xf32, #tpu.memory_space<hbm>>
    tpu.enqueue_dma source(%dma_start3A_97 : memref<1x8192xf32, #tpu.memory_space<hbm>>) target(%dma_start3A_95 : memref<1x8192xf32, #tpu.memory_space<vmem>>) target_semaphore(%arg13 : memref<!tpu.dma_semaphore, #tpu.memory_space<semaphore_mem>>)
    %iota3A = tpu.iota {dimensions = array<i32: 0>} : vector<16xi32>
    %broadcast_in_dim3A = arith.constant 0 : i32
    %broadcast_in_dim3A_98 = vector.broadcast %broadcast_in_dim3A : i32 to vector<16xi32>
    %broadcast_in_dim3A_99 = arith.constant 0xFF800000 : f32
    %broadcast_in_dim3A_100 = vector.broadcast %broadcast_in_dim3A_99 : f32 to vector<16xf32>
    %broadcast_in_dim3A_101 = arith.constant 0 : i32
    %broadcast_in_dim3A_102 = vector.broadcast %broadcast_in_dim3A_101 : i32 to vector<16xi32>
    %dma_wait3A = arith.constant 0 : i32
    %dma_wait3A_103 = arith.constant 0 : i32
    %dma_wait3A_104 = tpu.memref_slice %arg4[%dma_wait3A, %dma_wait3A_103] : memref<2x32768xf32, #tpu.memory_space<vmem>> -> memref<1x8192xf32, #tpu.memory_space<vmem>>
    %dma_wait3A_105 = arith.constant 0 : i32
    %dma_wait3A_106 = tpu.memref_slice %arg2[%add3A_4, %dma_wait3A_105] : memref<64x32768xf32, #tpu.memory_space<hbm>> -> memref<1x8192xf32, #tpu.memory_space<hbm>>
    %dma_wait3A_107 = arith.constant 0 : i32
    %dma_wait3A_108 = arith.constant 0 : i32
    %dma_wait3A_109 = tpu.memref_slice %arg4[%dma_wait3A_107, %dma_wait3A_108] : memref<2x32768xf32, #tpu.memory_space<vmem>> -> memref<1x8192xf32, #tpu.memory_space<vmem>>
    %dma_wait3A_110 = arith.constant 0 : i32
    %dma_wait3A_111 = tpu.memref_slice %arg2[%add3A_4, %dma_wait3A_110] : memref<64x32768xf32, #tpu.memory_space<hbm>> -> memref<1x8192xf32, #tpu.memory_space<hbm>>
    tpu.wait_dma2 semaphore(%arg6 : memref<!tpu.dma_semaphore, #tpu.memory_space<semaphore_mem>>) src(%dma_wait3A_111 : memref<1x8192xf32, #tpu.memory_space<hbm>>) dst(%dma_wait3A_109 : memref<1x8192xf32, #tpu.memory_space<vmem>>)
    %scan3A = arith.constant 0 : i32
    %scan3A_112 = arith.constant 32 : i32
    %scan3A_113 = arith.addi %scan3A, %scan3A_112 : i32
    %scan3A_114 = arith.constant 1 : i32
    %scan3A_115:8 = scf.for %scan3A_520 = %scan3A to %scan3A_113 step %scan3A_114 iter_args(%scan3A_521 = %broadcast_in_dim3A_100, %scan3A_522 = %broadcast_in_dim3A_100, %scan3A_523 = %broadcast_in_dim3A_100, %scan3A_524 = %broadcast_in_dim3A_100, %scan3A_525 = %broadcast_in_dim3A_102, %scan3A_526 = %broadcast_in_dim3A_102, %scan3A_527 = %broadcast_in_dim3A_102, %scan3A_528 = %broadcast_in_dim3A_102) -> (vector<16xf32>, vector<16xf32>, vector<16xf32>, vector<16xf32>, vector<16xi32>, vector<16xi32>, vector<16xi32>, vector<16xi32>)  : i32 {
      %mul3A_529 = arith.constant 256 : i32
      %mul3A_530 = arith.muli %scan3A_520, %mul3A_529 : i32
      %add3A_531 = arith.constant 0 : i32
      %add3A_532 = arith.addi %add3A_531, %mul3A_530 : i32
      %add3A_533 = arith.constant 0 : i32
      %add3A_534 = arith.addi %add3A_532, %add3A_533 : i32
      %get3A = arith.constant 0 : i32
      %get3A_535 = arith.index_cast %get3A : i32 to index
      %get3A_536 = arith.index_cast %add3A_534 : i32 to index
      %get3A_537 = tpu.vector_load %arg4[%get3A_535, %get3A_536] {strides = array<i32>} : memref<2x32768xf32, #tpu.memory_space<vmem>>, vector<1x16xf32>,
      %get3A_538 = vector.shape_cast %get3A_537 : vector<1x16xf32> to vector<16xf32>
      %gt3A_539 = arith.cmpf ogt, %get3A_538, %scan3A_521 : vector<16xf32>
      %max3A = arith.maximumf %get3A_538, %scan3A_521 : vector<16xf32>
      %broadcast_in_dim3A_540 = vector.broadcast %add3A_534 : i32 to vector<16xi32>
      %select_n3A_541 = arith.select %gt3A_539, %broadcast_in_dim3A_540, %scan3A_525 : vector<16xi1>, vector<16xi32>
      %add3A_542 = arith.constant 16 : i32
      %add3A_543 = arith.addi %add3A_532, %add3A_542 : i32
      %get3A_544 = arith.constant 0 : i32
      %get3A_545 = arith.index_cast %get3A_544 : i32 to index
      %get3A_546 = arith.index_cast %add3A_543 : i32 to index
      %get3A_547 = tpu.vector_load %arg4[%get3A_545, %get3A_546] {strides = array<i32>} : memref<2x32768xf32, #tpu.memory_space<vmem>>, vector<1x16xf32>,
      %get3A_548 = vector.shape_cast %get3A_547 : vector<1x16xf32> to vector<16xf32>
      %gt3A_549 = arith.cmpf ogt, %get3A_548, %scan3A_522 : vector<16xf32>
      %max3A_550 = arith.maximumf %get3A_548, %scan3A_522 : vector<16xf32>
      %broadcast_in_dim3A_551 = vector.broadcast %add3A_543 : i32 to vector<16xi32>
      %select_n3A_552 = arith.select %gt3A_549, %broadcast_in_dim3A_551, %scan3A_526 : vector<16xi1>, vector<16xi32>
      %add3A_553 = arith.constant 32 : i32
      %add3A_554 = arith.addi %add3A_532, %add3A_553 : i32
      %get3A_555 = arith.constant 0 : i32
      %get3A_556 = arith.index_cast %get3A_555 : i32 to index
      %get3A_557 = arith.index_cast %add3A_554 : i32 to index
      %get3A_558 = tpu.vector_load %arg4[%get3A_556, %get3A_557] {strides = array<i32>} : memref<2x32768xf32, #tpu.memory_space<vmem>>, vector<1x16xf32>,
      %get3A_559 = vector.shape_cast %get3A_558 : vector<1x16xf32> to vector<16xf32>
      %gt3A_560 = arith.cmpf ogt, %get3A_559, %scan3A_523 : vector<16xf32>
      %max3A_561 = arith.maximumf %get3A_559, %scan3A_523 : vector<16xf32>
      %broadcast_in_dim3A_562 = vector.broadcast %add3A_554 : i32 to vector<16xi32>
      %select_n3A_563 = arith.select %gt3A_560, %broadcast_in_dim3A_562, %scan3A_527 : vector<16xi1>, vector<16xi32>
      %add3A_564 = arith.constant 48 : i32
      %add3A_565 = arith.addi %add3A_532, %add3A_564 : i32
      %get3A_566 = arith.constant 0 : i32
      %get3A_567 = arith.index_cast %get3A_566 : i32 to index
      %get3A_568 = arith.index_cast %add3A_565 : i32 to index
      %get3A_569 = tpu.vector_load %arg4[%get3A_567, %get3A_568] {strides = array<i32>} : memref<2x32768xf32, #tpu.memory_space<vmem>>, vector<1x16xf32>,
      %get3A_570 = vector.shape_cast %get3A_569 : vector<1x16xf32> to vector<16xf32>
      %gt3A_571 = arith.cmpf ogt, %get3A_570, %scan3A_524 : vector<16xf32>
      %max3A_572 = arith.maximumf %get3A_570, %scan3A_524 : vector<16xf32>
      %broadcast_in_dim3A_573 = vector.broadcast %add3A_565 : i32 to vector<16xi32>
      %select_n3A_574 = arith.select %gt3A_571, %broadcast_in_dim3A_573, %scan3A_528 : vector<16xi1>, vector<16xi32>
      %add3A_575 = arith.constant 64 : i32
      %add3A_576 = arith.addi %add3A_532, %add3A_575 : i32
      %get3A_577 = arith.constant 0 : i32
      %get3A_578 = arith.index_cast %get3A_577 : i32 to index
      %get3A_579 = arith.index_cast %add3A_576 : i32 to index
      %get3A_580 = tpu.vector_load %arg4[%get3A_578, %get3A_579] {strides = array<i32>} : memref<2x32768xf32, #tpu.memory_space<vmem>>, vector<1x16xf32>,
      %get3A_581 = vector.shape_cast %get3A_580 : vector<1x16xf32> to vector<16xf32>
      %gt3A_582 = arith.cmpf ogt, %get3A_581, %max3A : vector<16xf32>
      %max3A_583 = arith.maximumf %get3A_581, %max3A : vector<16xf32>
      %broadcast_in_dim3A_584 = vector.broadcast %add3A_576 : i32 to vector<16xi32>
      %select_n3A_585 = arith.select %gt3A_582, %broadcast_in_dim3A_584, %select_n3A_541 : vector<16xi1>, vector<16xi32>
      %add3A_586 = arith.constant 80 : i32
      %add3A_587 = arith.addi %add3A_532, %add3A_586 : i32
      %get3A_588 = arith.constant 0 : i32
      %get3A_589 = arith.index_cast %get3A_588 : i32 to index
      %get3A_590 = arith.index_cast %add3A_587 : i32 to index
      %get3A_591 = tpu.vector_load %arg4[%get3A_589, %get3A_590] {strides = array<i32>} : memref<2x32768xf32, #tpu.memory_space<vmem>>, vector<1x16xf32>,
      %get3A_592 = vector.shape_cast %get3A_591 : vector<1x16xf32> to vector<16xf32>
      %gt3A_593 = arith.cmpf ogt, %get3A_592, %max3A_550 : vector<16xf32>
      %max3A_594 = arith.maximumf %get3A_592, %max3A_550 : vector<16xf32>
      %broadcast_in_dim3A_595 = vector.broadcast %add3A_587 : i32 to vector<16xi32>
      %select_n3A_596 = arith.select %gt3A_593, %broadcast_in_dim3A_595, %select_n3A_552 : vector<16xi1>, vector<16xi32>
      %add3A_597 = arith.constant 96 : i32
      %add3A_598 = arith.addi %add3A_532, %add3A_597 : i32
      %get3A_599 = arith.constant 0 : i32
      %get3A_600 = arith.index_cast %get3A_599 : i32 to index
      %get3A_601 = arith.index_cast %add3A_598 : i32 to index
      %get3A_602 = tpu.vector_load %arg4[%get3A_600, %get3A_601] {strides = array<i32>} : memref<2x32768xf32, #tpu.memory_space<vmem>>, vector<1x16xf32>,
      %get3A_603 = vector.shape_cast %get3A_602 : vector<1x16xf32> to vector<16xf32>
      %gt3A_604 = arith.cmpf ogt, %get3A_603, %max3A_561 : vector<16xf32>
      %max3A_605 = arith.maximumf %get3A_603, %max3A_561 : vector<16xf32>
      %broadcast_in_dim3A_606 = vector.broadcast %add3A_598 : i32 to vector<16xi32>
      %select_n3A_607 = arith.select %gt3A_604, %broadcast_in_dim3A_606, %select_n3A_563 : vector<16xi1>, vector<16xi32>
      %add3A_608 = arith.constant 112 : i32
      %add3A_609 = arith.addi %add3A_532, %add3A_608 : i32
      %get3A_610 = arith.constant 0 : i32
      %get3A_611 = arith.index_cast %get3A_610 : i32 to index
      %get3A_612 = arith.index_cast %add3A_609 : i32 to index
      %get3A_613 = tpu.vector_load %arg4[%get3A_611, %get3A_612] {strides = array<i32>} : memref<2x32768xf32, #tpu.memory_space<vmem>>, vector<1x16xf32>,
      %get3A_614 = vector.shape_cast %get3A_613 : vector<1x16xf32> to vector<16xf32>
      %gt3A_615 = arith.cmpf ogt, %get3A_614, %max3A_572 : vector<16xf32>
      %max3A_616 = arith.maximumf %get3A_614, %max3A_572 : vector<16xf32>
      %broadcast_in_dim3A_617 = vector.broadcast %add3A_609 : i32 to vector<16xi32>
      %select_n3A_618 = arith.select %gt3A_615, %broadcast_in_dim3A_617, %select_n3A_574 : vector<16xi1>, vector<16xi32>
      %add3A_619 = arith.constant 128 : i32
      %add3A_620 = arith.addi %add3A_532, %add3A_619 : i32
      %get3A_621 = arith.constant 0 : i32
      %get3A_622 = arith.index_cast %get3A_621 : i32 to index
      %get3A_623 = arith.index_cast %add3A_620 : i32 to index
      %get3A_624 = tpu.vector_load %arg4[%get3A_622, %get3A_623] {strides = array<i32>} : memref<2x32768xf32, #tpu.memory_space<vmem>>, vector<1x16xf32>,
      %get3A_625 = vector.shape_cast %get3A_624 : vector<1x16xf32> to vector<16xf32>
      %gt3A_626 = arith.cmpf ogt, %get3A_625, %max3A_583 : vector<16xf32>
      %max3A_627 = arith.maximumf %get3A_625, %max3A_583 : vector<16xf32>
      %broadcast_in_dim3A_628 = vector.broadcast %add3A_620 : i32 to vector<16xi32>
      %select_n3A_629 = arith.select %gt3A_626, %broadcast_in_dim3A_628, %select_n3A_585 : vector<16xi1>, vector<16xi32>
      %add3A_630 = arith.constant 144 : i32
      %add3A_631 = arith.addi %add3A_532, %add3A_630 : i32
      %get3A_632 = arith.constant 0 : i32
      %get3A_633 = arith.index_cast %get3A_632 : i32 to index
      %get3A_634 = arith.index_cast %add3A_631 : i32 to index
      %get3A_635 = tpu.vector_load %arg4[%get3A_633, %get3A_634] {strides = array<i32>} : memref<2x32768xf32, #tpu.memory_space<vmem>>, vector<1x16xf32>,
      %get3A_636 = vector.shape_cast %get3A_635 : vector<1x16xf32> to vector<16xf32>
      %gt3A_637 = arith.cmpf ogt, %get3A_636, %max3A_594 : vector<16xf32>
      %max3A_638 = arith.maximumf %get3A_636, %max3A_594 : vector<16xf32>
      %broadcast_in_dim3A_639 = vector.broadcast %add3A_631 : i32 to vector<16xi32>
      %select_n3A_640 = arith.select %gt3A_637, %broadcast_in_dim3A_639, %select_n3A_596 : vector<16xi1>, vector<16xi32>
      %add3A_641 = arith.constant 160 : i32
      %add3A_642 = arith.addi %add3A_532, %add3A_641 : i32
      %get3A_643 = arith.constant 0 : i32
      %get3A_644 = arith.index_cast %get3A_643 : i32 to index
      %get3A_645 = arith.index_cast %add3A_642 : i32 to index
      %get3A_646 = tpu.vector_load %arg4[%get3A_644, %get3A_645] {strides = array<i32>} : memref<2x32768xf32, #tpu.memory_space<vmem>>, vector<1x16xf32>,
      %get3A_647 = vector.shape_cast %get3A_646 : vector<1x16xf32> to vector<16xf32>
      %gt3A_648 = arith.cmpf ogt, %get3A_647, %max3A_605 : vector<16xf32>
      %max3A_649 = arith.maximumf %get3A_647, %max3A_605 : vector<16xf32>
      %broadcast_in_dim3A_650 = vector.broadcast %add3A_642 : i32 to vector<16xi32>
      %select_n3A_651 = arith.select %gt3A_648, %broadcast_in_dim3A_650, %select_n3A_607 : vector<16xi1>, vector<16xi32>
      %add3A_652 = arith.constant 176 : i32
      %add3A_653 = arith.addi %add3A_532, %add3A_652 : i32
      %get3A_654 = arith.constant 0 : i32
      %get3A_655 = arith.index_cast %get3A_654 : i32 to index
      %get3A_656 = arith.index_cast %add3A_653 : i32 to index
      %get3A_657 = tpu.vector_load %arg4[%get3A_655, %get3A_656] {strides = array<i32>} : memref<2x32768xf32, #tpu.memory_space<vmem>>, vector<1x16xf32>,
      %get3A_658 = vector.shape_cast %get3A_657 : vector<1x16xf32> to vector<16xf32>
      %gt3A_659 = arith.cmpf ogt, %get3A_658, %max3A_616 : vector<16xf32>
      %max3A_660 = arith.maximumf %get3A_658, %max3A_616 : vector<16xf32>
      %broadcast_in_dim3A_661 = vector.broadcast %add3A_653 : i32 to vector<16xi32>
      %select_n3A_662 = arith.select %gt3A_659, %broadcast_in_dim3A_661, %select_n3A_618 : vector<16xi1>, vector<16xi32>
      %add3A_663 = arith.constant 192 : i32
      %add3A_664 = arith.addi %add3A_532, %add3A_663 : i32
      %get3A_665 = arith.constant 0 : i32
      %get3A_666 = arith.index_cast %get3A_665 : i32 to index
      %get3A_667 = arith.index_cast %add3A_664 : i32 to index
      %get3A_668 = tpu.vector_load %arg4[%get3A_666, %get3A_667] {strides = array<i32>} : memref<2x32768xf32, #tpu.memory_space<vmem>>, vector<1x16xf32>,
      %get3A_669 = vector.shape_cast %get3A_668 : vector<1x16xf32> to vector<16xf32>
      %gt3A_670 = arith.cmpf ogt, %get3A_669, %max3A_627 : vector<16xf32>
      %max3A_671 = arith.maximumf %get3A_669, %max3A_627 : vector<16xf32>
      %broadcast_in_dim3A_672 = vector.broadcast %add3A_664 : i32 to vector<16xi32>
      %select_n3A_673 = arith.select %gt3A_670, %broadcast_in_dim3A_672, %select_n3A_629 : vector<16xi1>, vector<16xi32>
      %add3A_674 = arith.constant 208 : i32
      %add3A_675 = arith.addi %add3A_532, %add3A_674 : i32
      %get3A_676 = arith.constant 0 : i32
      %get3A_677 = arith.index_cast %get3A_676 : i32 to index
      %get3A_678 = arith.index_cast %add3A_675 : i32 to index
      %get3A_679 = tpu.vector_load %arg4[%get3A_677, %get3A_678] {strides = array<i32>} : memref<2x32768xf32, #tpu.memory_space<vmem>>, vector<1x16xf32>,
      %get3A_680 = vector.shape_cast %get3A_679 : vector<1x16xf32> to vector<16xf32>
      %gt3A_681 = arith.cmpf ogt, %get3A_680, %max3A_638 : vector<16xf32>
      %max3A_682 = arith.maximumf %get3A_680, %max3A_638 : vector<16xf32>
      %broadcast_in_dim3A_683 = vector.broadcast %add3A_675 : i32 to vector<16xi32>
      %select_n3A_684 = arith.select %gt3A_681, %broadcast_in_dim3A_683, %select_n3A_640 : vector<16xi1>, vector<16xi32>
      %add3A_685 = arith.constant 224 : i32
      %add3A_686 = arith.addi %add3A_532, %add3A_685 : i32
      %get3A_687 = arith.constant 0 : i32
      %get3A_688 = arith.index_cast %get3A_687 : i32 to index
      %get3A_689 = arith.index_cast %add3A_686 : i32 to index
      %get3A_690 = tpu.vector_load %arg4[%get3A_688, %get3A_689] {strides = array<i32>} : memref<2x32768xf32, #tpu.memory_space<vmem>>, vector<1x16xf32>,
      %get3A_691 = vector.shape_cast %get3A_690 : vector<1x16xf32> to vector<16xf32>
      %gt3A_692 = arith.cmpf ogt, %get3A_691, %max3A_649 : vector<16xf32>
      %max3A_693 = arith.maximumf %get3A_691, %max3A_649 : vector<16xf32>
      %broadcast_in_dim3A_694 = vector.broadcast %add3A_686 : i32 to vector<16xi32>
      %select_n3A_695 = arith.select %gt3A_692, %broadcast_in_dim3A_694, %select_n3A_651 : vector<16xi1>, vector<16xi32>
      %add3A_696 = arith.constant 240 : i32
      %add3A_697 = arith.addi %add3A_532, %add3A_696 : i32
      %get3A_698 = arith.constant 0 : i32
      %get3A_699 = arith.index_cast %get3A_698 : i32 to index
      %get3A_700 = arith.index_cast %add3A_697 : i32 to index
      %get3A_701 = tpu.vector_load %arg4[%get3A_699, %get3A_700] {strides = array<i32>} : memref<2x32768xf32, #tpu.memory_space<vmem>>, vector<1x16xf32>,
      %get3A_702 = vector.shape_cast %get3A_701 : vector<1x16xf32> to vector<16xf32>
      %gt3A_703 = arith.cmpf ogt, %get3A_702, %max3A_660 : vector<16xf32>
      %max3A_704 = arith.maximumf %get3A_702, %max3A_660 : vector<16xf32>
      %broadcast_in_dim3A_705 = vector.broadcast %add3A_697 : i32 to vector<16xi32>
      %select_n3A_706 = arith.select %gt3A_703, %broadcast_in_dim3A_705, %select_n3A_662 : vector<16xi1>, vector<16xi32>
      scf.yield %max3A_671, %max3A_682, %max3A_693, %max3A_704, %select_n3A_673, %select_n3A_684, %select_n3A_695, %select_n3A_706 : vector<16xf32>, vector<16xf32>, vector<16xf32>, vector<16xf32>, vector<16xi32>, vector<16xi32>, vector<16xi32>, vector<16xi32>
    }
    %scan3A_116 = arith.constant 32 : i32
    %dma_wait3A_117 = arith.constant 0 : i32
    %dma_wait3A_118 = arith.constant 8192 : i32
    %dma_wait3A_119 = tpu.memref_slice %arg4[%dma_wait3A_117, %dma_wait3A_118] : memref<2x32768xf32, #tpu.memory_space<vmem>> -> memref<1x8192xf32, #tpu.memory_space<vmem>>
    %dma_wait3A_120 = arith.constant 8192 : i32
    %dma_wait3A_121 = tpu.memref_slice %arg2[%add3A_15, %dma_wait3A_120] : memref<64x32768xf32, #tpu.memory_space<hbm>> -> memref<1x8192xf32, #tpu.memory_space<hbm>>
    %dma_wait3A_122 = arith.constant 0 : i32
    %dma_wait3A_123 = arith.constant 8192 : i32
    %dma_wait3A_124 = tpu.memref_slice %arg4[%dma_wait3A_122, %dma_wait3A_123] : memref<2x32768xf32, #tpu.memory_space<vmem>> -> memref<1x8192xf32, #tpu.memory_space<vmem>>
    %dma_wait3A_125 = arith.constant 8192 : i32
    %dma_wait3A_126 = tpu.memref_slice %arg2[%add3A_15, %dma_wait3A_125] : memref<64x32768xf32, #tpu.memory_space<hbm>> -> memref<1x8192xf32, #tpu.memory_space<hbm>>
    tpu.wait_dma2 semaphore(%arg7 : memref<!tpu.dma_semaphore, #tpu.memory_space<semaphore_mem>>) src(%dma_wait3A_126 : memref<1x8192xf32, #tpu.memory_space<hbm>>) dst(%dma_wait3A_124 : memref<1x8192xf32, #tpu.memory_space<vmem>>)
    %scan3A_127 = arith.constant 0 : i32
    %scan3A_128 = arith.constant 32 : i32
    %scan3A_129 = arith.addi %scan3A_127, %scan3A_128 : i32
    %scan3A_130 = arith.constant 1 : i32
    %scan3A_131:8 = scf.for %scan3A_520 = %scan3A_127 to %scan3A_129 step %scan3A_130 iter_args(%scan3A_521 = %scan3A_115#0, %scan3A_522 = %scan3A_115#1, %scan3A_523 = %scan3A_115#2, %scan3A_524 = %scan3A_115#3, %scan3A_525 = %scan3A_115#4, %scan3A_526 = %scan3A_115#5, %scan3A_527 = %scan3A_115#6, %scan3A_528 = %scan3A_115#7) -> (vector<16xf32>, vector<16xf32>, vector<16xf32>, vector<16xf32>, vector<16xi32>, vector<16xi32>, vector<16xi32>, vector<16xi32>)  : i32 {
      %mul3A_529 = arith.constant 256 : i32
      %mul3A_530 = arith.muli %scan3A_520, %mul3A_529 : i32
      %add3A_531 = arith.constant 8192 : i32
      %add3A_532 = arith.addi %add3A_531, %mul3A_530 : i32
      %add3A_533 = arith.constant 0 : i32
      %add3A_534 = arith.addi %add3A_532, %add3A_533 : i32
      %get3A = arith.constant 0 : i32
      %get3A_535 = arith.index_cast %get3A : i32 to index
      %get3A_536 = arith.index_cast %add3A_534 : i32 to index
      %get3A_537 = tpu.vector_load %arg4[%get3A_535, %get3A_536] {strides = array<i32>} : memref<2x32768xf32, #tpu.memory_space<vmem>>, vector<1x16xf32>,
      %get3A_538 = vector.shape_cast %get3A_537 : vector<1x16xf32> to vector<16xf32>
      %gt3A_539 = arith.cmpf ogt, %get3A_538, %scan3A_521 : vector<16xf32>
      %max3A = arith.maximumf %get3A_538, %scan3A_521 : vector<16xf32>
      %broadcast_in_dim3A_540 = vector.broadcast %add3A_534 : i32 to vector<16xi32>
      %select_n3A_541 = arith.select %gt3A_539, %broadcast_in_dim3A_540, %scan3A_525 : vector<16xi1>, vector<16xi32>
      %add3A_542 = arith.constant 16 : i32
      %add3A_543 = arith.addi %add3A_532, %add3A_542 : i32
      %get3A_544 = arith.constant 0 : i32
      %get3A_545 = arith.index_cast %get3A_544 : i32 to index
      %get3A_546 = arith.index_cast %add3A_543 : i32 to index
      %get3A_547 = tpu.vector_load %arg4[%get3A_545, %get3A_546] {strides = array<i32>} : memref<2x32768xf32, #tpu.memory_space<vmem>>, vector<1x16xf32>,
      %get3A_548 = vector.shape_cast %get3A_547 : vector<1x16xf32> to vector<16xf32>
      %gt3A_549 = arith.cmpf ogt, %get3A_548, %scan3A_522 : vector<16xf32>
      %max3A_550 = arith.maximumf %get3A_548, %scan3A_522 : vector<16xf32>
      %broadcast_in_dim3A_551 = vector.broadcast %add3A_543 : i32 to vector<16xi32>
      %select_n3A_552 = arith.select %gt3A_549, %broadcast_in_dim3A_551, %scan3A_526 : vector<16xi1>, vector<16xi32>
      %add3A_553 = arith.constant 32 : i32
      %add3A_554 = arith.addi %add3A_532, %add3A_553 : i32
      %get3A_555 = arith.constant 0 : i32
      %get3A_556 = arith.index_cast %get3A_555 : i32 to index
      %get3A_557 = arith.index_cast %add3A_554 : i32 to index
      %get3A_558 = tpu.vector_load %arg4[%get3A_556, %get3A_557] {strides = array<i32>} : memref<2x32768xf32, #tpu.memory_space<vmem>>, vector<1x16xf32>,
      %get3A_559 = vector.shape_cast %get3A_558 : vector<1x16xf32> to vector<16xf32>
      %gt3A_560 = arith.cmpf ogt, %get3A_559, %scan3A_523 : vector<16xf32>
      %max3A_561 = arith.maximumf %get3A_559, %scan3A_523 : vector<16xf32>
      %broadcast_in_dim3A_562 = vector.broadcast %add3A_554 : i32 to vector<16xi32>
      %select_n3A_563 = arith.select %gt3A_560, %broadcast_in_dim3A_562, %scan3A_527 : vector<16xi1>, vector<16xi32>
      %add3A_564 = arith.constant 48 : i32
      %add3A_565 = arith.addi %add3A_532, %add3A_564 : i32
      %get3A_566 = arith.constant 0 : i32
      %get3A_567 = arith.index_cast %get3A_566 : i32 to index
      %get3A_568 = arith.index_cast %add3A_565 : i32 to index
      %get3A_569 = tpu.vector_load %arg4[%get3A_567, %get3A_568] {strides = array<i32>} : memref<2x32768xf32, #tpu.memory_space<vmem>>, vector<1x16xf32>,
      %get3A_570 = vector.shape_cast %get3A_569 : vector<1x16xf32> to vector<16xf32>
      %gt3A_571 = arith.cmpf ogt, %get3A_570, %scan3A_524 : vector<16xf32>
      %max3A_572 = arith.maximumf %get3A_570, %scan3A_524 : vector<16xf32>
      %broadcast_in_dim3A_573 = vector.broadcast %add3A_565 : i32 to vector<16xi32>
      %select_n3A_574 = arith.select %gt3A_571, %broadcast_in_dim3A_573, %scan3A_528 : vector<16xi1>, vector<16xi32>
      %add3A_575 = arith.constant 64 : i32
      %add3A_576 = arith.addi %add3A_532, %add3A_575 : i32
      %get3A_577 = arith.constant 0 : i32
      %get3A_578 = arith.index_cast %get3A_577 : i32 to index
      %get3A_579 = arith.index_cast %add3A_576 : i32 to index
      %get3A_580 = tpu.vector_load %arg4[%get3A_578, %get3A_579] {strides = array<i32>} : memref<2x32768xf32, #tpu.memory_space<vmem>>, vector<1x16xf32>,
      %get3A_581 = vector.shape_cast %get3A_580 : vector<1x16xf32> to vector<16xf32>
      %gt3A_582 = arith.cmpf ogt, %get3A_581, %max3A : vector<16xf32>
      %max3A_583 = arith.maximumf %get3A_581, %max3A : vector<16xf32>
      %broadcast_in_dim3A_584 = vector.broadcast %add3A_576 : i32 to vector<16xi32>
      %select_n3A_585 = arith.select %gt3A_582, %broadcast_in_dim3A_584, %select_n3A_541 : vector<16xi1>, vector<16xi32>
      %add3A_586 = arith.constant 80 : i32
      %add3A_587 = arith.addi %add3A_532, %add3A_586 : i32
      %get3A_588 = arith.constant 0 : i32
      %get3A_589 = arith.index_cast %get3A_588 : i32 to index
      %get3A_590 = arith.index_cast %add3A_587 : i32 to index
      %get3A_591 = tpu.vector_load %arg4[%get3A_589, %get3A_590] {strides = array<i32>} : memref<2x32768xf32, #tpu.memory_space<vmem>>, vector<1x16xf32>,
      %get3A_592 = vector.shape_cast %get3A_591 : vector<1x16xf32> to vector<16xf32>
      %gt3A_593 = arith.cmpf ogt, %get3A_592, %max3A_550 : vector<16xf32>
      %max3A_594 = arith.maximumf %get3A_592, %max3A_550 : vector<16xf32>
      %broadcast_in_dim3A_595 = vector.broadcast %add3A_587 : i32 to vector<16xi32>
      %select_n3A_596 = arith.select %gt3A_593, %broadcast_in_dim3A_595, %select_n3A_552 : vector<16xi1>, vector<16xi32>
      %add3A_597 = arith.constant 96 : i32
      %add3A_598 = arith.addi %add3A_532, %add3A_597 : i32
      %get3A_599 = arith.constant 0 : i32
      %get3A_600 = arith.index_cast %get3A_599 : i32 to index
      %get3A_601 = arith.index_cast %add3A_598 : i32 to index
      %get3A_602 = tpu.vector_load %arg4[%get3A_600, %get3A_601] {strides = array<i32>} : memref<2x32768xf32, #tpu.memory_space<vmem>>, vector<1x16xf32>,
      %get3A_603 = vector.shape_cast %get3A_602 : vector<1x16xf32> to vector<16xf32>
      %gt3A_604 = arith.cmpf ogt, %get3A_603, %max3A_561 : vector<16xf32>
      %max3A_605 = arith.maximumf %get3A_603, %max3A_561 : vector<16xf32>
      %broadcast_in_dim3A_606 = vector.broadcast %add3A_598 : i32 to vector<16xi32>
      %select_n3A_607 = arith.select %gt3A_604, %broadcast_in_dim3A_606, %select_n3A_563 : vector<16xi1>, vector<16xi32>
      %add3A_608 = arith.constant 112 : i32
      %add3A_609 = arith.addi %add3A_532, %add3A_608 : i32
      %get3A_610 = arith.constant 0 : i32
      %get3A_611 = arith.index_cast %get3A_610 : i32 to index
      %get3A_612 = arith.index_cast %add3A_609 : i32 to index
      %get3A_613 = tpu.vector_load %arg4[%get3A_611, %get3A_612] {strides = array<i32>} : memref<2x32768xf32, #tpu.memory_space<vmem>>, vector<1x16xf32>,
      %get3A_614 = vector.shape_cast %get3A_613 : vector<1x16xf32> to vector<16xf32>
      %gt3A_615 = arith.cmpf ogt, %get3A_614, %max3A_572 : vector<16xf32>
      %max3A_616 = arith.maximumf %get3A_614, %max3A_572 : vector<16xf32>
      %broadcast_in_dim3A_617 = vector.broadcast %add3A_609 : i32 to vector<16xi32>
      %select_n3A_618 = arith.select %gt3A_615, %broadcast_in_dim3A_617, %select_n3A_574 : vector<16xi1>, vector<16xi32>
      %add3A_619 = arith.constant 128 : i32
      %add3A_620 = arith.addi %add3A_532, %add3A_619 : i32
      %get3A_621 = arith.constant 0 : i32
      %get3A_622 = arith.index_cast %get3A_621 : i32 to index
      %get3A_623 = arith.index_cast %add3A_620 : i32 to index
      %get3A_624 = tpu.vector_load %arg4[%get3A_622, %get3A_623] {strides = array<i32>} : memref<2x32768xf32, #tpu.memory_space<vmem>>, vector<1x16xf32>,
      %get3A_625 = vector.shape_cast %get3A_624 : vector<1x16xf32> to vector<16xf32>
      %gt3A_626 = arith.cmpf ogt, %get3A_625, %max3A_583 : vector<16xf32>
      %max3A_627 = arith.maximumf %get3A_625, %max3A_583 : vector<16xf32>
      %broadcast_in_dim3A_628 = vector.broadcast %add3A_620 : i32 to vector<16xi32>
      %select_n3A_629 = arith.select %gt3A_626, %broadcast_in_dim3A_628, %select_n3A_585 : vector<16xi1>, vector<16xi32>
      %add3A_630 = arith.constant 144 : i32
      %add3A_631 = arith.addi %add3A_532, %add3A_630 : i32
      %get3A_632 = arith.constant 0 : i32
      %get3A_633 = arith.index_cast %get3A_632 : i32 to index
      %get3A_634 = arith.index_cast %add3A_631 : i32 to index
      %get3A_635 = tpu.vector_load %arg4[%get3A_633, %get3A_634] {strides = array<i32>} : memref<2x32768xf32, #tpu.memory_space<vmem>>, vector<1x16xf32>,
      %get3A_636 = vector.shape_cast %get3A_635 : vector<1x16xf32> to vector<16xf32>
      %gt3A_637 = arith.cmpf ogt, %get3A_636, %max3A_594 : vector<16xf32>
      %max3A_638 = arith.maximumf %get3A_636, %max3A_594 : vector<16xf32>
      %broadcast_in_dim3A_639 = vector.broadcast %add3A_631 : i32 to vector<16xi32>
      %select_n3A_640 = arith.select %gt3A_637, %broadcast_in_dim3A_639, %select_n3A_596 : vector<16xi1>, vector<16xi32>
      %add3A_641 = arith.constant 160 : i32
      %add3A_642 = arith.addi %add3A_532, %add3A_641 : i32
      %get3A_643 = arith.constant 0 : i32
      %get3A_644 = arith.index_cast %get3A_643 : i32 to index
      %get3A_645 = arith.index_cast %add3A_642 : i32 to index
      %get3A_646 = tpu.vector_load %arg4[%get3A_644, %get3A_645] {strides = array<i32>} : memref<2x32768xf32, #tpu.memory_space<vmem>>, vector<1x16xf32>,
      %get3A_647 = vector.shape_cast %get3A_646 : vector<1x16xf32> to vector<16xf32>
      %gt3A_648 = arith.cmpf ogt, %get3A_647, %max3A_605 : vector<16xf32>
      %max3A_649 = arith.maximumf %get3A_647, %max3A_605 : vector<16xf32>
      %broadcast_in_dim3A_650 = vector.broadcast %add3A_642 : i32 to vector<16xi32>
      %select_n3A_651 = arith.select %gt3A_648, %broadcast_in_dim3A_650, %select_n3A_607 : vector<16xi1>, vector<16xi32>
      %add3A_652 = arith.constant 176 : i32
      %add3A_653 = arith.addi %add3A_532, %add3A_652 : i32
      %get3A_654 = arith.constant 0 : i32
      %get3A_655 = arith.index_cast %get3A_654 : i32 to index
      %get3A_656 = arith.index_cast %add3A_653 : i32 to index
      %get3A_657 = tpu.vector_load %arg4[%get3A_655, %get3A_656] {strides = array<i32>} : memref<2x32768xf32, #tpu.memory_space<vmem>>, vector<1x16xf32>,
      %get3A_658 = vector.shape_cast %get3A_657 : vector<1x16xf32> to vector<16xf32>
      %gt3A_659 = arith.cmpf ogt, %get3A_658, %max3A_616 : vector<16xf32>
      %max3A_660 = arith.maximumf %get3A_658, %max3A_616 : vector<16xf32>
      %broadcast_in_dim3A_661 = vector.broadcast %add3A_653 : i32 to vector<16xi32>
      %select_n3A_662 = arith.select %gt3A_659, %broadcast_in_dim3A_661, %select_n3A_618 : vector<16xi1>, vector<16xi32>
      %add3A_663 = arith.constant 192 : i32
      %add3A_664 = arith.addi %add3A_532, %add3A_663 : i32
      %get3A_665 = arith.constant 0 : i32
      %get3A_666 = arith.index_cast %get3A_665 : i32 to index
      %get3A_667 = arith.index_cast %add3A_664 : i32 to index
      %get3A_668 = tpu.vector_load %arg4[%get3A_666, %get3A_667] {strides = array<i32>} : memref<2x32768xf32, #tpu.memory_space<vmem>>, vector<1x16xf32>,
      %get3A_669 = vector.shape_cast %get3A_668 : vector<1x16xf32> to vector<16xf32>
      %gt3A_670 = arith.cmpf ogt, %get3A_669, %max3A_627 : vector<16xf32>
      %max3A_671 = arith.maximumf %get3A_669, %max3A_627 : vector<16xf32>
      %broadcast_in_dim3A_672 = vector.broadcast %add3A_664 : i32 to vector<16xi32>
      %select_n3A_673 = arith.select %gt3A_670, %broadcast_in_dim3A_672, %select_n3A_629 : vector<16xi1>, vector<16xi32>
      %add3A_674 = arith.constant 208 : i32
      %add3A_675 = arith.addi %add3A_532, %add3A_674 : i32
      %get3A_676 = arith.constant 0 : i32
      %get3A_677 = arith.index_cast %get3A_676 : i32 to index
      %get3A_678 = arith.index_cast %add3A_675 : i32 to index
      %get3A_679 = tpu.vector_load %arg4[%get3A_677, %get3A_678] {strides = array<i32>} : memref<2x32768xf32, #tpu.memory_space<vmem>>, vector<1x16xf32>,
      %get3A_680 = vector.shape_cast %get3A_679 : vector<1x16xf32> to vector<16xf32>
      %gt3A_681 = arith.cmpf ogt, %get3A_680, %max3A_638 : vector<16xf32>
      %max3A_682 = arith.maximumf %get3A_680, %max3A_638 : vector<16xf32>
      %broadcast_in_dim3A_683 = vector.broadcast %add3A_675 : i32 to vector<16xi32>
      %select_n3A_684 = arith.select %gt3A_681, %broadcast_in_dim3A_683, %select_n3A_640 : vector<16xi1>, vector<16xi32>
      %add3A_685 = arith.constant 224 : i32
      %add3A_686 = arith.addi %add3A_532, %add3A_685 : i32
      %get3A_687 = arith.constant 0 : i32
      %get3A_688 = arith.index_cast %get3A_687 : i32 to index
      %get3A_689 = arith.index_cast %add3A_686 : i32 to index
      %get3A_690 = tpu.vector_load %arg4[%get3A_688, %get3A_689] {strides = array<i32>} : memref<2x32768xf32, #tpu.memory_space<vmem>>, vector<1x16xf32>,
      %get3A_691 = vector.shape_cast %get3A_690 : vector<1x16xf32> to vector<16xf32>
      %gt3A_692 = arith.cmpf ogt, %get3A_691, %max3A_649 : vector<16xf32>
      %max3A_693 = arith.maximumf %get3A_691, %max3A_649 : vector<16xf32>
      %broadcast_in_dim3A_694 = vector.broadcast %add3A_686 : i32 to vector<16xi32>
      %select_n3A_695 = arith.select %gt3A_692, %broadcast_in_dim3A_694, %select_n3A_651 : vector<16xi1>, vector<16xi32>
      %add3A_696 = arith.constant 240 : i32
      %add3A_697 = arith.addi %add3A_532, %add3A_696 : i32
      %get3A_698 = arith.constant 0 : i32
      %get3A_699 = arith.index_cast %get3A_698 : i32 to index
      %get3A_700 = arith.index_cast %add3A_697 : i32 to index
      %get3A_701 = tpu.vector_load %arg4[%get3A_699, %get3A_700] {strides = array<i32>} : memref<2x32768xf32, #tpu.memory_space<vmem>>, vector<1x16xf32>,
      %get3A_702 = vector.shape_cast %get3A_701 : vector<1x16xf32> to vector<16xf32>
      %gt3A_703 = arith.cmpf ogt, %get3A_702, %max3A_660 : vector<16xf32>
      %max3A_704 = arith.maximumf %get3A_702, %max3A_660 : vector<16xf32>
      %broadcast_in_dim3A_705 = vector.broadcast %add3A_697 : i32 to vector<16xi32>
      %select_n3A_706 = arith.select %gt3A_703, %broadcast_in_dim3A_705, %select_n3A_662 : vector<16xi1>, vector<16xi32>
      scf.yield %max3A_671, %max3A_682, %max3A_693, %max3A_704, %select_n3A_673, %select_n3A_684, %select_n3A_695, %select_n3A_706 : vector<16xf32>, vector<16xf32>, vector<16xf32>, vector<16xf32>, vector<16xi32>, vector<16xi32>, vector<16xi32>, vector<16xi32>
    }
    %scan3A_132 = arith.constant 32 : i32
    %dma_wait3A_133 = arith.constant 0 : i32
    %dma_wait3A_134 = arith.constant 16384 : i32
    %dma_wait3A_135 = tpu.memref_slice %arg4[%dma_wait3A_133, %dma_wait3A_134] : memref<2x32768xf32, #tpu.memory_space<vmem>> -> memref<1x8192xf32, #tpu.memory_space<vmem>>
    %dma_wait3A_136 = arith.constant 16384 : i32
    %dma_wait3A_137 = tpu.memref_slice %arg2[%add3A_27, %dma_wait3A_136] : memref<64x32768xf32, #tpu.memory_space<hbm>> -> memref<1x8192xf32, #tpu.memory_space<hbm>>
    %dma_wait3A_138 = arith.constant 0 : i32
    %dma_wait3A_139 = arith.constant 16384 : i32
    %dma_wait3A_140 = tpu.memref_slice %arg4[%dma_wait3A_138, %dma_wait3A_139] : memref<2x32768xf32, #tpu.memory_space<vmem>> -> memref<1x8192xf32, #tpu.memory_space<vmem>>
    %dma_wait3A_141 = arith.constant 16384 : i32
    %dma_wait3A_142 = tpu.memref_slice %arg2[%add3A_27, %dma_wait3A_141] : memref<64x32768xf32, #tpu.memory_space<hbm>> -> memref<1x8192xf32, #tpu.memory_space<hbm>>
    tpu.wait_dma2 semaphore(%arg8 : memref<!tpu.dma_semaphore, #tpu.memory_space<semaphore_mem>>) src(%dma_wait3A_142 : memref<1x8192xf32, #tpu.memory_space<hbm>>) dst(%dma_wait3A_140 : memref<1x8192xf32, #tpu.memory_space<vmem>>)
    %scan3A_143 = arith.constant 0 : i32
    %scan3A_144 = arith.constant 32 : i32
    %scan3A_145 = arith.addi %scan3A_143, %scan3A_144 : i32
    %scan3A_146 = arith.constant 1 : i32
    %scan3A_147:8 = scf.for %scan3A_520 = %scan3A_143 to %scan3A_145 step %scan3A_146 iter_args(%scan3A_521 = %scan3A_131#0, %scan3A_522 = %scan3A_131#1, %scan3A_523 = %scan3A_131#2, %scan3A_524 = %scan3A_131#3, %scan3A_525 = %scan3A_131#4, %scan3A_526 = %scan3A_131#5, %scan3A_527 = %scan3A_131#6, %scan3A_528 = %scan3A_131#7) -> (vector<16xf32>, vector<16xf32>, vector<16xf32>, vector<16xf32>, vector<16xi32>, vector<16xi32>, vector<16xi32>, vector<16xi32>)  : i32 {
      %mul3A_529 = arith.constant 256 : i32
      %mul3A_530 = arith.muli %scan3A_520, %mul3A_529 : i32
      %add3A_531 = arith.constant 16384 : i32
      %add3A_532 = arith.addi %add3A_531, %mul3A_530 : i32
      %add3A_533 = arith.constant 0 : i32
      %add3A_534 = arith.addi %add3A_532, %add3A_533 : i32
      %get3A = arith.constant 0 : i32
      %get3A_535 = arith.index_cast %get3A : i32 to index
      %get3A_536 = arith.index_cast %add3A_534 : i32 to index
      %get3A_537 = tpu.vector_load %arg4[%get3A_535, %get3A_536] {strides = array<i32>} : memref<2x32768xf32, #tpu.memory_space<vmem>>, vector<1x16xf32>,
      %get3A_538 = vector.shape_cast %get3A_537 : vector<1x16xf32> to vector<16xf32>
      %gt3A_539 = arith.cmpf ogt, %get3A_538, %scan3A_521 : vector<16xf32>
      %max3A = arith.maximumf %get3A_538, %scan3A_521 : vector<16xf32>
      %broadcast_in_dim3A_540 = vector.broadcast %add3A_534 : i32 to vector<16xi32>
      %select_n3A_541 = arith.select %gt3A_539, %broadcast_in_dim3A_540, %scan3A_525 : vector<16xi1>, vector<16xi32>
      %add3A_542 = arith.constant 16 : i32
      %add3A_543 = arith.addi %add3A_532, %add3A_542 : i32
      %get3A_544 = arith.constant 0 : i32
      %get3A_545 = arith.index_cast %get3A_544 : i32 to index
      %get3A_546 = arith.index_cast %add3A_543 : i32 to index
      %get3A_547 = tpu.vector_load %arg4[%get3A_545, %get3A_546] {strides = array<i32>} : memref<2x32768xf32, #tpu.memory_space<vmem>>, vector<1x16xf32>,
      %get3A_548 = vector.shape_cast %get3A_547 : vector<1x16xf32> to vector<16xf32>
      %gt3A_549 = arith.cmpf ogt, %get3A_548, %scan3A_522 : vector<16xf32>
      %max3A_550 = arith.maximumf %get3A_548, %scan3A_522 : vector<16xf32>
      %broadcast_in_dim3A_551 = vector.broadcast %add3A_543 : i32 to vector<16xi32>
      %select_n3A_552 = arith.select %gt3A_549, %broadcast_in_dim3A_551, %scan3A_526 : vector<16xi1>, vector<16xi32>
      %add3A_553 = arith.constant 32 : i32
      %add3A_554 = arith.addi %add3A_532, %add3A_553 : i32
      %get3A_555 = arith.constant 0 : i32
      %get3A_556 = arith.index_cast %get3A_555 : i32 to index
      %get3A_557 = arith.index_cast %add3A_554 : i32 to index
      %get3A_558 = tpu.vector_load %arg4[%get3A_556, %get3A_557] {strides = array<i32>} : memref<2x32768xf32, #tpu.memory_space<vmem>>, vector<1x16xf32>,
      %get3A_559 = vector.shape_cast %get3A_558 : vector<1x16xf32> to vector<16xf32>
      %gt3A_560 = arith.cmpf ogt, %get3A_559, %scan3A_523 : vector<16xf32>
      %max3A_561 = arith.maximumf %get3A_559, %scan3A_523 : vector<16xf32>
      %broadcast_in_dim3A_562 = vector.broadcast %add3A_554 : i32 to vector<16xi32>
      %select_n3A_563 = arith.select %gt3A_560, %broadcast_in_dim3A_562, %scan3A_527 : vector<16xi1>, vector<16xi32>
      %add3A_564 = arith.constant 48 : i32
      %add3A_565 = arith.addi %add3A_532, %add3A_564 : i32
      %get3A_566 = arith.constant 0 : i32
      %get3A_567 = arith.index_cast %get3A_566 : i32 to index
      %get3A_568 = arith.index_cast %add3A_565 : i32 to index
      %get3A_569 = tpu.vector_load %arg4[%get3A_567, %get3A_568] {strides = array<i32>} : memref<2x32768xf32, #tpu.memory_space<vmem>>, vector<1x16xf32>,
      %get3A_570 = vector.shape_cast %get3A_569 : vector<1x16xf32> to vector<16xf32>
      %gt3A_571 = arith.cmpf ogt, %get3A_570, %scan3A_524 : vector<16xf32>
      %max3A_572 = arith.maximumf %get3A_570, %scan3A_524 : vector<16xf32>
      %broadcast_in_dim3A_573 = vector.broadcast %add3A_565 : i32 to vector<16xi32>
      %select_n3A_574 = arith.select %gt3A_571, %broadcast_in_dim3A_573, %scan3A_528 : vector<16xi1>, vector<16xi32>
      %add3A_575 = arith.constant 64 : i32
      %add3A_576 = arith.addi %add3A_532, %add3A_575 : i32
      %get3A_577 = arith.constant 0 : i32
      %get3A_578 = arith.index_cast %get3A_577 : i32 to index
      %get3A_579 = arith.index_cast %add3A_576 : i32 to index
      %get3A_580 = tpu.vector_load %arg4[%get3A_578, %get3A_579] {strides = array<i32>} : memref<2x32768xf32, #tpu.memory_space<vmem>>, vector<1x16xf32>,
      %get3A_581 = vector.shape_cast %get3A_580 : vector<1x16xf32> to vector<16xf32>
      %gt3A_582 = arith.cmpf ogt, %get3A_581, %max3A : vector<16xf32>
      %max3A_583 = arith.maximumf %get3A_581, %max3A : vector<16xf32>
      %broadcast_in_dim3A_584 = vector.broadcast %add3A_576 : i32 to vector<16xi32>
      %select_n3A_585 = arith.select %gt3A_582, %broadcast_in_dim3A_584, %select_n3A_541 : vector<16xi1>, vector<16xi32>
      %add3A_586 = arith.constant 80 : i32
      %add3A_587 = arith.addi %add3A_532, %add3A_586 : i32
      %get3A_588 = arith.constant 0 : i32
      %get3A_589 = arith.index_cast %get3A_588 : i32 to index
      %get3A_590 = arith.index_cast %add3A_587 : i32 to index
      %get3A_591 = tpu.vector_load %arg4[%get3A_589, %get3A_590] {strides = array<i32>} : memref<2x32768xf32, #tpu.memory_space<vmem>>, vector<1x16xf32>,
      %get3A_592 = vector.shape_cast %get3A_591 : vector<1x16xf32> to vector<16xf32>
      %gt3A_593 = arith.cmpf ogt, %get3A_592, %max3A_550 : vector<16xf32>
      %max3A_594 = arith.maximumf %get3A_592, %max3A_550 : vector<16xf32>
      %broadcast_in_dim3A_595 = vector.broadcast %add3A_587 : i32 to vector<16xi32>
      %select_n3A_596 = arith.select %gt3A_593, %broadcast_in_dim3A_595, %select_n3A_552 : vector<16xi1>, vector<16xi32>
      %add3A_597 = arith.constant 96 : i32
      %add3A_598 = arith.addi %add3A_532, %add3A_597 : i32
      %get3A_599 = arith.constant 0 : i32
      %get3A_600 = arith.index_cast %get3A_599 : i32 to index
      %get3A_601 = arith.index_cast %add3A_598 : i32 to index
      %get3A_602 = tpu.vector_load %arg4[%get3A_600, %get3A_601] {strides = array<i32>} : memref<2x32768xf32, #tpu.memory_space<vmem>>, vector<1x16xf32>,
      %get3A_603 = vector.shape_cast %get3A_602 : vector<1x16xf32> to vector<16xf32>
      %gt3A_604 = arith.cmpf ogt, %get3A_603, %max3A_561 : vector<16xf32>
      %max3A_605 = arith.maximumf %get3A_603, %max3A_561 : vector<16xf32>
      %broadcast_in_dim3A_606 = vector.broadcast %add3A_598 : i32 to vector<16xi32>
      %select_n3A_607 = arith.select %gt3A_604, %broadcast_in_dim3A_606, %select_n3A_563 : vector<16xi1>, vector<16xi32>
      %add3A_608 = arith.constant 112 : i32
      %add3A_609 = arith.addi %add3A_532, %add3A_608 : i32
      %get3A_610 = arith.constant 0 : i32
      %get3A_611 = arith.index_cast %get3A_610 : i32 to index
      %get3A_612 = arith.index_cast %add3A_609 : i32 to index
      %get3A_613 = tpu.vector_load %arg4[%get3A_611, %get3A_612] {strides = array<i32>} : memref<2x32768xf32, #tpu.memory_space<vmem>>, vector<1x16xf32>,
      %get3A_614 = vector.shape_cast %get3A_613 : vector<1x16xf32> to vector<16xf32>
      %gt3A_615 = arith.cmpf ogt, %get3A_614, %max3A_572 : vector<16xf32>
      %max3A_616 = arith.maximumf %get3A_614, %max3A_572 : vector<16xf32>
      %broadcast_in_dim3A_617 = vector.broadcast %add3A_609 : i32 to vector<16xi32>
      %select_n3A_618 = arith.select %gt3A_615, %broadcast_in_dim3A_617, %select_n3A_574 : vector<16xi1>, vector<16xi32>
      %add3A_619 = arith.constant 128 : i32
      %add3A_620 = arith.addi %add3A_532, %add3A_619 : i32
      %get3A_621 = arith.constant 0 : i32
      %get3A_622 = arith.index_cast %get3A_621 : i32 to index
      %get3A_623 = arith.index_cast %add3A_620 : i32 to index
      %get3A_624 = tpu.vector_load %arg4[%get3A_622, %get3A_623] {strides = array<i32>} : memref<2x32768xf32, #tpu.memory_space<vmem>>, vector<1x16xf32>,
      %get3A_625 = vector.shape_cast %get3A_624 : vector<1x16xf32> to vector<16xf32>
      %gt3A_626 = arith.cmpf ogt, %get3A_625, %max3A_583 : vector<16xf32>
      %max3A_627 = arith.maximumf %get3A_625, %max3A_583 : vector<16xf32>
      %broadcast_in_dim3A_628 = vector.broadcast %add3A_620 : i32 to vector<16xi32>
      %select_n3A_629 = arith.select %gt3A_626, %broadcast_in_dim3A_628, %select_n3A_585 : vector<16xi1>, vector<16xi32>
      %add3A_630 = arith.constant 144 : i32
      %add3A_631 = arith.addi %add3A_532, %add3A_630 : i32
      %get3A_632 = arith.constant 0 : i32
      %get3A_633 = arith.index_cast %get3A_632 : i32 to index
      %get3A_634 = arith.index_cast %add3A_631 : i32 to index
      %get3A_635 = tpu.vector_load %arg4[%get3A_633, %get3A_634] {strides = array<i32>} : memref<2x32768xf32, #tpu.memory_space<vmem>>, vector<1x16xf32>,
      %get3A_636 = vector.shape_cast %get3A_635 : vector<1x16xf32> to vector<16xf32>
      %gt3A_637 = arith.cmpf ogt, %get3A_636, %max3A_594 : vector<16xf32>
      %max3A_638 = arith.maximumf %get3A_636, %max3A_594 : vector<16xf32>
      %broadcast_in_dim3A_639 = vector.broadcast %add3A_631 : i32 to vector<16xi32>
      %select_n3A_640 = arith.select %gt3A_637, %broadcast_in_dim3A_639, %select_n3A_596 : vector<16xi1>, vector<16xi32>
      %add3A_641 = arith.constant 160 : i32
      %add3A_642 = arith.addi %add3A_532, %add3A_641 : i32
      %get3A_643 = arith.constant 0 : i32
      %get3A_644 = arith.index_cast %get3A_643 : i32 to index
      %get3A_645 = arith.index_cast %add3A_642 : i32 to index
      %get3A_646 = tpu.vector_load %arg4[%get3A_644, %get3A_645] {strides = array<i32>} : memref<2x32768xf32, #tpu.memory_space<vmem>>, vector<1x16xf32>,
      %get3A_647 = vector.shape_cast %get3A_646 : vector<1x16xf32> to vector<16xf32>
      %gt3A_648 = arith.cmpf ogt, %get3A_647, %max3A_605 : vector<16xf32>
      %max3A_649 = arith.maximumf %get3A_647, %max3A_605 : vector<16xf32>
      %broadcast_in_dim3A_650 = vector.broadcast %add3A_642 : i32 to vector<16xi32>
      %select_n3A_651 = arith.select %gt3A_648, %broadcast_in_dim3A_650, %select_n3A_607 : vector<16xi1>, vector<16xi32>
      %add3A_652 = arith.constant 176 : i32
      %add3A_653 = arith.addi %add3A_532, %add3A_652 : i32
      %get3A_654 = arith.constant 0 : i32
      %get3A_655 = arith.index_cast %get3A_654 : i32 to index
      %get3A_656 = arith.index_cast %add3A_653 : i32 to index
      %get3A_657 = tpu.vector_load %arg4[%get3A_655, %get3A_656] {strides = array<i32>} : memref<2x32768xf32, #tpu.memory_space<vmem>>, vector<1x16xf32>,
      %get3A_658 = vector.shape_cast %get3A_657 : vector<1x16xf32> to vector<16xf32>
      %gt3A_659 = arith.cmpf ogt, %get3A_658, %max3A_616 : vector<16xf32>
      %max3A_660 = arith.maximumf %get3A_658, %max3A_616 : vector<16xf32>
      %broadcast_in_dim3A_661 = vector.broadcast %add3A_653 : i32 to vector<16xi32>
      %select_n3A_662 = arith.select %gt3A_659, %broadcast_in_dim3A_661, %select_n3A_618 : vector<16xi1>, vector<16xi32>
      %add3A_663 = arith.constant 192 : i32
      %add3A_664 = arith.addi %add3A_532, %add3A_663 : i32
      %get3A_665 = arith.constant 0 : i32
      %get3A_666 = arith.index_cast %get3A_665 : i32 to index
      %get3A_667 = arith.index_cast %add3A_664 : i32 to index
      %get3A_668 = tpu.vector_load %arg4[%get3A_666, %get3A_667] {strides = array<i32>} : memref<2x32768xf32, #tpu.memory_space<vmem>>, vector<1x16xf32>,
      %get3A_669 = vector.shape_cast %get3A_668 : vector<1x16xf32> to vector<16xf32>
      %gt3A_670 = arith.cmpf ogt, %get3A_669, %max3A_627 : vector<16xf32>
      %max3A_671 = arith.maximumf %get3A_669, %max3A_627 : vector<16xf32>
      %broadcast_in_dim3A_672 = vector.broadcast %add3A_664 : i32 to vector<16xi32>
      %select_n3A_673 = arith.select %gt3A_670, %broadcast_in_dim3A_672, %select_n3A_629 : vector<16xi1>, vector<16xi32>
      %add3A_674 = arith.constant 208 : i32
      %add3A_675 = arith.addi %add3A_532, %add3A_674 : i32
      %get3A_676 = arith.constant 0 : i32
      %get3A_677 = arith.index_cast %get3A_676 : i32 to index
      %get3A_678 = arith.index_cast %add3A_675 : i32 to index
      %get3A_679 = tpu.vector_load %arg4[%get3A_677, %get3A_678] {strides = array<i32>} : memref<2x32768xf32, #tpu.memory_space<vmem>>, vector<1x16xf32>,
      %get3A_680 = vector.shape_cast %get3A_679 : vector<1x16xf32> to vector<16xf32>
      %gt3A_681 = arith.cmpf ogt, %get3A_680, %max3A_638 : vector<16xf32>
      %max3A_682 = arith.maximumf %get3A_680, %max3A_638 : vector<16xf32>
      %broadcast_in_dim3A_683 = vector.broadcast %add3A_675 : i32 to vector<16xi32>
      %select_n3A_684 = arith.select %gt3A_681, %broadcast_in_dim3A_683, %select_n3A_640 : vector<16xi1>, vector<16xi32>
      %add3A_685 = arith.constant 224 : i32
      %add3A_686 = arith.addi %add3A_532, %add3A_685 : i32
      %get3A_687 = arith.constant 0 : i32
      %get3A_688 = arith.index_cast %get3A_687 : i32 to index
      %get3A_689 = arith.index_cast %add3A_686 : i32 to index
      %get3A_690 = tpu.vector_load %arg4[%get3A_688, %get3A_689] {strides = array<i32>} : memref<2x32768xf32, #tpu.memory_space<vmem>>, vector<1x16xf32>,
      %get3A_691 = vector.shape_cast %get3A_690 : vector<1x16xf32> to vector<16xf32>
      %gt3A_692 = arith.cmpf ogt, %get3A_691, %max3A_649 : vector<16xf32>
      %max3A_693 = arith.maximumf %get3A_691, %max3A_649 : vector<16xf32>
      %broadcast_in_dim3A_694 = vector.broadcast %add3A_686 : i32 to vector<16xi32>
      %select_n3A_695 = arith.select %gt3A_692, %broadcast_in_dim3A_694, %select_n3A_651 : vector<16xi1>, vector<16xi32>
      %add3A_696 = arith.constant 240 : i32
      %add3A_697 = arith.addi %add3A_532, %add3A_696 : i32
      %get3A_698 = arith.constant 0 : i32
      %get3A_699 = arith.index_cast %get3A_698 : i32 to index
      %get3A_700 = arith.index_cast %add3A_697 : i32 to index
      %get3A_701 = tpu.vector_load %arg4[%get3A_699, %get3A_700] {strides = array<i32>} : memref<2x32768xf32, #tpu.memory_space<vmem>>, vector<1x16xf32>,
      %get3A_702 = vector.shape_cast %get3A_701 : vector<1x16xf32> to vector<16xf32>
      %gt3A_703 = arith.cmpf ogt, %get3A_702, %max3A_660 : vector<16xf32>
      %max3A_704 = arith.maximumf %get3A_702, %max3A_660 : vector<16xf32>
      %broadcast_in_dim3A_705 = vector.broadcast %add3A_697 : i32 to vector<16xi32>
      %select_n3A_706 = arith.select %gt3A_703, %broadcast_in_dim3A_705, %select_n3A_662 : vector<16xi1>, vector<16xi32>
      scf.yield %max3A_671, %max3A_682, %max3A_693, %max3A_704, %select_n3A_673, %select_n3A_684, %select_n3A_695, %select_n3A_706 : vector<16xf32>, vector<16xf32>, vector<16xf32>, vector<16xf32>, vector<16xi32>, vector<16xi32>, vector<16xi32>, vector<16xi32>
    }
    %scan3A_148 = arith.constant 32 : i32
    %dma_wait3A_149 = arith.constant 0 : i32
    %dma_wait3A_150 = arith.constant 24576 : i32
    %dma_wait3A_151 = tpu.memref_slice %arg4[%dma_wait3A_149, %dma_wait3A_150] : memref<2x32768xf32, #tpu.memory_space<vmem>> -> memref<1x8192xf32, #tpu.memory_space<vmem>>
    %dma_wait3A_152 = arith.constant 24576 : i32
    %dma_wait3A_153 = tpu.memref_slice %arg2[%add3A_39, %dma_wait3A_152] : memref<64x32768xf32, #tpu.memory_space<hbm>> -> memref<1x8192xf32, #tpu.memory_space<hbm>>
    %dma_wait3A_154 = arith.constant 0 : i32
    %dma_wait3A_155 = arith.constant 24576 : i32
    %dma_wait3A_156 = tpu.memref_slice %arg4[%dma_wait3A_154, %dma_wait3A_155] : memref<2x32768xf32, #tpu.memory_space<vmem>> -> memref<1x8192xf32, #tpu.memory_space<vmem>>
    %dma_wait3A_157 = arith.constant 24576 : i32
    %dma_wait3A_158 = tpu.memref_slice %arg2[%add3A_39, %dma_wait3A_157] : memref<64x32768xf32, #tpu.memory_space<hbm>> -> memref<1x8192xf32, #tpu.memory_space<hbm>>
    tpu.wait_dma2 semaphore(%arg9 : memref<!tpu.dma_semaphore, #tpu.memory_space<semaphore_mem>>) src(%dma_wait3A_158 : memref<1x8192xf32, #tpu.memory_space<hbm>>) dst(%dma_wait3A_156 : memref<1x8192xf32, #tpu.memory_space<vmem>>)
    %scan3A_159 = arith.constant 0 : i32
    %scan3A_160 = arith.constant 32 : i32
    %scan3A_161 = arith.addi %scan3A_159, %scan3A_160 : i32
    %scan3A_162 = arith.constant 1 : i32
    %scan3A_163:8 = scf.for %scan3A_520 = %scan3A_159 to %scan3A_161 step %scan3A_162 iter_args(%scan3A_521 = %scan3A_147#0, %scan3A_522 = %scan3A_147#1, %scan3A_523 = %scan3A_147#2, %scan3A_524 = %scan3A_147#3, %scan3A_525 = %scan3A_147#4, %scan3A_526 = %scan3A_147#5, %scan3A_527 = %scan3A_147#6, %scan3A_528 = %scan3A_147#7) -> (vector<16xf32>, vector<16xf32>, vector<16xf32>, vector<16xf32>, vector<16xi32>, vector<16xi32>, vector<16xi32>, vector<16xi32>)  : i32 {
      %mul3A_529 = arith.constant 256 : i32
      %mul3A_530 = arith.muli %scan3A_520, %mul3A_529 : i32
      %add3A_531 = arith.constant 24576 : i32
      %add3A_532 = arith.addi %add3A_531, %mul3A_530 : i32
      %add3A_533 = arith.constant 0 : i32
      %add3A_534 = arith.addi %add3A_532, %add3A_533 : i32
      %get3A = arith.constant 0 : i32
      %get3A_535 = arith.index_cast %get3A : i32 to index
      %get3A_536 = arith.index_cast %add3A_534 : i32 to index
      %get3A_537 = tpu.vector_load %arg4[%get3A_535, %get3A_536] {strides = array<i32>} : memref<2x32768xf32, #tpu.memory_space<vmem>>, vector<1x16xf32>,
      %get3A_538 = vector.shape_cast %get3A_537 : vector<1x16xf32> to vector<16xf32>
      %gt3A_539 = arith.cmpf ogt, %get3A_538, %scan3A_521 : vector<16xf32>
      %max3A = arith.maximumf %get3A_538, %scan3A_521 : vector<16xf32>
      %broadcast_in_dim3A_540 = vector.broadcast %add3A_534 : i32 to vector<16xi32>
      %select_n3A_541 = arith.select %gt3A_539, %broadcast_in_dim3A_540, %scan3A_525 : vector<16xi1>, vector<16xi32>
      %add3A_542 = arith.constant 16 : i32
      %add3A_543 = arith.addi %add3A_532, %add3A_542 : i32
      %get3A_544 = arith.constant 0 : i32
      %get3A_545 = arith.index_cast %get3A_544 : i32 to index
      %get3A_546 = arith.index_cast %add3A_543 : i32 to index
      %get3A_547 = tpu.vector_load %arg4[%get3A_545, %get3A_546] {strides = array<i32>} : memref<2x32768xf32, #tpu.memory_space<vmem>>, vector<1x16xf32>,
      %get3A_548 = vector.shape_cast %get3A_547 : vector<1x16xf32> to vector<16xf32>
      %gt3A_549 = arith.cmpf ogt, %get3A_548, %scan3A_522 : vector<16xf32>
      %max3A_550 = arith.maximumf %get3A_548, %scan3A_522 : vector<16xf32>
      %broadcast_in_dim3A_551 = vector.broadcast %add3A_543 : i32 to vector<16xi32>
      %select_n3A_552 = arith.select %gt3A_549, %broadcast_in_dim3A_551, %scan3A_526 : vector<16xi1>, vector<16xi32>
      %add3A_553 = arith.constant 32 : i32
      %add3A_554 = arith.addi %add3A_532, %add3A_553 : i32
      %get3A_555 = arith.constant 0 : i32
      %get3A_556 = arith.index_cast %get3A_555 : i32 to index
      %get3A_557 = arith.index_cast %add3A_554 : i32 to index
      %get3A_558 = tpu.vector_load %arg4[%get3A_556, %get3A_557] {strides = array<i32>} : memref<2x32768xf32, #tpu.memory_space<vmem>>, vector<1x16xf32>,
      %get3A_559 = vector.shape_cast %get3A_558 : vector<1x16xf32> to vector<16xf32>
      %gt3A_560 = arith.cmpf ogt, %get3A_559, %scan3A_523 : vector<16xf32>
      %max3A_561 = arith.maximumf %get3A_559, %scan3A_523 : vector<16xf32>
      %broadcast_in_dim3A_562 = vector.broadcast %add3A_554 : i32 to vector<16xi32>
      %select_n3A_563 = arith.select %gt3A_560, %broadcast_in_dim3A_562, %scan3A_527 : vector<16xi1>, vector<16xi32>
      %add3A_564 = arith.constant 48 : i32
      %add3A_565 = arith.addi %add3A_532, %add3A_564 : i32
      %get3A_566 = arith.constant 0 : i32
      %get3A_567 = arith.index_cast %get3A_566 : i32 to index
      %get3A_568 = arith.index_cast %add3A_565 : i32 to index
      %get3A_569 = tpu.vector_load %arg4[%get3A_567, %get3A_568] {strides = array<i32>} : memref<2x32768xf32, #tpu.memory_space<vmem>>, vector<1x16xf32>,
      %get3A_570 = vector.shape_cast %get3A_569 : vector<1x16xf32> to vector<16xf32>
      %gt3A_571 = arith.cmpf ogt, %get3A_570, %scan3A_524 : vector<16xf32>
      %max3A_572 = arith.maximumf %get3A_570, %scan3A_524 : vector<16xf32>
      %broadcast_in_dim3A_573 = vector.broadcast %add3A_565 : i32 to vector<16xi32>
      %select_n3A_574 = arith.select %gt3A_571, %broadcast_in_dim3A_573, %scan3A_528 : vector<16xi1>, vector<16xi32>
      %add3A_575 = arith.constant 64 : i32
      %add3A_576 = arith.addi %add3A_532, %add3A_575 : i32
      %get3A_577 = arith.constant 0 : i32
      %get3A_578 = arith.index_cast %get3A_577 : i32 to index
      %get3A_579 = arith.index_cast %add3A_576 : i32 to index
      %get3A_580 = tpu.vector_load %arg4[%get3A_578, %get3A_579] {strides = array<i32>} : memref<2x32768xf32, #tpu.memory_space<vmem>>, vector<1x16xf32>,
      %get3A_581 = vector.shape_cast %get3A_580 : vector<1x16xf32> to vector<16xf32>
      %gt3A_582 = arith.cmpf ogt, %get3A_581, %max3A : vector<16xf32>
      %max3A_583 = arith.maximumf %get3A_581, %max3A : vector<16xf32>
      %broadcast_in_dim3A_584 = vector.broadcast %add3A_576 : i32 to vector<16xi32>
      %select_n3A_585 = arith.select %gt3A_582, %broadcast_in_dim3A_584, %select_n3A_541 : vector<16xi1>, vector<16xi32>
      %add3A_586 = arith.constant 80 : i32
      %add3A_587 = arith.addi %add3A_532, %add3A_586 : i32
      %get3A_588 = arith.constant 0 : i32
      %get3A_589 = arith.index_cast %get3A_588 : i32 to index
      %get3A_590 = arith.index_cast %add3A_587 : i32 to index
      %get3A_591 = tpu.vector_load %arg4[%get3A_589, %get3A_590] {strides = array<i32>} : memref<2x32768xf32, #tpu.memory_space<vmem>>, vector<1x16xf32>,
      %get3A_592 = vector.shape_cast %get3A_591 : vector<1x16xf32> to vector<16xf32>
      %gt3A_593 = arith.cmpf ogt, %get3A_592, %max3A_550 : vector<16xf32>
      %max3A_594 = arith.maximumf %get3A_592, %max3A_550 : vector<16xf32>
      %broadcast_in_dim3A_595 = vector.broadcast %add3A_587 : i32 to vector<16xi32>
      %select_n3A_596 = arith.select %gt3A_593, %broadcast_in_dim3A_595, %select_n3A_552 : vector<16xi1>, vector<16xi32>
      %add3A_597 = arith.constant 96 : i32
      %add3A_598 = arith.addi %add3A_532, %add3A_597 : i32
      %get3A_599 = arith.constant 0 : i32
      %get3A_600 = arith.index_cast %get3A_599 : i32 to index
      %get3A_601 = arith.index_cast %add3A_598 : i32 to index
      %get3A_602 = tpu.vector_load %arg4[%get3A_600, %get3A_601] {strides = array<i32>} : memref<2x32768xf32, #tpu.memory_space<vmem>>, vector<1x16xf32>,
      %get3A_603 = vector.shape_cast %get3A_602 : vector<1x16xf32> to vector<16xf32>
      %gt3A_604 = arith.cmpf ogt, %get3A_603, %max3A_561 : vector<16xf32>
      %max3A_605 = arith.maximumf %get3A_603, %max3A_561 : vector<16xf32>
      %broadcast_in_dim3A_606 = vector.broadcast %add3A_598 : i32 to vector<16xi32>
      %select_n3A_607 = arith.select %gt3A_604, %broadcast_in_dim3A_606, %select_n3A_563 : vector<16xi1>, vector<16xi32>
      %add3A_608 = arith.constant 112 : i32
      %add3A_609 = arith.addi %add3A_532, %add3A_608 : i32
      %get3A_610 = arith.constant 0 : i32
      %get3A_611 = arith.index_cast %get3A_610 : i32 to index
      %get3A_612 = arith.index_cast %add3A_609 : i32 to index
      %get3A_613 = tpu.vector_load %arg4[%get3A_611, %get3A_612] {strides = array<i32>} : memref<2x32768xf32, #tpu.memory_space<vmem>>, vector<1x16xf32>,
      %get3A_614 = vector.shape_cast %get3A_613 : vector<1x16xf32> to vector<16xf32>
      %gt3A_615 = arith.cmpf ogt, %get3A_614, %max3A_572 : vector<16xf32>
      %max3A_616 = arith.maximumf %get3A_614, %max3A_572 : vector<16xf32>
      %broadcast_in_dim3A_617 = vector.broadcast %add3A_609 : i32 to vector<16xi32>
      %select_n3A_618 = arith.select %gt3A_615, %broadcast_in_dim3A_617, %select_n3A_574 : vector<16xi1>, vector<16xi32>
      %add3A_619 = arith.constant 128 : i32
      %add3A_620 = arith.addi %add3A_532, %add3A_619 : i32
      %get3A_621 = arith.constant 0 : i32
      %get3A_622 = arith.index_cast %get3A_621 : i32 to index
      %get3A_623 = arith.index_cast %add3A_620 : i32 to index
      %get3A_624 = tpu.vector_load %arg4[%get3A_622, %get3A_623] {strides = array<i32>} : memref<2x32768xf32, #tpu.memory_space<vmem>>, vector<1x16xf32>,
      %get3A_625 = vector.shape_cast %get3A_624 : vector<1x16xf32> to vector<16xf32>
      %gt3A_626 = arith.cmpf ogt, %get3A_625, %max3A_583 : vector<16xf32>
      %max3A_627 = arith.maximumf %get3A_625, %max3A_583 : vector<16xf32>
      %broadcast_in_dim3A_628 = vector.broadcast %add3A_620 : i32 to vector<16xi32>
      %select_n3A_629 = arith.select %gt3A_626, %broadcast_in_dim3A_628, %select_n3A_585 : vector<16xi1>, vector<16xi32>
      %add3A_630 = arith.constant 144 : i32
      %add3A_631 = arith.addi %add3A_532, %add3A_630 : i32
      %get3A_632 = arith.constant 0 : i32
      %get3A_633 = arith.index_cast %get3A_632 : i32 to index
      %get3A_634 = arith.index_cast %add3A_631 : i32 to index
      %get3A_635 = tpu.vector_load %arg4[%get3A_633, %get3A_634] {strides = array<i32>} : memref<2x32768xf32, #tpu.memory_space<vmem>>, vector<1x16xf32>,
      %get3A_636 = vector.shape_cast %get3A_635 : vector<1x16xf32> to vector<16xf32>
      %gt3A_637 = arith.cmpf ogt, %get3A_636, %max3A_594 : vector<16xf32>
      %max3A_638 = arith.maximumf %get3A_636, %max3A_594 : vector<16xf32>
      %broadcast_in_dim3A_639 = vector.broadcast %add3A_631 : i32 to vector<16xi32>
      %select_n3A_640 = arith.select %gt3A_637, %broadcast_in_dim3A_639, %select_n3A_596 : vector<16xi1>, vector<16xi32>
      %add3A_641 = arith.constant 160 : i32
      %add3A_642 = arith.addi %add3A_532, %add3A_641 : i32
      %get3A_643 = arith.constant 0 : i32
      %get3A_644 = arith.index_cast %get3A_643 : i32 to index
      %get3A_645 = arith.index_cast %add3A_642 : i32 to index
      %get3A_646 = tpu.vector_load %arg4[%get3A_644, %get3A_645] {strides = array<i32>} : memref<2x32768xf32, #tpu.memory_space<vmem>>, vector<1x16xf32>,
      %get3A_647 = vector.shape_cast %get3A_646 : vector<1x16xf32> to vector<16xf32>
      %gt3A_648 = arith.cmpf ogt, %get3A_647, %max3A_605 : vector<16xf32>
      %max3A_649 = arith.maximumf %get3A_647, %max3A_605 : vector<16xf32>
      %broadcast_in_dim3A_650 = vector.broadcast %add3A_642 : i32 to vector<16xi32>
      %select_n3A_651 = arith.select %gt3A_648, %broadcast_in_dim3A_650, %select_n3A_607 : vector<16xi1>, vector<16xi32>
      %add3A_652 = arith.constant 176 : i32
      %add3A_653 = arith.addi %add3A_532, %add3A_652 : i32
      %get3A_654 = arith.constant 0 : i32
      %get3A_655 = arith.index_cast %get3A_654 : i32 to index
      %get3A_656 = arith.index_cast %add3A_653 : i32 to index
      %get3A_657 = tpu.vector_load %arg4[%get3A_655, %get3A_656] {strides = array<i32>} : memref<2x32768xf32, #tpu.memory_space<vmem>>, vector<1x16xf32>,
      %get3A_658 = vector.shape_cast %get3A_657 : vector<1x16xf32> to vector<16xf32>
      %gt3A_659 = arith.cmpf ogt, %get3A_658, %max3A_616 : vector<16xf32>
      %max3A_660 = arith.maximumf %get3A_658, %max3A_616 : vector<16xf32>
      %broadcast_in_dim3A_661 = vector.broadcast %add3A_653 : i32 to vector<16xi32>
      %select_n3A_662 = arith.select %gt3A_659, %broadcast_in_dim3A_661, %select_n3A_618 : vector<16xi1>, vector<16xi32>
      %add3A_663 = arith.constant 192 : i32
      %add3A_664 = arith.addi %add3A_532, %add3A_663 : i32
      %get3A_665 = arith.constant 0 : i32
      %get3A_666 = arith.index_cast %get3A_665 : i32 to index
      %get3A_667 = arith.index_cast %add3A_664 : i32 to index
      %get3A_668 = tpu.vector_load %arg4[%get3A_666, %get3A_667] {strides = array<i32>} : memref<2x32768xf32, #tpu.memory_space<vmem>>, vector<1x16xf32>,
      %get3A_669 = vector.shape_cast %get3A_668 : vector<1x16xf32> to vector<16xf32>
      %gt3A_670 = arith.cmpf ogt, %get3A_669, %max3A_627 : vector<16xf32>
      %max3A_671 = arith.maximumf %get3A_669, %max3A_627 : vector<16xf32>
      %broadcast_in_dim3A_672 = vector.broadcast %add3A_664 : i32 to vector<16xi32>
      %select_n3A_673 = arith.select %gt3A_670, %broadcast_in_dim3A_672, %select_n3A_629 : vector<16xi1>, vector<16xi32>
      %add3A_674 = arith.constant 208 : i32
      %add3A_675 = arith.addi %add3A_532, %add3A_674 : i32
      %get3A_676 = arith.constant 0 : i32
      %get3A_677 = arith.index_cast %get3A_676 : i32 to index
      %get3A_678 = arith.index_cast %add3A_675 : i32 to index
      %get3A_679 = tpu.vector_load %arg4[%get3A_677, %get3A_678] {strides = array<i32>} : memref<2x32768xf32, #tpu.memory_space<vmem>>, vector<1x16xf32>,
      %get3A_680 = vector.shape_cast %get3A_679 : vector<1x16xf32> to vector<16xf32>
      %gt3A_681 = arith.cmpf ogt, %get3A_680, %max3A_638 : vector<16xf32>
      %max3A_682 = arith.maximumf %get3A_680, %max3A_638 : vector<16xf32>
      %broadcast_in_dim3A_683 = vector.broadcast %add3A_675 : i32 to vector<16xi32>
      %select_n3A_684 = arith.select %gt3A_681, %broadcast_in_dim3A_683, %select_n3A_640 : vector<16xi1>, vector<16xi32>
      %add3A_685 = arith.constant 224 : i32
      %add3A_686 = arith.addi %add3A_532, %add3A_685 : i32
      %get3A_687 = arith.constant 0 : i32
      %get3A_688 = arith.index_cast %get3A_687 : i32 to index
      %get3A_689 = arith.index_cast %add3A_686 : i32 to index
      %get3A_690 = tpu.vector_load %arg4[%get3A_688, %get3A_689] {strides = array<i32>} : memref<2x32768xf32, #tpu.memory_space<vmem>>, vector<1x16xf32>,
      %get3A_691 = vector.shape_cast %get3A_690 : vector<1x16xf32> to vector<16xf32>
      %gt3A_692 = arith.cmpf ogt, %get3A_691, %max3A_649 : vector<16xf32>
      %max3A_693 = arith.maximumf %get3A_691, %max3A_649 : vector<16xf32>
      %broadcast_in_dim3A_694 = vector.broadcast %add3A_686 : i32 to vector<16xi32>
      %select_n3A_695 = arith.select %gt3A_692, %broadcast_in_dim3A_694, %select_n3A_651 : vector<16xi1>, vector<16xi32>
      %add3A_696 = arith.constant 240 : i32
      %add3A_697 = arith.addi %add3A_532, %add3A_696 : i32
      %get3A_698 = arith.constant 0 : i32
      %get3A_699 = arith.index_cast %get3A_698 : i32 to index
      %get3A_700 = arith.index_cast %add3A_697 : i32 to index
      %get3A_701 = tpu.vector_load %arg4[%get3A_699, %get3A_700] {strides = array<i32>} : memref<2x32768xf32, #tpu.memory_space<vmem>>, vector<1x16xf32>,
      %get3A_702 = vector.shape_cast %get3A_701 : vector<1x16xf32> to vector<16xf32>
      %gt3A_703 = arith.cmpf ogt, %get3A_702, %max3A_660 : vector<16xf32>
      %max3A_704 = arith.maximumf %get3A_702, %max3A_660 : vector<16xf32>
      %broadcast_in_dim3A_705 = vector.broadcast %add3A_697 : i32 to vector<16xi32>
      %select_n3A_706 = arith.select %gt3A_703, %broadcast_in_dim3A_705, %select_n3A_662 : vector<16xi1>, vector<16xi32>
      scf.yield %max3A_671, %max3A_682, %max3A_693, %max3A_704, %select_n3A_673, %select_n3A_684, %select_n3A_695, %select_n3A_706 : vector<16xf32>, vector<16xf32>, vector<16xf32>, vector<16xf32>, vector<16xi32>, vector<16xi32>, vector<16xi32>, vector<16xi32>
    }
    %scan3A_164 = arith.constant 32 : i32
    %gt3A = arith.cmpf ogt, %scan3A_163#2, %scan3A_163#0 : vector<16xf32>
    %eq3A = arith.cmpf oeq, %scan3A_163#2, %scan3A_163#0 : vector<16xf32>
    %lt3A = arith.cmpi slt, %scan3A_163#6, %scan3A_163#4 : vector<16xi32>
    %and3A = arith.andi %eq3A, %lt3A : vector<16xi1>
    %or3A = arith.ori %gt3A, %and3A : vector<16xi1>
    %select_n3A = arith.select %or3A, %scan3A_163#2, %scan3A_163#0 : vector<16xi1>, vector<16xf32>
    %select_n3A_165 = arith.select %or3A, %scan3A_163#6, %scan3A_163#4 : vector<16xi1>, vector<16xi32>
    %gt3A_166 = arith.cmpf ogt, %scan3A_163#3, %scan3A_163#1 : vector<16xf32>
    %eq3A_167 = arith.cmpf oeq, %scan3A_163#3, %scan3A_163#1 : vector<16xf32>
    %lt3A_168 = arith.cmpi slt, %scan3A_163#7, %scan3A_163#5 : vector<16xi32>
    %and3A_169 = arith.andi %eq3A_167, %lt3A_168 : vector<16xi1>
    %or3A_170 = arith.ori %gt3A_166, %and3A_169 : vector<16xi1>
    %select_n3A_171 = arith.select %or3A_170, %scan3A_163#3, %scan3A_163#1 : vector<16xi1>, vector<16xf32>
    %select_n3A_172 = arith.select %or3A_170, %scan3A_163#7, %scan3A_163#5 : vector<16xi1>, vector<16xi32>
    %gt3A_173 = arith.cmpf ogt, %select_n3A_171, %select_n3A : vector<16xf32>
    %eq3A_174 = arith.cmpf oeq, %select_n3A_171, %select_n3A : vector<16xf32>
    %lt3A_175 = arith.cmpi slt, %select_n3A_172, %select_n3A_165 : vector<16xi32>
    %and3A_176 = arith.andi %eq3A_174, %lt3A_175 : vector<16xi1>
    %or3A_177 = arith.ori %gt3A_173, %and3A_176 : vector<16xi1>
    %select_n3A_178 = arith.select %or3A_177, %select_n3A_171, %select_n3A : vector<16xi1>, vector<16xf32>
    %select_n3A_179 = arith.select %or3A_177, %select_n3A_172, %select_n3A_165 : vector<16xi1>, vector<16xi32>
    %add3A_180 = arith.addi %select_n3A_179, %iota3A : vector<16xi32>
    %xor3A = arith.constant 8 : i32
    %xor3A_181 = vector.broadcast %xor3A : i32 to vector<16xi32>
    %xor3A_182 = arith.xori %iota3A, %xor3A_181 : vector<16xi32>
    %lt3A_183 = arith.constant 0 : i32
    %lt3A_184 = vector.broadcast %lt3A_183 : i32 to vector<16xi32>
    %lt3A_185 = arith.cmpi slt, %xor3A_182, %lt3A_184 : vector<16xi32>
    %add3A_186 = arith.constant 16 : i32
    %add3A_187 = vector.broadcast %add3A_186 : i32 to vector<16xi32>
    %add3A_188 = arith.addi %xor3A_182, %add3A_187 : vector<16xi32>
    %select_n3A_189 = arith.select %lt3A_185, %add3A_188, %xor3A_182 : vector<16xi1>, vector<16xi32>
    %broadcast_in_dim3A_190 = vector.shape_cast %select_n3A_189 : vector<16xi32> to vector<16x1xi32>
    %gather3A = vector.shape_cast %broadcast_in_dim3A_190 : vector<16x1xi32> to vector<16xi32>
    %gather3A_191 = tpu.dynamic_gather %select_n3A_178[%gather3A] in [0] : vector<16xf32>, vector<16xi32> -> vector<16xf32>
    %lt3A_192 = arith.constant 0 : i32
    %lt3A_193 = vector.broadcast %lt3A_192 : i32 to vector<16xi32>
    %lt3A_194 = arith.cmpi slt, %xor3A_182, %lt3A_193 : vector<16xi32>
    %add3A_195 = arith.constant 16 : i32
    %add3A_196 = vector.broadcast %add3A_195 : i32 to vector<16xi32>
    %add3A_197 = arith.addi %xor3A_182, %add3A_196 : vector<16xi32>
    %select_n3A_198 = arith.select %lt3A_194, %add3A_197, %xor3A_182 : vector<16xi1>, vector<16xi32>
    %broadcast_in_dim3A_199 = vector.shape_cast %select_n3A_198 : vector<16xi32> to vector<16x1xi32>
    %gather3A_200 = vector.shape_cast %broadcast_in_dim3A_199 : vector<16x1xi32> to vector<16xi32>
    %gather3A_201 = tpu.dynamic_gather %add3A_180[%gather3A_200] in [0] : vector<16xi32>, vector<16xi32> -> vector<16xi32>
    %gt3A_202 = arith.cmpf ogt, %gather3A_191, %select_n3A_178 : vector<16xf32>
    %eq3A_203 = arith.cmpf oeq, %gather3A_191, %select_n3A_178 : vector<16xf32>
    %lt3A_204 = arith.cmpi slt, %gather3A_201, %add3A_180 : vector<16xi32>
    %and3A_205 = arith.andi %eq3A_203, %lt3A_204 : vector<16xi1>
    %or3A_206 = arith.ori %gt3A_202, %and3A_205 : vector<16xi1>
    %select_n3A_207 = arith.select %or3A_206, %gather3A_191, %select_n3A_178 : vector<16xi1>, vector<16xf32>
    %select_n3A_208 = arith.select %or3A_206, %gather3A_201, %add3A_180 : vector<16xi1>, vector<16xi32>
    %xor3A_209 = arith.constant 4 : i32
    %xor3A_210 = vector.broadcast %xor3A_209 : i32 to vector<16xi32>
    %xor3A_211 = arith.xori %iota3A, %xor3A_210 : vector<16xi32>
    %lt3A_212 = arith.constant 0 : i32
    %lt3A_213 = vector.broadcast %lt3A_212 : i32 to vector<16xi32>
    %lt3A_214 = arith.cmpi slt, %xor3A_211, %lt3A_213 : vector<16xi32>
    %add3A_215 = arith.constant 16 : i32
    %add3A_216 = vector.broadcast %add3A_215 : i32 to vector<16xi32>
    %add3A_217 = arith.addi %xor3A_211, %add3A_216 : vector<16xi32>
    %select_n3A_218 = arith.select %lt3A_214, %add3A_217, %xor3A_211 : vector<16xi1>, vector<16xi32>
    %broadcast_in_dim3A_219 = vector.shape_cast %select_n3A_218 : vector<16xi32> to vector<16x1xi32>
    %gather3A_220 = vector.shape_cast %broadcast_in_dim3A_219 : vector<16x1xi32> to vector<16xi32>
    %gather3A_221 = tpu.dynamic_gather %select_n3A_207[%gather3A_220] in [0] : vector<16xf32>, vector<16xi32> -> vector<16xf32>
    %lt3A_222 = arith.constant 0 : i32
    %lt3A_223 = vector.broadcast %lt3A_222 : i32 to vector<16xi32>
    %lt3A_224 = arith.cmpi slt, %xor3A_211, %lt3A_223 : vector<16xi32>
    %add3A_225 = arith.constant 16 : i32
    %add3A_226 = vector.broadcast %add3A_225 : i32 to vector<16xi32>
    %add3A_227 = arith.addi %xor3A_211, %add3A_226 : vector<16xi32>
    %select_n3A_228 = arith.select %lt3A_224, %add3A_227, %xor3A_211 : vector<16xi1>, vector<16xi32>
    %broadcast_in_dim3A_229 = vector.shape_cast %select_n3A_228 : vector<16xi32> to vector<16x1xi32>
    %gather3A_230 = vector.shape_cast %broadcast_in_dim3A_229 : vector<16x1xi32> to vector<16xi32>
    %gather3A_231 = tpu.dynamic_gather %select_n3A_208[%gather3A_230] in [0] : vector<16xi32>, vector<16xi32> -> vector<16xi32>
    %gt3A_232 = arith.cmpf ogt, %gather3A_221, %select_n3A_207 : vector<16xf32>
    %eq3A_233 = arith.cmpf oeq, %gather3A_221, %select_n3A_207 : vector<16xf32>
    %lt3A_234 = arith.cmpi slt, %gather3A_231, %select_n3A_208 : vector<16xi32>
    %and3A_235 = arith.andi %eq3A_233, %lt3A_234 : vector<16xi1>
    %or3A_236 = arith.ori %gt3A_232, %and3A_235 : vector<16xi1>
    %select_n3A_237 = arith.select %or3A_236, %gather3A_221, %select_n3A_207 : vector<16xi1>, vector<16xf32>
    %select_n3A_238 = arith.select %or3A_236, %gather3A_231, %select_n3A_208 : vector<16xi1>, vector<16xi32>
    %xor3A_239 = arith.constant 2 : i32
    %xor3A_240 = vector.broadcast %xor3A_239 : i32 to vector<16xi32>
    %xor3A_241 = arith.xori %iota3A, %xor3A_240 : vector<16xi32>
    %lt3A_242 = arith.constant 0 : i32
    %lt3A_243 = vector.broadcast %lt3A_242 : i32 to vector<16xi32>
    %lt3A_244 = arith.cmpi slt, %xor3A_241, %lt3A_243 : vector<16xi32>
    %add3A_245 = arith.constant 16 : i32
    %add3A_246 = vector.broadcast %add3A_245 : i32 to vector<16xi32>
    %add3A_247 = arith.addi %xor3A_241, %add3A_246 : vector<16xi32>
    %select_n3A_248 = arith.select %lt3A_244, %add3A_247, %xor3A_241 : vector<16xi1>, vector<16xi32>
    %broadcast_in_dim3A_249 = vector.shape_cast %select_n3A_248 : vector<16xi32> to vector<16x1xi32>
    %gather3A_250 = vector.shape_cast %broadcast_in_dim3A_249 : vector<16x1xi32> to vector<16xi32>
    %gather3A_251 = tpu.dynamic_gather %select_n3A_237[%gather3A_250] in [0] : vector<16xf32>, vector<16xi32> -> vector<16xf32>
    %lt3A_252 = arith.constant 0 : i32
    %lt3A_253 = vector.broadcast %lt3A_252 : i32 to vector<16xi32>
    %lt3A_254 = arith.cmpi slt, %xor3A_241, %lt3A_253 : vector<16xi32>
    %add3A_255 = arith.constant 16 : i32
    %add3A_256 = vector.broadcast %add3A_255 : i32 to vector<16xi32>
    %add3A_257 = arith.addi %xor3A_241, %add3A_256 : vector<16xi32>
    %select_n3A_258 = arith.select %lt3A_254, %add3A_257, %xor3A_241 : vector<16xi1>, vector<16xi32>
    %broadcast_in_dim3A_259 = vector.shape_cast %select_n3A_258 : vector<16xi32> to vector<16x1xi32>
    %gather3A_260 = vector.shape_cast %broadcast_in_dim3A_259 : vector<16x1xi32> to vector<16xi32>
    %gather3A_261 = tpu.dynamic_gather %select_n3A_238[%gather3A_260] in [0] : vector<16xi32>, vector<16xi32> -> vector<16xi32>
    %gt3A_262 = arith.cmpf ogt, %gather3A_251, %select_n3A_237 : vector<16xf32>
    %eq3A_263 = arith.cmpf oeq, %gather3A_251, %select_n3A_237 : vector<16xf32>
    %lt3A_264 = arith.cmpi slt, %gather3A_261, %select_n3A_238 : vector<16xi32>
    %and3A_265 = arith.andi %eq3A_263, %lt3A_264 : vector<16xi1>
    %or3A_266 = arith.ori %gt3A_262, %and3A_265 : vector<16xi1>
    %select_n3A_267 = arith.select %or3A_266, %gather3A_251, %select_n3A_237 : vector<16xi1>, vector<16xf32>
    %select_n3A_268 = arith.select %or3A_266, %gather3A_261, %select_n3A_238 : vector<16xi1>, vector<16xi32>
    %xor3A_269 = arith.constant 1 : i32
    %xor3A_270 = vector.broadcast %xor3A_269 : i32 to vector<16xi32>
    %xor3A_271 = arith.xori %iota3A, %xor3A_270 : vector<16xi32>
    %lt3A_272 = arith.constant 0 : i32
    %lt3A_273 = vector.broadcast %lt3A_272 : i32 to vector<16xi32>
    %lt3A_274 = arith.cmpi slt, %xor3A_271, %lt3A_273 : vector<16xi32>
    %add3A_275 = arith.constant 16 : i32
    %add3A_276 = vector.broadcast %add3A_275 : i32 to vector<16xi32>
    %add3A_277 = arith.addi %xor3A_271, %add3A_276 : vector<16xi32>
    %select_n3A_278 = arith.select %lt3A_274, %add3A_277, %xor3A_271 : vector<16xi1>, vector<16xi32>
    %broadcast_in_dim3A_279 = vector.shape_cast %select_n3A_278 : vector<16xi32> to vector<16x1xi32>
    %gather3A_280 = vector.shape_cast %broadcast_in_dim3A_279 : vector<16x1xi32> to vector<16xi32>
    %gather3A_281 = tpu.dynamic_gather %select_n3A_267[%gather3A_280] in [0] : vector<16xf32>, vector<16xi32> -> vector<16xf32>
    %lt3A_282 = arith.constant 0 : i32
    %lt3A_283 = vector.broadcast %lt3A_282 : i32 to vector<16xi32>
    %lt3A_284 = arith.cmpi slt, %xor3A_271, %lt3A_283 : vector<16xi32>
    %add3A_285 = arith.constant 16 : i32
    %add3A_286 = vector.broadcast %add3A_285 : i32 to vector<16xi32>
    %add3A_287 = arith.addi %xor3A_271, %add3A_286 : vector<16xi32>
    %select_n3A_288 = arith.select %lt3A_284, %add3A_287, %xor3A_271 : vector<16xi1>, vector<16xi32>
    %broadcast_in_dim3A_289 = vector.shape_cast %select_n3A_288 : vector<16xi32> to vector<16x1xi32>
    %gather3A_290 = vector.shape_cast %broadcast_in_dim3A_289 : vector<16x1xi32> to vector<16xi32>
    %gather3A_291 = tpu.dynamic_gather %select_n3A_268[%gather3A_290] in [0] : vector<16xi32>, vector<16xi32> -> vector<16xi32>
    %gt3A_292 = arith.cmpf ogt, %gather3A_281, %select_n3A_267 : vector<16xf32>
    %eq3A_293 = arith.cmpf oeq, %gather3A_281, %select_n3A_267 : vector<16xf32>
    %lt3A_294 = arith.cmpi slt, %gather3A_291, %select_n3A_268 : vector<16xi32>
    %and3A_295 = arith.andi %eq3A_293, %lt3A_294 : vector<16xi1>
    %or3A_296 = arith.ori %gt3A_292, %and3A_295 : vector<16xi1>
    %select_n3A_297 = arith.select %or3A_296, %gather3A_281, %select_n3A_267 : vector<16xi1>, vector<16xf32>
    %select_n3A_298 = arith.select %or3A_296, %gather3A_291, %select_n3A_268 : vector<16xi1>, vector<16xi32>
    %eq3A_299 = arith.constant 0 : i32
    %eq3A_300 = vector.broadcast %eq3A_299 : i32 to vector<16xi32>
    %eq3A_301 = arith.cmpi eq, %iota3A, %eq3A_300 : vector<16xi32>
    %select_n3A_302 = arith.select %eq3A_301, %select_n3A_298, %broadcast_in_dim3A_98 : vector<16xi1>, vector<16xi32>
    %broadcast_in_dim3A_303 = arith.constant 0xFF800000 : f32
    %broadcast_in_dim3A_304 = vector.broadcast %broadcast_in_dim3A_303 : f32 to vector<16xf32>
    %broadcast_in_dim3A_305 = arith.constant 0 : i32
    %broadcast_in_dim3A_306 = vector.broadcast %broadcast_in_dim3A_305 : i32 to vector<16xi32>
    %dma_wait3A_307 = arith.constant 1 : i32
    %dma_wait3A_308 = arith.constant 0 : i32
    %dma_wait3A_309 = tpu.memref_slice %arg4[%dma_wait3A_307, %dma_wait3A_308] : memref<2x32768xf32, #tpu.memory_space<vmem>> -> memref<1x8192xf32, #tpu.memory_space<vmem>>
    %dma_wait3A_310 = arith.constant 0 : i32
    %dma_wait3A_311 = tpu.memref_slice %arg2[%add3A_51, %dma_wait3A_310] : memref<64x32768xf32, #tpu.memory_space<hbm>> -> memref<1x8192xf32, #tpu.memory_space<hbm>>
    %dma_wait3A_312 = arith.constant 1 : i32
    %dma_wait3A_313 = arith.constant 0 : i32
    %dma_wait3A_314 = tpu.memref_slice %arg4[%dma_wait3A_312, %dma_wait3A_313] : memref<2x32768xf32, #tpu.memory_space<vmem>> -> memref<1x8192xf32, #tpu.memory_space<vmem>>
    %dma_wait3A_315 = arith.constant 0 : i32
    %dma_wait3A_316 = tpu.memref_slice %arg2[%add3A_51, %dma_wait3A_315] : memref<64x32768xf32, #tpu.memory_space<hbm>> -> memref<1x8192xf32, #tpu.memory_space<hbm>>
    tpu.wait_dma2 semaphore(%arg10 : memref<!tpu.dma_semaphore, #tpu.memory_space<semaphore_mem>>) src(%dma_wait3A_316 : memref<1x8192xf32, #tpu.memory_space<hbm>>) dst(%dma_wait3A_314 : memref<1x8192xf32, #tpu.memory_space<vmem>>)
    %scan3A_317 = arith.constant 0 : i32
    %scan3A_318 = arith.constant 32 : i32
    %scan3A_319 = arith.addi %scan3A_317, %scan3A_318 : i32
    %scan3A_320 = arith.constant 1 : i32
    %scan3A_321:8 = scf.for %scan3A_520 = %scan3A_317 to %scan3A_319 step %scan3A_320 iter_args(%scan3A_521 = %broadcast_in_dim3A_304, %scan3A_522 = %broadcast_in_dim3A_304, %scan3A_523 = %broadcast_in_dim3A_304, %scan3A_524 = %broadcast_in_dim3A_304, %scan3A_525 = %broadcast_in_dim3A_306, %scan3A_526 = %broadcast_in_dim3A_306, %scan3A_527 = %broadcast_in_dim3A_306, %scan3A_528 = %broadcast_in_dim3A_306) -> (vector<16xf32>, vector<16xf32>, vector<16xf32>, vector<16xf32>, vector<16xi32>, vector<16xi32>, vector<16xi32>, vector<16xi32>)  : i32 {
      %mul3A_529 = arith.constant 256 : i32
      %mul3A_530 = arith.muli %scan3A_520, %mul3A_529 : i32
      %add3A_531 = arith.constant 0 : i32
      %add3A_532 = arith.addi %add3A_531, %mul3A_530 : i32
      %add3A_533 = arith.constant 0 : i32
      %add3A_534 = arith.addi %add3A_532, %add3A_533 : i32
      %get3A = arith.constant 1 : i32
      %get3A_535 = arith.index_cast %get3A : i32 to index
      %get3A_536 = arith.index_cast %add3A_534 : i32 to index
      %get3A_537 = tpu.vector_load %arg4[%get3A_535, %get3A_536] {strides = array<i32>} : memref<2x32768xf32, #tpu.memory_space<vmem>>, vector<1x16xf32>,
      %get3A_538 = vector.shape_cast %get3A_537 : vector<1x16xf32> to vector<16xf32>
      %gt3A_539 = arith.cmpf ogt, %get3A_538, %scan3A_521 : vector<16xf32>
      %max3A = arith.maximumf %get3A_538, %scan3A_521 : vector<16xf32>
      %broadcast_in_dim3A_540 = vector.broadcast %add3A_534 : i32 to vector<16xi32>
      %select_n3A_541 = arith.select %gt3A_539, %broadcast_in_dim3A_540, %scan3A_525 : vector<16xi1>, vector<16xi32>
      %add3A_542 = arith.constant 16 : i32
      %add3A_543 = arith.addi %add3A_532, %add3A_542 : i32
      %get3A_544 = arith.constant 1 : i32
      %get3A_545 = arith.index_cast %get3A_544 : i32 to index
      %get3A_546 = arith.index_cast %add3A_543 : i32 to index
      %get3A_547 = tpu.vector_load %arg4[%get3A_545, %get3A_546] {strides = array<i32>} : memref<2x32768xf32, #tpu.memory_space<vmem>>, vector<1x16xf32>,
      %get3A_548 = vector.shape_cast %get3A_547 : vector<1x16xf32> to vector<16xf32>
      %gt3A_549 = arith.cmpf ogt, %get3A_548, %scan3A_522 : vector<16xf32>
      %max3A_550 = arith.maximumf %get3A_548, %scan3A_522 : vector<16xf32>
      %broadcast_in_dim3A_551 = vector.broadcast %add3A_543 : i32 to vector<16xi32>
      %select_n3A_552 = arith.select %gt3A_549, %broadcast_in_dim3A_551, %scan3A_526 : vector<16xi1>, vector<16xi32>
      %add3A_553 = arith.constant 32 : i32
      %add3A_554 = arith.addi %add3A_532, %add3A_553 : i32
      %get3A_555 = arith.constant 1 : i32
      %get3A_556 = arith.index_cast %get3A_555 : i32 to index
      %get3A_557 = arith.index_cast %add3A_554 : i32 to index
      %get3A_558 = tpu.vector_load %arg4[%get3A_556, %get3A_557] {strides = array<i32>} : memref<2x32768xf32, #tpu.memory_space<vmem>>, vector<1x16xf32>,
      %get3A_559 = vector.shape_cast %get3A_558 : vector<1x16xf32> to vector<16xf32>
      %gt3A_560 = arith.cmpf ogt, %get3A_559, %scan3A_523 : vector<16xf32>
      %max3A_561 = arith.maximumf %get3A_559, %scan3A_523 : vector<16xf32>
      %broadcast_in_dim3A_562 = vector.broadcast %add3A_554 : i32 to vector<16xi32>
      %select_n3A_563 = arith.select %gt3A_560, %broadcast_in_dim3A_562, %scan3A_527 : vector<16xi1>, vector<16xi32>
      %add3A_564 = arith.constant 48 : i32
      %add3A_565 = arith.addi %add3A_532, %add3A_564 : i32
      %get3A_566 = arith.constant 1 : i32
      %get3A_567 = arith.index_cast %get3A_566 : i32 to index
      %get3A_568 = arith.index_cast %add3A_565 : i32 to index
      %get3A_569 = tpu.vector_load %arg4[%get3A_567, %get3A_568] {strides = array<i32>} : memref<2x32768xf32, #tpu.memory_space<vmem>>, vector<1x16xf32>,
      %get3A_570 = vector.shape_cast %get3A_569 : vector<1x16xf32> to vector<16xf32>
      %gt3A_571 = arith.cmpf ogt, %get3A_570, %scan3A_524 : vector<16xf32>
      %max3A_572 = arith.maximumf %get3A_570, %scan3A_524 : vector<16xf32>
      %broadcast_in_dim3A_573 = vector.broadcast %add3A_565 : i32 to vector<16xi32>
      %select_n3A_574 = arith.select %gt3A_571, %broadcast_in_dim3A_573, %scan3A_528 : vector<16xi1>, vector<16xi32>
      %add3A_575 = arith.constant 64 : i32
      %add3A_576 = arith.addi %add3A_532, %add3A_575 : i32
      %get3A_577 = arith.constant 1 : i32
      %get3A_578 = arith.index_cast %get3A_577 : i32 to index
      %get3A_579 = arith.index_cast %add3A_576 : i32 to index
      %get3A_580 = tpu.vector_load %arg4[%get3A_578, %get3A_579] {strides = array<i32>} : memref<2x32768xf32, #tpu.memory_space<vmem>>, vector<1x16xf32>,
      %get3A_581 = vector.shape_cast %get3A_580 : vector<1x16xf32> to vector<16xf32>
      %gt3A_582 = arith.cmpf ogt, %get3A_581, %max3A : vector<16xf32>
      %max3A_583 = arith.maximumf %get3A_581, %max3A : vector<16xf32>
      %broadcast_in_dim3A_584 = vector.broadcast %add3A_576 : i32 to vector<16xi32>
      %select_n3A_585 = arith.select %gt3A_582, %broadcast_in_dim3A_584, %select_n3A_541 : vector<16xi1>, vector<16xi32>
      %add3A_586 = arith.constant 80 : i32
      %add3A_587 = arith.addi %add3A_532, %add3A_586 : i32
      %get3A_588 = arith.constant 1 : i32
      %get3A_589 = arith.index_cast %get3A_588 : i32 to index
      %get3A_590 = arith.index_cast %add3A_587 : i32 to index
      %get3A_591 = tpu.vector_load %arg4[%get3A_589, %get3A_590] {strides = array<i32>} : memref<2x32768xf32, #tpu.memory_space<vmem>>, vector<1x16xf32>,
      %get3A_592 = vector.shape_cast %get3A_591 : vector<1x16xf32> to vector<16xf32>
      %gt3A_593 = arith.cmpf ogt, %get3A_592, %max3A_550 : vector<16xf32>
      %max3A_594 = arith.maximumf %get3A_592, %max3A_550 : vector<16xf32>
      %broadcast_in_dim3A_595 = vector.broadcast %add3A_587 : i32 to vector<16xi32>
      %select_n3A_596 = arith.select %gt3A_593, %broadcast_in_dim3A_595, %select_n3A_552 : vector<16xi1>, vector<16xi32>
      %add3A_597 = arith.constant 96 : i32
      %add3A_598 = arith.addi %add3A_532, %add3A_597 : i32
      %get3A_599 = arith.constant 1 : i32
      %get3A_600 = arith.index_cast %get3A_599 : i32 to index
      %get3A_601 = arith.index_cast %add3A_598 : i32 to index
      %get3A_602 = tpu.vector_load %arg4[%get3A_600, %get3A_601] {strides = array<i32>} : memref<2x32768xf32, #tpu.memory_space<vmem>>, vector<1x16xf32>,
      %get3A_603 = vector.shape_cast %get3A_602 : vector<1x16xf32> to vector<16xf32>
      %gt3A_604 = arith.cmpf ogt, %get3A_603, %max3A_561 : vector<16xf32>
      %max3A_605 = arith.maximumf %get3A_603, %max3A_561 : vector<16xf32>
      %broadcast_in_dim3A_606 = vector.broadcast %add3A_598 : i32 to vector<16xi32>
      %select_n3A_607 = arith.select %gt3A_604, %broadcast_in_dim3A_606, %select_n3A_563 : vector<16xi1>, vector<16xi32>
      %add3A_608 = arith.constant 112 : i32
      %add3A_609 = arith.addi %add3A_532, %add3A_608 : i32
      %get3A_610 = arith.constant 1 : i32
      %get3A_611 = arith.index_cast %get3A_610 : i32 to index
      %get3A_612 = arith.index_cast %add3A_609 : i32 to index
      %get3A_613 = tpu.vector_load %arg4[%get3A_611, %get3A_612] {strides = array<i32>} : memref<2x32768xf32, #tpu.memory_space<vmem>>, vector<1x16xf32>,
      %get3A_614 = vector.shape_cast %get3A_613 : vector<1x16xf32> to vector<16xf32>
      %gt3A_615 = arith.cmpf ogt, %get3A_614, %max3A_572 : vector<16xf32>
      %max3A_616 = arith.maximumf %get3A_614, %max3A_572 : vector<16xf32>
      %broadcast_in_dim3A_617 = vector.broadcast %add3A_609 : i32 to vector<16xi32>
      %select_n3A_618 = arith.select %gt3A_615, %broadcast_in_dim3A_617, %select_n3A_574 : vector<16xi1>, vector<16xi32>
      %add3A_619 = arith.constant 128 : i32
      %add3A_620 = arith.addi %add3A_532, %add3A_619 : i32
      %get3A_621 = arith.constant 1 : i32
      %get3A_622 = arith.index_cast %get3A_621 : i32 to index
      %get3A_623 = arith.index_cast %add3A_620 : i32 to index
      %get3A_624 = tpu.vector_load %arg4[%get3A_622, %get3A_623] {strides = array<i32>} : memref<2x32768xf32, #tpu.memory_space<vmem>>, vector<1x16xf32>,
      %get3A_625 = vector.shape_cast %get3A_624 : vector<1x16xf32> to vector<16xf32>
      %gt3A_626 = arith.cmpf ogt, %get3A_625, %max3A_583 : vector<16xf32>
      %max3A_627 = arith.maximumf %get3A_625, %max3A_583 : vector<16xf32>
      %broadcast_in_dim3A_628 = vector.broadcast %add3A_620 : i32 to vector<16xi32>
      %select_n3A_629 = arith.select %gt3A_626, %broadcast_in_dim3A_628, %select_n3A_585 : vector<16xi1>, vector<16xi32>
      %add3A_630 = arith.constant 144 : i32
      %add3A_631 = arith.addi %add3A_532, %add3A_630 : i32
      %get3A_632 = arith.constant 1 : i32
      %get3A_633 = arith.index_cast %get3A_632 : i32 to index
      %get3A_634 = arith.index_cast %add3A_631 : i32 to index
      %get3A_635 = tpu.vector_load %arg4[%get3A_633, %get3A_634] {strides = array<i32>} : memref<2x32768xf32, #tpu.memory_space<vmem>>, vector<1x16xf32>,
      %get3A_636 = vector.shape_cast %get3A_635 : vector<1x16xf32> to vector<16xf32>
      %gt3A_637 = arith.cmpf ogt, %get3A_636, %max3A_594 : vector<16xf32>
      %max3A_638 = arith.maximumf %get3A_636, %max3A_594 : vector<16xf32>
      %broadcast_in_dim3A_639 = vector.broadcast %add3A_631 : i32 to vector<16xi32>
      %select_n3A_640 = arith.select %gt3A_637, %broadcast_in_dim3A_639, %select_n3A_596 : vector<16xi1>, vector<16xi32>
      %add3A_641 = arith.constant 160 : i32
      %add3A_642 = arith.addi %add3A_532, %add3A_641 : i32
      %get3A_643 = arith.constant 1 : i32
      %get3A_644 = arith.index_cast %get3A_643 : i32 to index
      %get3A_645 = arith.index_cast %add3A_642 : i32 to index
      %get3A_646 = tpu.vector_load %arg4[%get3A_644, %get3A_645] {strides = array<i32>} : memref<2x32768xf32, #tpu.memory_space<vmem>>, vector<1x16xf32>,
      %get3A_647 = vector.shape_cast %get3A_646 : vector<1x16xf32> to vector<16xf32>
      %gt3A_648 = arith.cmpf ogt, %get3A_647, %max3A_605 : vector<16xf32>
      %max3A_649 = arith.maximumf %get3A_647, %max3A_605 : vector<16xf32>
      %broadcast_in_dim3A_650 = vector.broadcast %add3A_642 : i32 to vector<16xi32>
      %select_n3A_651 = arith.select %gt3A_648, %broadcast_in_dim3A_650, %select_n3A_607 : vector<16xi1>, vector<16xi32>
      %add3A_652 = arith.constant 176 : i32
      %add3A_653 = arith.addi %add3A_532, %add3A_652 : i32
      %get3A_654 = arith.constant 1 : i32
      %get3A_655 = arith.index_cast %get3A_654 : i32 to index
      %get3A_656 = arith.index_cast %add3A_653 : i32 to index
      %get3A_657 = tpu.vector_load %arg4[%get3A_655, %get3A_656] {strides = array<i32>} : memref<2x32768xf32, #tpu.memory_space<vmem>>, vector<1x16xf32>,
      %get3A_658 = vector.shape_cast %get3A_657 : vector<1x16xf32> to vector<16xf32>
      %gt3A_659 = arith.cmpf ogt, %get3A_658, %max3A_616 : vector<16xf32>
      %max3A_660 = arith.maximumf %get3A_658, %max3A_616 : vector<16xf32>
      %broadcast_in_dim3A_661 = vector.broadcast %add3A_653 : i32 to vector<16xi32>
      %select_n3A_662 = arith.select %gt3A_659, %broadcast_in_dim3A_661, %select_n3A_618 : vector<16xi1>, vector<16xi32>
      %add3A_663 = arith.constant 192 : i32
      %add3A_664 = arith.addi %add3A_532, %add3A_663 : i32
      %get3A_665 = arith.constant 1 : i32
      %get3A_666 = arith.index_cast %get3A_665 : i32 to index
      %get3A_667 = arith.index_cast %add3A_664 : i32 to index
      %get3A_668 = tpu.vector_load %arg4[%get3A_666, %get3A_667] {strides = array<i32>} : memref<2x32768xf32, #tpu.memory_space<vmem>>, vector<1x16xf32>,
      %get3A_669 = vector.shape_cast %get3A_668 : vector<1x16xf32> to vector<16xf32>
      %gt3A_670 = arith.cmpf ogt, %get3A_669, %max3A_627 : vector<16xf32>
      %max3A_671 = arith.maximumf %get3A_669, %max3A_627 : vector<16xf32>
      %broadcast_in_dim3A_672 = vector.broadcast %add3A_664 : i32 to vector<16xi32>
      %select_n3A_673 = arith.select %gt3A_670, %broadcast_in_dim3A_672, %select_n3A_629 : vector<16xi1>, vector<16xi32>
      %add3A_674 = arith.constant 208 : i32
      %add3A_675 = arith.addi %add3A_532, %add3A_674 : i32
      %get3A_676 = arith.constant 1 : i32
      %get3A_677 = arith.index_cast %get3A_676 : i32 to index
      %get3A_678 = arith.index_cast %add3A_675 : i32 to index
      %get3A_679 = tpu.vector_load %arg4[%get3A_677, %get3A_678] {strides = array<i32>} : memref<2x32768xf32, #tpu.memory_space<vmem>>, vector<1x16xf32>,
      %get3A_680 = vector.shape_cast %get3A_679 : vector<1x16xf32> to vector<16xf32>
      %gt3A_681 = arith.cmpf ogt, %get3A_680, %max3A_638 : vector<16xf32>
      %max3A_682 = arith.maximumf %get3A_680, %max3A_638 : vector<16xf32>
      %broadcast_in_dim3A_683 = vector.broadcast %add3A_675 : i32 to vector<16xi32>
      %select_n3A_684 = arith.select %gt3A_681, %broadcast_in_dim3A_683, %select_n3A_640 : vector<16xi1>, vector<16xi32>
      %add3A_685 = arith.constant 224 : i32
      %add3A_686 = arith.addi %add3A_532, %add3A_685 : i32
      %get3A_687 = arith.constant 1 : i32
      %get3A_688 = arith.index_cast %get3A_687 : i32 to index
      %get3A_689 = arith.index_cast %add3A_686 : i32 to index
      %get3A_690 = tpu.vector_load %arg4[%get3A_688, %get3A_689] {strides = array<i32>} : memref<2x32768xf32, #tpu.memory_space<vmem>>, vector<1x16xf32>,
      %get3A_691 = vector.shape_cast %get3A_690 : vector<1x16xf32> to vector<16xf32>
      %gt3A_692 = arith.cmpf ogt, %get3A_691, %max3A_649 : vector<16xf32>
      %max3A_693 = arith.maximumf %get3A_691, %max3A_649 : vector<16xf32>
      %broadcast_in_dim3A_694 = vector.broadcast %add3A_686 : i32 to vector<16xi32>
      %select_n3A_695 = arith.select %gt3A_692, %broadcast_in_dim3A_694, %select_n3A_651 : vector<16xi1>, vector<16xi32>
      %add3A_696 = arith.constant 240 : i32
      %add3A_697 = arith.addi %add3A_532, %add3A_696 : i32
      %get3A_698 = arith.constant 1 : i32
      %get3A_699 = arith.index_cast %get3A_698 : i32 to index
      %get3A_700 = arith.index_cast %add3A_697 : i32 to index
      %get3A_701 = tpu.vector_load %arg4[%get3A_699, %get3A_700] {strides = array<i32>} : memref<2x32768xf32, #tpu.memory_space<vmem>>, vector<1x16xf32>,
      %get3A_702 = vector.shape_cast %get3A_701 : vector<1x16xf32> to vector<16xf32>
      %gt3A_703 = arith.cmpf ogt, %get3A_702, %max3A_660 : vector<16xf32>
      %max3A_704 = arith.maximumf %get3A_702, %max3A_660 : vector<16xf32>
      %broadcast_in_dim3A_705 = vector.broadcast %add3A_697 : i32 to vector<16xi32>
      %select_n3A_706 = arith.select %gt3A_703, %broadcast_in_dim3A_705, %select_n3A_662 : vector<16xi1>, vector<16xi32>
      scf.yield %max3A_671, %max3A_682, %max3A_693, %max3A_704, %select_n3A_673, %select_n3A_684, %select_n3A_695, %select_n3A_706 : vector<16xf32>, vector<16xf32>, vector<16xf32>, vector<16xf32>, vector<16xi32>, vector<16xi32>, vector<16xi32>, vector<16xi32>
    }
    %scan3A_322 = arith.constant 32 : i32
    %dma_wait3A_323 = arith.constant 1 : i32
    %dma_wait3A_324 = arith.constant 8192 : i32
    %dma_wait3A_325 = tpu.memref_slice %arg4[%dma_wait3A_323, %dma_wait3A_324] : memref<2x32768xf32, #tpu.memory_space<vmem>> -> memref<1x8192xf32, #tpu.memory_space<vmem>>
    %dma_wait3A_326 = arith.constant 8192 : i32
    %dma_wait3A_327 = tpu.memref_slice %arg2[%add3A_63, %dma_wait3A_326] : memref<64x32768xf32, #tpu.memory_space<hbm>> -> memref<1x8192xf32, #tpu.memory_space<hbm>>
    %dma_wait3A_328 = arith.constant 1 : i32
    %dma_wait3A_329 = arith.constant 8192 : i32
    %dma_wait3A_330 = tpu.memref_slice %arg4[%dma_wait3A_328, %dma_wait3A_329] : memref<2x32768xf32, #tpu.memory_space<vmem>> -> memref<1x8192xf32, #tpu.memory_space<vmem>>
    %dma_wait3A_331 = arith.constant 8192 : i32
    %dma_wait3A_332 = tpu.memref_slice %arg2[%add3A_63, %dma_wait3A_331] : memref<64x32768xf32, #tpu.memory_space<hbm>> -> memref<1x8192xf32, #tpu.memory_space<hbm>>
    tpu.wait_dma2 semaphore(%arg11 : memref<!tpu.dma_semaphore, #tpu.memory_space<semaphore_mem>>) src(%dma_wait3A_332 : memref<1x8192xf32, #tpu.memory_space<hbm>>) dst(%dma_wait3A_330 : memref<1x8192xf32, #tpu.memory_space<vmem>>)
    %scan3A_333 = arith.constant 0 : i32
    %scan3A_334 = arith.constant 32 : i32
    %scan3A_335 = arith.addi %scan3A_333, %scan3A_334 : i32
    %scan3A_336 = arith.constant 1 : i32
    %scan3A_337:8 = scf.for %scan3A_520 = %scan3A_333 to %scan3A_335 step %scan3A_336 iter_args(%scan3A_521 = %scan3A_321#0, %scan3A_522 = %scan3A_321#1, %scan3A_523 = %scan3A_321#2, %scan3A_524 = %scan3A_321#3, %scan3A_525 = %scan3A_321#4, %scan3A_526 = %scan3A_321#5, %scan3A_527 = %scan3A_321#6, %scan3A_528 = %scan3A_321#7) -> (vector<16xf32>, vector<16xf32>, vector<16xf32>, vector<16xf32>, vector<16xi32>, vector<16xi32>, vector<16xi32>, vector<16xi32>)  : i32 {
      %mul3A_529 = arith.constant 256 : i32
      %mul3A_530 = arith.muli %scan3A_520, %mul3A_529 : i32
      %add3A_531 = arith.constant 8192 : i32
      %add3A_532 = arith.addi %add3A_531, %mul3A_530 : i32
      %add3A_533 = arith.constant 0 : i32
      %add3A_534 = arith.addi %add3A_532, %add3A_533 : i32
      %get3A = arith.constant 1 : i32
      %get3A_535 = arith.index_cast %get3A : i32 to index
      %get3A_536 = arith.index_cast %add3A_534 : i32 to index
      %get3A_537 = tpu.vector_load %arg4[%get3A_535, %get3A_536] {strides = array<i32>} : memref<2x32768xf32, #tpu.memory_space<vmem>>, vector<1x16xf32>,
      %get3A_538 = vector.shape_cast %get3A_537 : vector<1x16xf32> to vector<16xf32>
      %gt3A_539 = arith.cmpf ogt, %get3A_538, %scan3A_521 : vector<16xf32>
      %max3A = arith.maximumf %get3A_538, %scan3A_521 : vector<16xf32>
      %broadcast_in_dim3A_540 = vector.broadcast %add3A_534 : i32 to vector<16xi32>
      %select_n3A_541 = arith.select %gt3A_539, %broadcast_in_dim3A_540, %scan3A_525 : vector<16xi1>, vector<16xi32>
      %add3A_542 = arith.constant 16 : i32
      %add3A_543 = arith.addi %add3A_532, %add3A_542 : i32
      %get3A_544 = arith.constant 1 : i32
      %get3A_545 = arith.index_cast %get3A_544 : i32 to index
      %get3A_546 = arith.index_cast %add3A_543 : i32 to index
      %get3A_547 = tpu.vector_load %arg4[%get3A_545, %get3A_546] {strides = array<i32>} : memref<2x32768xf32, #tpu.memory_space<vmem>>, vector<1x16xf32>,
      %get3A_548 = vector.shape_cast %get3A_547 : vector<1x16xf32> to vector<16xf32>
      %gt3A_549 = arith.cmpf ogt, %get3A_548, %scan3A_522 : vector<16xf32>
      %max3A_550 = arith.maximumf %get3A_548, %scan3A_522 : vector<16xf32>
      %broadcast_in_dim3A_551 = vector.broadcast %add3A_543 : i32 to vector<16xi32>
      %select_n3A_552 = arith.select %gt3A_549, %broadcast_in_dim3A_551, %scan3A_526 : vector<16xi1>, vector<16xi32>
      %add3A_553 = arith.constant 32 : i32
      %add3A_554 = arith.addi %add3A_532, %add3A_553 : i32
      %get3A_555 = arith.constant 1 : i32
      %get3A_556 = arith.index_cast %get3A_555 : i32 to index
      %get3A_557 = arith.index_cast %add3A_554 : i32 to index
      %get3A_558 = tpu.vector_load %arg4[%get3A_556, %get3A_557] {strides = array<i32>} : memref<2x32768xf32, #tpu.memory_space<vmem>>, vector<1x16xf32>,
      %get3A_559 = vector.shape_cast %get3A_558 : vector<1x16xf32> to vector<16xf32>
      %gt3A_560 = arith.cmpf ogt, %get3A_559, %scan3A_523 : vector<16xf32>
      %max3A_561 = arith.maximumf %get3A_559, %scan3A_523 : vector<16xf32>
      %broadcast_in_dim3A_562 = vector.broadcast %add3A_554 : i32 to vector<16xi32>
      %select_n3A_563 = arith.select %gt3A_560, %broadcast_in_dim3A_562, %scan3A_527 : vector<16xi1>, vector<16xi32>
      %add3A_564 = arith.constant 48 : i32
      %add3A_565 = arith.addi %add3A_532, %add3A_564 : i32
      %get3A_566 = arith.constant 1 : i32
      %get3A_567 = arith.index_cast %get3A_566 : i32 to index
      %get3A_568 = arith.index_cast %add3A_565 : i32 to index
      %get3A_569 = tpu.vector_load %arg4[%get3A_567, %get3A_568] {strides = array<i32>} : memref<2x32768xf32, #tpu.memory_space<vmem>>, vector<1x16xf32>,
      %get3A_570 = vector.shape_cast %get3A_569 : vector<1x16xf32> to vector<16xf32>
      %gt3A_571 = arith.cmpf ogt, %get3A_570, %scan3A_524 : vector<16xf32>
      %max3A_572 = arith.maximumf %get3A_570, %scan3A_524 : vector<16xf32>
      %broadcast_in_dim3A_573 = vector.broadcast %add3A_565 : i32 to vector<16xi32>
      %select_n3A_574 = arith.select %gt3A_571, %broadcast_in_dim3A_573, %scan3A_528 : vector<16xi1>, vector<16xi32>
      %add3A_575 = arith.constant 64 : i32
      %add3A_576 = arith.addi %add3A_532, %add3A_575 : i32
      %get3A_577 = arith.constant 1 : i32
      %get3A_578 = arith.index_cast %get3A_577 : i32 to index
      %get3A_579 = arith.index_cast %add3A_576 : i32 to index
      %get3A_580 = tpu.vector_load %arg4[%get3A_578, %get3A_579] {strides = array<i32>} : memref<2x32768xf32, #tpu.memory_space<vmem>>, vector<1x16xf32>,
      %get3A_581 = vector.shape_cast %get3A_580 : vector<1x16xf32> to vector<16xf32>
      %gt3A_582 = arith.cmpf ogt, %get3A_581, %max3A : vector<16xf32>
      %max3A_583 = arith.maximumf %get3A_581, %max3A : vector<16xf32>
      %broadcast_in_dim3A_584 = vector.broadcast %add3A_576 : i32 to vector<16xi32>
      %select_n3A_585 = arith.select %gt3A_582, %broadcast_in_dim3A_584, %select_n3A_541 : vector<16xi1>, vector<16xi32>
      %add3A_586 = arith.constant 80 : i32
      %add3A_587 = arith.addi %add3A_532, %add3A_586 : i32
      %get3A_588 = arith.constant 1 : i32
      %get3A_589 = arith.index_cast %get3A_588 : i32 to index
      %get3A_590 = arith.index_cast %add3A_587 : i32 to index
      %get3A_591 = tpu.vector_load %arg4[%get3A_589, %get3A_590] {strides = array<i32>} : memref<2x32768xf32, #tpu.memory_space<vmem>>, vector<1x16xf32>,
      %get3A_592 = vector.shape_cast %get3A_591 : vector<1x16xf32> to vector<16xf32>
      %gt3A_593 = arith.cmpf ogt, %get3A_592, %max3A_550 : vector<16xf32>
      %max3A_594 = arith.maximumf %get3A_592, %max3A_550 : vector<16xf32>
      %broadcast_in_dim3A_595 = vector.broadcast %add3A_587 : i32 to vector<16xi32>
      %select_n3A_596 = arith.select %gt3A_593, %broadcast_in_dim3A_595, %select_n3A_552 : vector<16xi1>, vector<16xi32>
      %add3A_597 = arith.constant 96 : i32
      %add3A_598 = arith.addi %add3A_532, %add3A_597 : i32
      %get3A_599 = arith.constant 1 : i32
      %get3A_600 = arith.index_cast %get3A_599 : i32 to index
      %get3A_601 = arith.index_cast %add3A_598 : i32 to index
      %get3A_602 = tpu.vector_load %arg4[%get3A_600, %get3A_601] {strides = array<i32>} : memref<2x32768xf32, #tpu.memory_space<vmem>>, vector<1x16xf32>,
      %get3A_603 = vector.shape_cast %get3A_602 : vector<1x16xf32> to vector<16xf32>
      %gt3A_604 = arith.cmpf ogt, %get3A_603, %max3A_561 : vector<16xf32>
      %max3A_605 = arith.maximumf %get3A_603, %max3A_561 : vector<16xf32>
      %broadcast_in_dim3A_606 = vector.broadcast %add3A_598 : i32 to vector<16xi32>
      %select_n3A_607 = arith.select %gt3A_604, %broadcast_in_dim3A_606, %select_n3A_563 : vector<16xi1>, vector<16xi32>
      %add3A_608 = arith.constant 112 : i32
      %add3A_609 = arith.addi %add3A_532, %add3A_608 : i32
      %get3A_610 = arith.constant 1 : i32
      %get3A_611 = arith.index_cast %get3A_610 : i32 to index
      %get3A_612 = arith.index_cast %add3A_609 : i32 to index
      %get3A_613 = tpu.vector_load %arg4[%get3A_611, %get3A_612] {strides = array<i32>} : memref<2x32768xf32, #tpu.memory_space<vmem>>, vector<1x16xf32>,
      %get3A_614 = vector.shape_cast %get3A_613 : vector<1x16xf32> to vector<16xf32>
      %gt3A_615 = arith.cmpf ogt, %get3A_614, %max3A_572 : vector<16xf32>
      %max3A_616 = arith.maximumf %get3A_614, %max3A_572 : vector<16xf32>
      %broadcast_in_dim3A_617 = vector.broadcast %add3A_609 : i32 to vector<16xi32>
      %select_n3A_618 = arith.select %gt3A_615, %broadcast_in_dim3A_617, %select_n3A_574 : vector<16xi1>, vector<16xi32>
      %add3A_619 = arith.constant 128 : i32
      %add3A_620 = arith.addi %add3A_532, %add3A_619 : i32
      %get3A_621 = arith.constant 1 : i32
      %get3A_622 = arith.index_cast %get3A_621 : i32 to index
      %get3A_623 = arith.index_cast %add3A_620 : i32 to index
      %get3A_624 = tpu.vector_load %arg4[%get3A_622, %get3A_623] {strides = array<i32>} : memref<2x32768xf32, #tpu.memory_space<vmem>>, vector<1x16xf32>,
      %get3A_625 = vector.shape_cast %get3A_624 : vector<1x16xf32> to vector<16xf32>
      %gt3A_626 = arith.cmpf ogt, %get3A_625, %max3A_583 : vector<16xf32>
      %max3A_627 = arith.maximumf %get3A_625, %max3A_583 : vector<16xf32>
      %broadcast_in_dim3A_628 = vector.broadcast %add3A_620 : i32 to vector<16xi32>
      %select_n3A_629 = arith.select %gt3A_626, %broadcast_in_dim3A_628, %select_n3A_585 : vector<16xi1>, vector<16xi32>
      %add3A_630 = arith.constant 144 : i32
      %add3A_631 = arith.addi %add3A_532, %add3A_630 : i32
      %get3A_632 = arith.constant 1 : i32
      %get3A_633 = arith.index_cast %get3A_632 : i32 to index
      %get3A_634 = arith.index_cast %add3A_631 : i32 to index
      %get3A_635 = tpu.vector_load %arg4[%get3A_633, %get3A_634] {strides = array<i32>} : memref<2x32768xf32, #tpu.memory_space<vmem>>, vector<1x16xf32>,
      %get3A_636 = vector.shape_cast %get3A_635 : vector<1x16xf32> to vector<16xf32>
      %gt3A_637 = arith.cmpf ogt, %get3A_636, %max3A_594 : vector<16xf32>
      %max3A_638 = arith.maximumf %get3A_636, %max3A_594 : vector<16xf32>
      %broadcast_in_dim3A_639 = vector.broadcast %add3A_631 : i32 to vector<16xi32>
      %select_n3A_640 = arith.select %gt3A_637, %broadcast_in_dim3A_639, %select_n3A_596 : vector<16xi1>, vector<16xi32>
      %add3A_641 = arith.constant 160 : i32
      %add3A_642 = arith.addi %add3A_532, %add3A_641 : i32
      %get3A_643 = arith.constant 1 : i32
      %get3A_644 = arith.index_cast %get3A_643 : i32 to index
      %get3A_645 = arith.index_cast %add3A_642 : i32 to index
      %get3A_646 = tpu.vector_load %arg4[%get3A_644, %get3A_645] {strides = array<i32>} : memref<2x32768xf32, #tpu.memory_space<vmem>>, vector<1x16xf32>,
      %get3A_647 = vector.shape_cast %get3A_646 : vector<1x16xf32> to vector<16xf32>
      %gt3A_648 = arith.cmpf ogt, %get3A_647, %max3A_605 : vector<16xf32>
      %max3A_649 = arith.maximumf %get3A_647, %max3A_605 : vector<16xf32>
      %broadcast_in_dim3A_650 = vector.broadcast %add3A_642 : i32 to vector<16xi32>
      %select_n3A_651 = arith.select %gt3A_648, %broadcast_in_dim3A_650, %select_n3A_607 : vector<16xi1>, vector<16xi32>
      %add3A_652 = arith.constant 176 : i32
      %add3A_653 = arith.addi %add3A_532, %add3A_652 : i32
      %get3A_654 = arith.constant 1 : i32
      %get3A_655 = arith.index_cast %get3A_654 : i32 to index
      %get3A_656 = arith.index_cast %add3A_653 : i32 to index
      %get3A_657 = tpu.vector_load %arg4[%get3A_655, %get3A_656] {strides = array<i32>} : memref<2x32768xf32, #tpu.memory_space<vmem>>, vector<1x16xf32>,
      %get3A_658 = vector.shape_cast %get3A_657 : vector<1x16xf32> to vector<16xf32>
      %gt3A_659 = arith.cmpf ogt, %get3A_658, %max3A_616 : vector<16xf32>
      %max3A_660 = arith.maximumf %get3A_658, %max3A_616 : vector<16xf32>
      %broadcast_in_dim3A_661 = vector.broadcast %add3A_653 : i32 to vector<16xi32>
      %select_n3A_662 = arith.select %gt3A_659, %broadcast_in_dim3A_661, %select_n3A_618 : vector<16xi1>, vector<16xi32>
      %add3A_663 = arith.constant 192 : i32
      %add3A_664 = arith.addi %add3A_532, %add3A_663 : i32
      %get3A_665 = arith.constant 1 : i32
      %get3A_666 = arith.index_cast %get3A_665 : i32 to index
      %get3A_667 = arith.index_cast %add3A_664 : i32 to index
      %get3A_668 = tpu.vector_load %arg4[%get3A_666, %get3A_667] {strides = array<i32>} : memref<2x32768xf32, #tpu.memory_space<vmem>>, vector<1x16xf32>,
      %get3A_669 = vector.shape_cast %get3A_668 : vector<1x16xf32> to vector<16xf32>
      %gt3A_670 = arith.cmpf ogt, %get3A_669, %max3A_627 : vector<16xf32>
      %max3A_671 = arith.maximumf %get3A_669, %max3A_627 : vector<16xf32>
      %broadcast_in_dim3A_672 = vector.broadcast %add3A_664 : i32 to vector<16xi32>
      %select_n3A_673 = arith.select %gt3A_670, %broadcast_in_dim3A_672, %select_n3A_629 : vector<16xi1>, vector<16xi32>
      %add3A_674 = arith.constant 208 : i32
      %add3A_675 = arith.addi %add3A_532, %add3A_674 : i32
      %get3A_676 = arith.constant 1 : i32
      %get3A_677 = arith.index_cast %get3A_676 : i32 to index
      %get3A_678 = arith.index_cast %add3A_675 : i32 to index
      %get3A_679 = tpu.vector_load %arg4[%get3A_677, %get3A_678] {strides = array<i32>} : memref<2x32768xf32, #tpu.memory_space<vmem>>, vector<1x16xf32>,
      %get3A_680 = vector.shape_cast %get3A_679 : vector<1x16xf32> to vector<16xf32>
      %gt3A_681 = arith.cmpf ogt, %get3A_680, %max3A_638 : vector<16xf32>
      %max3A_682 = arith.maximumf %get3A_680, %max3A_638 : vector<16xf32>
      %broadcast_in_dim3A_683 = vector.broadcast %add3A_675 : i32 to vector<16xi32>
      %select_n3A_684 = arith.select %gt3A_681, %broadcast_in_dim3A_683, %select_n3A_640 : vector<16xi1>, vector<16xi32>
      %add3A_685 = arith.constant 224 : i32
      %add3A_686 = arith.addi %add3A_532, %add3A_685 : i32
      %get3A_687 = arith.constant 1 : i32
      %get3A_688 = arith.index_cast %get3A_687 : i32 to index
      %get3A_689 = arith.index_cast %add3A_686 : i32 to index
      %get3A_690 = tpu.vector_load %arg4[%get3A_688, %get3A_689] {strides = array<i32>} : memref<2x32768xf32, #tpu.memory_space<vmem>>, vector<1x16xf32>,
      %get3A_691 = vector.shape_cast %get3A_690 : vector<1x16xf32> to vector<16xf32>
      %gt3A_692 = arith.cmpf ogt, %get3A_691, %max3A_649 : vector<16xf32>
      %max3A_693 = arith.maximumf %get3A_691, %max3A_649 : vector<16xf32>
      %broadcast_in_dim3A_694 = vector.broadcast %add3A_686 : i32 to vector<16xi32>
      %select_n3A_695 = arith.select %gt3A_692, %broadcast_in_dim3A_694, %select_n3A_651 : vector<16xi1>, vector<16xi32>
      %add3A_696 = arith.constant 240 : i32
      %add3A_697 = arith.addi %add3A_532, %add3A_696 : i32
      %get3A_698 = arith.constant 1 : i32
      %get3A_699 = arith.index_cast %get3A_698 : i32 to index
      %get3A_700 = arith.index_cast %add3A_697 : i32 to index
      %get3A_701 = tpu.vector_load %arg4[%get3A_699, %get3A_700] {strides = array<i32>} : memref<2x32768xf32, #tpu.memory_space<vmem>>, vector<1x16xf32>,
      %get3A_702 = vector.shape_cast %get3A_701 : vector<1x16xf32> to vector<16xf32>
      %gt3A_703 = arith.cmpf ogt, %get3A_702, %max3A_660 : vector<16xf32>
      %max3A_704 = arith.maximumf %get3A_702, %max3A_660 : vector<16xf32>
      %broadcast_in_dim3A_705 = vector.broadcast %add3A_697 : i32 to vector<16xi32>
      %select_n3A_706 = arith.select %gt3A_703, %broadcast_in_dim3A_705, %select_n3A_662 : vector<16xi1>, vector<16xi32>
      scf.yield %max3A_671, %max3A_682, %max3A_693, %max3A_704, %select_n3A_673, %select_n3A_684, %select_n3A_695, %select_n3A_706 : vector<16xf32>, vector<16xf32>, vector<16xf32>, vector<16xf32>, vector<16xi32>, vector<16xi32>, vector<16xi32>, vector<16xi32>
    }
    %scan3A_338 = arith.constant 32 : i32
    %dma_wait3A_339 = arith.constant 1 : i32
    %dma_wait3A_340 = arith.constant 16384 : i32
    %dma_wait3A_341 = tpu.memref_slice %arg4[%dma_wait3A_339, %dma_wait3A_340] : memref<2x32768xf32, #tpu.memory_space<vmem>> -> memref<1x8192xf32, #tpu.memory_space<vmem>>
    %dma_wait3A_342 = arith.constant 16384 : i32
    %dma_wait3A_343 = tpu.memref_slice %arg2[%add3A_75, %dma_wait3A_342] : memref<64x32768xf32, #tpu.memory_space<hbm>> -> memref<1x8192xf32, #tpu.memory_space<hbm>>
    %dma_wait3A_344 = arith.constant 1 : i32
    %dma_wait3A_345 = arith.constant 16384 : i32
    %dma_wait3A_346 = tpu.memref_slice %arg4[%dma_wait3A_344, %dma_wait3A_345] : memref<2x32768xf32, #tpu.memory_space<vmem>> -> memref<1x8192xf32, #tpu.memory_space<vmem>>
    %dma_wait3A_347 = arith.constant 16384 : i32
    %dma_wait3A_348 = tpu.memref_slice %arg2[%add3A_75, %dma_wait3A_347] : memref<64x32768xf32, #tpu.memory_space<hbm>> -> memref<1x8192xf32, #tpu.memory_space<hbm>>
    tpu.wait_dma2 semaphore(%arg12 : memref<!tpu.dma_semaphore, #tpu.memory_space<semaphore_mem>>) src(%dma_wait3A_348 : memref<1x8192xf32, #tpu.memory_space<hbm>>) dst(%dma_wait3A_346 : memref<1x8192xf32, #tpu.memory_space<vmem>>)
    %scan3A_349 = arith.constant 0 : i32
    %scan3A_350 = arith.constant 32 : i32
    %scan3A_351 = arith.addi %scan3A_349, %scan3A_350 : i32
    %scan3A_352 = arith.constant 1 : i32
    %scan3A_353:8 = scf.for %scan3A_520 = %scan3A_349 to %scan3A_351 step %scan3A_352 iter_args(%scan3A_521 = %scan3A_337#0, %scan3A_522 = %scan3A_337#1, %scan3A_523 = %scan3A_337#2, %scan3A_524 = %scan3A_337#3, %scan3A_525 = %scan3A_337#4, %scan3A_526 = %scan3A_337#5, %scan3A_527 = %scan3A_337#6, %scan3A_528 = %scan3A_337#7) -> (vector<16xf32>, vector<16xf32>, vector<16xf32>, vector<16xf32>, vector<16xi32>, vector<16xi32>, vector<16xi32>, vector<16xi32>)  : i32 {
      %mul3A_529 = arith.constant 256 : i32
      %mul3A_530 = arith.muli %scan3A_520, %mul3A_529 : i32
      %add3A_531 = arith.constant 16384 : i32
      %add3A_532 = arith.addi %add3A_531, %mul3A_530 : i32
      %add3A_533 = arith.constant 0 : i32
      %add3A_534 = arith.addi %add3A_532, %add3A_533 : i32
      %get3A = arith.constant 1 : i32
      %get3A_535 = arith.index_cast %get3A : i32 to index
      %get3A_536 = arith.index_cast %add3A_534 : i32 to index
      %get3A_537 = tpu.vector_load %arg4[%get3A_535, %get3A_536] {strides = array<i32>} : memref<2x32768xf32, #tpu.memory_space<vmem>>, vector<1x16xf32>,
      %get3A_538 = vector.shape_cast %get3A_537 : vector<1x16xf32> to vector<16xf32>
      %gt3A_539 = arith.cmpf ogt, %get3A_538, %scan3A_521 : vector<16xf32>
      %max3A = arith.maximumf %get3A_538, %scan3A_521 : vector<16xf32>
      %broadcast_in_dim3A_540 = vector.broadcast %add3A_534 : i32 to vector<16xi32>
      %select_n3A_541 = arith.select %gt3A_539, %broadcast_in_dim3A_540, %scan3A_525 : vector<16xi1>, vector<16xi32>
      %add3A_542 = arith.constant 16 : i32
      %add3A_543 = arith.addi %add3A_532, %add3A_542 : i32
      %get3A_544 = arith.constant 1 : i32
      %get3A_545 = arith.index_cast %get3A_544 : i32 to index
      %get3A_546 = arith.index_cast %add3A_543 : i32 to index
      %get3A_547 = tpu.vector_load %arg4[%get3A_545, %get3A_546] {strides = array<i32>} : memref<2x32768xf32, #tpu.memory_space<vmem>>, vector<1x16xf32>,
      %get3A_548 = vector.shape_cast %get3A_547 : vector<1x16xf32> to vector<16xf32>
      %gt3A_549 = arith.cmpf ogt, %get3A_548, %scan3A_522 : vector<16xf32>
      %max3A_550 = arith.maximumf %get3A_548, %scan3A_522 : vector<16xf32>
      %broadcast_in_dim3A_551 = vector.broadcast %add3A_543 : i32 to vector<16xi32>
      %select_n3A_552 = arith.select %gt3A_549, %broadcast_in_dim3A_551, %scan3A_526 : vector<16xi1>, vector<16xi32>
      %add3A_553 = arith.constant 32 : i32
      %add3A_554 = arith.addi %add3A_532, %add3A_553 : i32
      %get3A_555 = arith.constant 1 : i32
      %get3A_556 = arith.index_cast %get3A_555 : i32 to index
      %get3A_557 = arith.index_cast %add3A_554 : i32 to index
      %get3A_558 = tpu.vector_load %arg4[%get3A_556, %get3A_557] {strides = array<i32>} : memref<2x32768xf32, #tpu.memory_space<vmem>>, vector<1x16xf32>,
      %get3A_559 = vector.shape_cast %get3A_558 : vector<1x16xf32> to vector<16xf32>
      %gt3A_560 = arith.cmpf ogt, %get3A_559, %scan3A_523 : vector<16xf32>
      %max3A_561 = arith.maximumf %get3A_559, %scan3A_523 : vector<16xf32>
      %broadcast_in_dim3A_562 = vector.broadcast %add3A_554 : i32 to vector<16xi32>
      %select_n3A_563 = arith.select %gt3A_560, %broadcast_in_dim3A_562, %scan3A_527 : vector<16xi1>, vector<16xi32>
      %add3A_564 = arith.constant 48 : i32
      %add3A_565 = arith.addi %add3A_532, %add3A_564 : i32
      %get3A_566 = arith.constant 1 : i32
      %get3A_567 = arith.index_cast %get3A_566 : i32 to index
      %get3A_568 = arith.index_cast %add3A_565 : i32 to index
      %get3A_569 = tpu.vector_load %arg4[%get3A_567, %get3A_568] {strides = array<i32>} : memref<2x32768xf32, #tpu.memory_space<vmem>>, vector<1x16xf32>,
      %get3A_570 = vector.shape_cast %get3A_569 : vector<1x16xf32> to vector<16xf32>
      %gt3A_571 = arith.cmpf ogt, %get3A_570, %scan3A_524 : vector<16xf32>
      %max3A_572 = arith.maximumf %get3A_570, %scan3A_524 : vector<16xf32>
      %broadcast_in_dim3A_573 = vector.broadcast %add3A_565 : i32 to vector<16xi32>
      %select_n3A_574 = arith.select %gt3A_571, %broadcast_in_dim3A_573, %scan3A_528 : vector<16xi1>, vector<16xi32>
      %add3A_575 = arith.constant 64 : i32
      %add3A_576 = arith.addi %add3A_532, %add3A_575 : i32
      %get3A_577 = arith.constant 1 : i32
      %get3A_578 = arith.index_cast %get3A_577 : i32 to index
      %get3A_579 = arith.index_cast %add3A_576 : i32 to index
      %get3A_580 = tpu.vector_load %arg4[%get3A_578, %get3A_579] {strides = array<i32>} : memref<2x32768xf32, #tpu.memory_space<vmem>>, vector<1x16xf32>,
      %get3A_581 = vector.shape_cast %get3A_580 : vector<1x16xf32> to vector<16xf32>
      %gt3A_582 = arith.cmpf ogt, %get3A_581, %max3A : vector<16xf32>
      %max3A_583 = arith.maximumf %get3A_581, %max3A : vector<16xf32>
      %broadcast_in_dim3A_584 = vector.broadcast %add3A_576 : i32 to vector<16xi32>
      %select_n3A_585 = arith.select %gt3A_582, %broadcast_in_dim3A_584, %select_n3A_541 : vector<16xi1>, vector<16xi32>
      %add3A_586 = arith.constant 80 : i32
      %add3A_587 = arith.addi %add3A_532, %add3A_586 : i32
      %get3A_588 = arith.constant 1 : i32
      %get3A_589 = arith.index_cast %get3A_588 : i32 to index
      %get3A_590 = arith.index_cast %add3A_587 : i32 to index
      %get3A_591 = tpu.vector_load %arg4[%get3A_589, %get3A_590] {strides = array<i32>} : memref<2x32768xf32, #tpu.memory_space<vmem>>, vector<1x16xf32>,
      %get3A_592 = vector.shape_cast %get3A_591 : vector<1x16xf32> to vector<16xf32>
      %gt3A_593 = arith.cmpf ogt, %get3A_592, %max3A_550 : vector<16xf32>
      %max3A_594 = arith.maximumf %get3A_592, %max3A_550 : vector<16xf32>
      %broadcast_in_dim3A_595 = vector.broadcast %add3A_587 : i32 to vector<16xi32>
      %select_n3A_596 = arith.select %gt3A_593, %broadcast_in_dim3A_595, %select_n3A_552 : vector<16xi1>, vector<16xi32>
      %add3A_597 = arith.constant 96 : i32
      %add3A_598 = arith.addi %add3A_532, %add3A_597 : i32
      %get3A_599 = arith.constant 1 : i32
      %get3A_600 = arith.index_cast %get3A_599 : i32 to index
      %get3A_601 = arith.index_cast %add3A_598 : i32 to index
      %get3A_602 = tpu.vector_load %arg4[%get3A_600, %get3A_601] {strides = array<i32>} : memref<2x32768xf32, #tpu.memory_space<vmem>>, vector<1x16xf32>,
      %get3A_603 = vector.shape_cast %get3A_602 : vector<1x16xf32> to vector<16xf32>
      %gt3A_604 = arith.cmpf ogt, %get3A_603, %max3A_561 : vector<16xf32>
      %max3A_605 = arith.maximumf %get3A_603, %max3A_561 : vector<16xf32>
      %broadcast_in_dim3A_606 = vector.broadcast %add3A_598 : i32 to vector<16xi32>
      %select_n3A_607 = arith.select %gt3A_604, %broadcast_in_dim3A_606, %select_n3A_563 : vector<16xi1>, vector<16xi32>
      %add3A_608 = arith.constant 112 : i32
      %add3A_609 = arith.addi %add3A_532, %add3A_608 : i32
      %get3A_610 = arith.constant 1 : i32
      %get3A_611 = arith.index_cast %get3A_610 : i32 to index
      %get3A_612 = arith.index_cast %add3A_609 : i32 to index
      %get3A_613 = tpu.vector_load %arg4[%get3A_611, %get3A_612] {strides = array<i32>} : memref<2x32768xf32, #tpu.memory_space<vmem>>, vector<1x16xf32>,
      %get3A_614 = vector.shape_cast %get3A_613 : vector<1x16xf32> to vector<16xf32>
      %gt3A_615 = arith.cmpf ogt, %get3A_614, %max3A_572 : vector<16xf32>
      %max3A_616 = arith.maximumf %get3A_614, %max3A_572 : vector<16xf32>
      %broadcast_in_dim3A_617 = vector.broadcast %add3A_609 : i32 to vector<16xi32>
      %select_n3A_618 = arith.select %gt3A_615, %broadcast_in_dim3A_617, %select_n3A_574 : vector<16xi1>, vector<16xi32>
      %add3A_619 = arith.constant 128 : i32
      %add3A_620 = arith.addi %add3A_532, %add3A_619 : i32
      %get3A_621 = arith.constant 1 : i32
      %get3A_622 = arith.index_cast %get3A_621 : i32 to index
      %get3A_623 = arith.index_cast %add3A_620 : i32 to index
      %get3A_624 = tpu.vector_load %arg4[%get3A_622, %get3A_623] {strides = array<i32>} : memref<2x32768xf32, #tpu.memory_space<vmem>>, vector<1x16xf32>,
      %get3A_625 = vector.shape_cast %get3A_624 : vector<1x16xf32> to vector<16xf32>
      %gt3A_626 = arith.cmpf ogt, %get3A_625, %max3A_583 : vector<16xf32>
      %max3A_627 = arith.maximumf %get3A_625, %max3A_583 : vector<16xf32>
      %broadcast_in_dim3A_628 = vector.broadcast %add3A_620 : i32 to vector<16xi32>
      %select_n3A_629 = arith.select %gt3A_626, %broadcast_in_dim3A_628, %select_n3A_585 : vector<16xi1>, vector<16xi32>
      %add3A_630 = arith.constant 144 : i32
      %add3A_631 = arith.addi %add3A_532, %add3A_630 : i32
      %get3A_632 = arith.constant 1 : i32
      %get3A_633 = arith.index_cast %get3A_632 : i32 to index
      %get3A_634 = arith.index_cast %add3A_631 : i32 to index
      %get3A_635 = tpu.vector_load %arg4[%get3A_633, %get3A_634] {strides = array<i32>} : memref<2x32768xf32, #tpu.memory_space<vmem>>, vector<1x16xf32>,
      %get3A_636 = vector.shape_cast %get3A_635 : vector<1x16xf32> to vector<16xf32>
      %gt3A_637 = arith.cmpf ogt, %get3A_636, %max3A_594 : vector<16xf32>
      %max3A_638 = arith.maximumf %get3A_636, %max3A_594 : vector<16xf32>
      %broadcast_in_dim3A_639 = vector.broadcast %add3A_631 : i32 to vector<16xi32>
      %select_n3A_640 = arith.select %gt3A_637, %broadcast_in_dim3A_639, %select_n3A_596 : vector<16xi1>, vector<16xi32>
      %add3A_641 = arith.constant 160 : i32
      %add3A_642 = arith.addi %add3A_532, %add3A_641 : i32
      %get3A_643 = arith.constant 1 : i32
      %get3A_644 = arith.index_cast %get3A_643 : i32 to index
      %get3A_645 = arith.index_cast %add3A_642 : i32 to index
      %get3A_646 = tpu.vector_load %arg4[%get3A_644, %get3A_645] {strides = array<i32>} : memref<2x32768xf32, #tpu.memory_space<vmem>>, vector<1x16xf32>,
      %get3A_647 = vector.shape_cast %get3A_646 : vector<1x16xf32> to vector<16xf32>
      %gt3A_648 = arith.cmpf ogt, %get3A_647, %max3A_605 : vector<16xf32>
      %max3A_649 = arith.maximumf %get3A_647, %max3A_605 : vector<16xf32>
      %broadcast_in_dim3A_650 = vector.broadcast %add3A_642 : i32 to vector<16xi32>
      %select_n3A_651 = arith.select %gt3A_648, %broadcast_in_dim3A_650, %select_n3A_607 : vector<16xi1>, vector<16xi32>
      %add3A_652 = arith.constant 176 : i32
      %add3A_653 = arith.addi %add3A_532, %add3A_652 : i32
      %get3A_654 = arith.constant 1 : i32
      %get3A_655 = arith.index_cast %get3A_654 : i32 to index
      %get3A_656 = arith.index_cast %add3A_653 : i32 to index
      %get3A_657 = tpu.vector_load %arg4[%get3A_655, %get3A_656] {strides = array<i32>} : memref<2x32768xf32, #tpu.memory_space<vmem>>, vector<1x16xf32>,
      %get3A_658 = vector.shape_cast %get3A_657 : vector<1x16xf32> to vector<16xf32>
      %gt3A_659 = arith.cmpf ogt, %get3A_658, %max3A_616 : vector<16xf32>
      %max3A_660 = arith.maximumf %get3A_658, %max3A_616 : vector<16xf32>
      %broadcast_in_dim3A_661 = vector.broadcast %add3A_653 : i32 to vector<16xi32>
      %select_n3A_662 = arith.select %gt3A_659, %broadcast_in_dim3A_661, %select_n3A_618 : vector<16xi1>, vector<16xi32>
      %add3A_663 = arith.constant 192 : i32
      %add3A_664 = arith.addi %add3A_532, %add3A_663 : i32
      %get3A_665 = arith.constant 1 : i32
      %get3A_666 = arith.index_cast %get3A_665 : i32 to index
      %get3A_667 = arith.index_cast %add3A_664 : i32 to index
      %get3A_668 = tpu.vector_load %arg4[%get3A_666, %get3A_667] {strides = array<i32>} : memref<2x32768xf32, #tpu.memory_space<vmem>>, vector<1x16xf32>,
      %get3A_669 = vector.shape_cast %get3A_668 : vector<1x16xf32> to vector<16xf32>
      %gt3A_670 = arith.cmpf ogt, %get3A_669, %max3A_627 : vector<16xf32>
      %max3A_671 = arith.maximumf %get3A_669, %max3A_627 : vector<16xf32>
      %broadcast_in_dim3A_672 = vector.broadcast %add3A_664 : i32 to vector<16xi32>
      %select_n3A_673 = arith.select %gt3A_670, %broadcast_in_dim3A_672, %select_n3A_629 : vector<16xi1>, vector<16xi32>
      %add3A_674 = arith.constant 208 : i32
      %add3A_675 = arith.addi %add3A_532, %add3A_674 : i32
      %get3A_676 = arith.constant 1 : i32
      %get3A_677 = arith.index_cast %get3A_676 : i32 to index
      %get3A_678 = arith.index_cast %add3A_675 : i32 to index
      %get3A_679 = tpu.vector_load %arg4[%get3A_677, %get3A_678] {strides = array<i32>} : memref<2x32768xf32, #tpu.memory_space<vmem>>, vector<1x16xf32>,
      %get3A_680 = vector.shape_cast %get3A_679 : vector<1x16xf32> to vector<16xf32>
      %gt3A_681 = arith.cmpf ogt, %get3A_680, %max3A_638 : vector<16xf32>
      %max3A_682 = arith.maximumf %get3A_680, %max3A_638 : vector<16xf32>
      %broadcast_in_dim3A_683 = vector.broadcast %add3A_675 : i32 to vector<16xi32>
      %select_n3A_684 = arith.select %gt3A_681, %broadcast_in_dim3A_683, %select_n3A_640 : vector<16xi1>, vector<16xi32>
      %add3A_685 = arith.constant 224 : i32
      %add3A_686 = arith.addi %add3A_532, %add3A_685 : i32
      %get3A_687 = arith.constant 1 : i32
      %get3A_688 = arith.index_cast %get3A_687 : i32 to index
      %get3A_689 = arith.index_cast %add3A_686 : i32 to index
      %get3A_690 = tpu.vector_load %arg4[%get3A_688, %get3A_689] {strides = array<i32>} : memref<2x32768xf32, #tpu.memory_space<vmem>>, vector<1x16xf32>,
      %get3A_691 = vector.shape_cast %get3A_690 : vector<1x16xf32> to vector<16xf32>
      %gt3A_692 = arith.cmpf ogt, %get3A_691, %max3A_649 : vector<16xf32>
      %max3A_693 = arith.maximumf %get3A_691, %max3A_649 : vector<16xf32>
      %broadcast_in_dim3A_694 = vector.broadcast %add3A_686 : i32 to vector<16xi32>
      %select_n3A_695 = arith.select %gt3A_692, %broadcast_in_dim3A_694, %select_n3A_651 : vector<16xi1>, vector<16xi32>
      %add3A_696 = arith.constant 240 : i32
      %add3A_697 = arith.addi %add3A_532, %add3A_696 : i32
      %get3A_698 = arith.constant 1 : i32
      %get3A_699 = arith.index_cast %get3A_698 : i32 to index
      %get3A_700 = arith.index_cast %add3A_697 : i32 to index
      %get3A_701 = tpu.vector_load %arg4[%get3A_699, %get3A_700] {strides = array<i32>} : memref<2x32768xf32, #tpu.memory_space<vmem>>, vector<1x16xf32>,
      %get3A_702 = vector.shape_cast %get3A_701 : vector<1x16xf32> to vector<16xf32>
      %gt3A_703 = arith.cmpf ogt, %get3A_702, %max3A_660 : vector<16xf32>
      %max3A_704 = arith.maximumf %get3A_702, %max3A_660 : vector<16xf32>
      %broadcast_in_dim3A_705 = vector.broadcast %add3A_697 : i32 to vector<16xi32>
      %select_n3A_706 = arith.select %gt3A_703, %broadcast_in_dim3A_705, %select_n3A_662 : vector<16xi1>, vector<16xi32>
      scf.yield %max3A_671, %max3A_682, %max3A_693, %max3A_704, %select_n3A_673, %select_n3A_684, %select_n3A_695, %select_n3A_706 : vector<16xf32>, vector<16xf32>, vector<16xf32>, vector<16xf32>, vector<16xi32>, vector<16xi32>, vector<16xi32>, vector<16xi32>
    }
    %scan3A_354 = arith.constant 32 : i32
    %dma_wait3A_355 = arith.constant 1 : i32
    %dma_wait3A_356 = arith.constant 24576 : i32
    %dma_wait3A_357 = tpu.memref_slice %arg4[%dma_wait3A_355, %dma_wait3A_356] : memref<2x32768xf32, #tpu.memory_space<vmem>> -> memref<1x8192xf32, #tpu.memory_space<vmem>>
    %dma_wait3A_358 = arith.constant 24576 : i32
    %dma_wait3A_359 = tpu.memref_slice %arg2[%add3A_87, %dma_wait3A_358] : memref<64x32768xf32, #tpu.memory_space<hbm>> -> memref<1x8192xf32, #tpu.memory_space<hbm>>
    %dma_wait3A_360 = arith.constant 1 : i32
    %dma_wait3A_361 = arith.constant 24576 : i32
    %dma_wait3A_362 = tpu.memref_slice %arg4[%dma_wait3A_360, %dma_wait3A_361] : memref<2x32768xf32, #tpu.memory_space<vmem>> -> memref<1x8192xf32, #tpu.memory_space<vmem>>
    %dma_wait3A_363 = arith.constant 24576 : i32
    %dma_wait3A_364 = tpu.memref_slice %arg2[%add3A_87, %dma_wait3A_363] : memref<64x32768xf32, #tpu.memory_space<hbm>> -> memref<1x8192xf32, #tpu.memory_space<hbm>>
    tpu.wait_dma2 semaphore(%arg13 : memref<!tpu.dma_semaphore, #tpu.memory_space<semaphore_mem>>) src(%dma_wait3A_364 : memref<1x8192xf32, #tpu.memory_space<hbm>>) dst(%dma_wait3A_362 : memref<1x8192xf32, #tpu.memory_space<vmem>>)
    %scan3A_365 = arith.constant 0 : i32
    %scan3A_366 = arith.constant 32 : i32
    %scan3A_367 = arith.addi %scan3A_365, %scan3A_366 : i32
    %scan3A_368 = arith.constant 1 : i32
    %scan3A_369:8 = scf.for %scan3A_520 = %scan3A_365 to %scan3A_367 step %scan3A_368 iter_args(%scan3A_521 = %scan3A_353#0, %scan3A_522 = %scan3A_353#1, %scan3A_523 = %scan3A_353#2, %scan3A_524 = %scan3A_353#3, %scan3A_525 = %scan3A_353#4, %scan3A_526 = %scan3A_353#5, %scan3A_527 = %scan3A_353#6, %scan3A_528 = %scan3A_353#7) -> (vector<16xf32>, vector<16xf32>, vector<16xf32>, vector<16xf32>, vector<16xi32>, vector<16xi32>, vector<16xi32>, vector<16xi32>)  : i32 {
      %mul3A_529 = arith.constant 256 : i32
      %mul3A_530 = arith.muli %scan3A_520, %mul3A_529 : i32
      %add3A_531 = arith.constant 24576 : i32
      %add3A_532 = arith.addi %add3A_531, %mul3A_530 : i32
      %add3A_533 = arith.constant 0 : i32
      %add3A_534 = arith.addi %add3A_532, %add3A_533 : i32
      %get3A = arith.constant 1 : i32
      %get3A_535 = arith.index_cast %get3A : i32 to index
      %get3A_536 = arith.index_cast %add3A_534 : i32 to index
      %get3A_537 = tpu.vector_load %arg4[%get3A_535, %get3A_536] {strides = array<i32>} : memref<2x32768xf32, #tpu.memory_space<vmem>>, vector<1x16xf32>,
      %get3A_538 = vector.shape_cast %get3A_537 : vector<1x16xf32> to vector<16xf32>
      %gt3A_539 = arith.cmpf ogt, %get3A_538, %scan3A_521 : vector<16xf32>
      %max3A = arith.maximumf %get3A_538, %scan3A_521 : vector<16xf32>
      %broadcast_in_dim3A_540 = vector.broadcast %add3A_534 : i32 to vector<16xi32>
      %select_n3A_541 = arith.select %gt3A_539, %broadcast_in_dim3A_540, %scan3A_525 : vector<16xi1>, vector<16xi32>
      %add3A_542 = arith.constant 16 : i32
      %add3A_543 = arith.addi %add3A_532, %add3A_542 : i32
      %get3A_544 = arith.constant 1 : i32
      %get3A_545 = arith.index_cast %get3A_544 : i32 to index
      %get3A_546 = arith.index_cast %add3A_543 : i32 to index
      %get3A_547 = tpu.vector_load %arg4[%get3A_545, %get3A_546] {strides = array<i32>} : memref<2x32768xf32, #tpu.memory_space<vmem>>, vector<1x16xf32>,
      %get3A_548 = vector.shape_cast %get3A_547 : vector<1x16xf32> to vector<16xf32>
      %gt3A_549 = arith.cmpf ogt, %get3A_548, %scan3A_522 : vector<16xf32>
      %max3A_550 = arith.maximumf %get3A_548, %scan3A_522 : vector<16xf32>
      %broadcast_in_dim3A_551 = vector.broadcast %add3A_543 : i32 to vector<16xi32>
      %select_n3A_552 = arith.select %gt3A_549, %broadcast_in_dim3A_551, %scan3A_526 : vector<16xi1>, vector<16xi32>
      %add3A_553 = arith.constant 32 : i32
      %add3A_554 = arith.addi %add3A_532, %add3A_553 : i32
      %get3A_555 = arith.constant 1 : i32
      %get3A_556 = arith.index_cast %get3A_555 : i32 to index
      %get3A_557 = arith.index_cast %add3A_554 : i32 to index
      %get3A_558 = tpu.vector_load %arg4[%get3A_556, %get3A_557] {strides = array<i32>} : memref<2x32768xf32, #tpu.memory_space<vmem>>, vector<1x16xf32>,
      %get3A_559 = vector.shape_cast %get3A_558 : vector<1x16xf32> to vector<16xf32>
      %gt3A_560 = arith.cmpf ogt, %get3A_559, %scan3A_523 : vector<16xf32>
      %max3A_561 = arith.maximumf %get3A_559, %scan3A_523 : vector<16xf32>
      %broadcast_in_dim3A_562 = vector.broadcast %add3A_554 : i32 to vector<16xi32>
      %select_n3A_563 = arith.select %gt3A_560, %broadcast_in_dim3A_562, %scan3A_527 : vector<16xi1>, vector<16xi32>
      %add3A_564 = arith.constant 48 : i32
      %add3A_565 = arith.addi %add3A_532, %add3A_564 : i32
      %get3A_566 = arith.constant 1 : i32
      %get3A_567 = arith.index_cast %get3A_566 : i32 to index
      %get3A_568 = arith.index_cast %add3A_565 : i32 to index
      %get3A_569 = tpu.vector_load %arg4[%get3A_567, %get3A_568] {strides = array<i32>} : memref<2x32768xf32, #tpu.memory_space<vmem>>, vector<1x16xf32>,
      %get3A_570 = vector.shape_cast %get3A_569 : vector<1x16xf32> to vector<16xf32>
      %gt3A_571 = arith.cmpf ogt, %get3A_570, %scan3A_524 : vector<16xf32>
      %max3A_572 = arith.maximumf %get3A_570, %scan3A_524 : vector<16xf32>
      %broadcast_in_dim3A_573 = vector.broadcast %add3A_565 : i32 to vector<16xi32>
      %select_n3A_574 = arith.select %gt3A_571, %broadcast_in_dim3A_573, %scan3A_528 : vector<16xi1>, vector<16xi32>
      %add3A_575 = arith.constant 64 : i32
      %add3A_576 = arith.addi %add3A_532, %add3A_575 : i32
      %get3A_577 = arith.constant 1 : i32
      %get3A_578 = arith.index_cast %get3A_577 : i32 to index
      %get3A_579 = arith.index_cast %add3A_576 : i32 to index
      %get3A_580 = tpu.vector_load %arg4[%get3A_578, %get3A_579] {strides = array<i32>} : memref<2x32768xf32, #tpu.memory_space<vmem>>, vector<1x16xf32>,
      %get3A_581 = vector.shape_cast %get3A_580 : vector<1x16xf32> to vector<16xf32>
      %gt3A_582 = arith.cmpf ogt, %get3A_581, %max3A : vector<16xf32>
      %max3A_583 = arith.maximumf %get3A_581, %max3A : vector<16xf32>
      %broadcast_in_dim3A_584 = vector.broadcast %add3A_576 : i32 to vector<16xi32>
      %select_n3A_585 = arith.select %gt3A_582, %broadcast_in_dim3A_584, %select_n3A_541 : vector<16xi1>, vector<16xi32>
      %add3A_586 = arith.constant 80 : i32
      %add3A_587 = arith.addi %add3A_532, %add3A_586 : i32
      %get3A_588 = arith.constant 1 : i32
      %get3A_589 = arith.index_cast %get3A_588 : i32 to index
      %get3A_590 = arith.index_cast %add3A_587 : i32 to index
      %get3A_591 = tpu.vector_load %arg4[%get3A_589, %get3A_590] {strides = array<i32>} : memref<2x32768xf32, #tpu.memory_space<vmem>>, vector<1x16xf32>,
      %get3A_592 = vector.shape_cast %get3A_591 : vector<1x16xf32> to vector<16xf32>
      %gt3A_593 = arith.cmpf ogt, %get3A_592, %max3A_550 : vector<16xf32>
      %max3A_594 = arith.maximumf %get3A_592, %max3A_550 : vector<16xf32>
      %broadcast_in_dim3A_595 = vector.broadcast %add3A_587 : i32 to vector<16xi32>
      %select_n3A_596 = arith.select %gt3A_593, %broadcast_in_dim3A_595, %select_n3A_552 : vector<16xi1>, vector<16xi32>
      %add3A_597 = arith.constant 96 : i32
      %add3A_598 = arith.addi %add3A_532, %add3A_597 : i32
      %get3A_599 = arith.constant 1 : i32
      %get3A_600 = arith.index_cast %get3A_599 : i32 to index
      %get3A_601 = arith.index_cast %add3A_598 : i32 to index
      %get3A_602 = tpu.vector_load %arg4[%get3A_600, %get3A_601] {strides = array<i32>} : memref<2x32768xf32, #tpu.memory_space<vmem>>, vector<1x16xf32>,
      %get3A_603 = vector.shape_cast %get3A_602 : vector<1x16xf32> to vector<16xf32>
      %gt3A_604 = arith.cmpf ogt, %get3A_603, %max3A_561 : vector<16xf32>
      %max3A_605 = arith.maximumf %get3A_603, %max3A_561 : vector<16xf32>
      %broadcast_in_dim3A_606 = vector.broadcast %add3A_598 : i32 to vector<16xi32>
      %select_n3A_607 = arith.select %gt3A_604, %broadcast_in_dim3A_606, %select_n3A_563 : vector<16xi1>, vector<16xi32>
      %add3A_608 = arith.constant 112 : i32
      %add3A_609 = arith.addi %add3A_532, %add3A_608 : i32
      %get3A_610 = arith.constant 1 : i32
      %get3A_611 = arith.index_cast %get3A_610 : i32 to index
      %get3A_612 = arith.index_cast %add3A_609 : i32 to index
      %get3A_613 = tpu.vector_load %arg4[%get3A_611, %get3A_612] {strides = array<i32>} : memref<2x32768xf32, #tpu.memory_space<vmem>>, vector<1x16xf32>,
      %get3A_614 = vector.shape_cast %get3A_613 : vector<1x16xf32> to vector<16xf32>
      %gt3A_615 = arith.cmpf ogt, %get3A_614, %max3A_572 : vector<16xf32>
      %max3A_616 = arith.maximumf %get3A_614, %max3A_572 : vector<16xf32>
      %broadcast_in_dim3A_617 = vector.broadcast %add3A_609 : i32 to vector<16xi32>
      %select_n3A_618 = arith.select %gt3A_615, %broadcast_in_dim3A_617, %select_n3A_574 : vector<16xi1>, vector<16xi32>
      %add3A_619 = arith.constant 128 : i32
      %add3A_620 = arith.addi %add3A_532, %add3A_619 : i32
      %get3A_621 = arith.constant 1 : i32
      %get3A_622 = arith.index_cast %get3A_621 : i32 to index
      %get3A_623 = arith.index_cast %add3A_620 : i32 to index
      %get3A_624 = tpu.vector_load %arg4[%get3A_622, %get3A_623] {strides = array<i32>} : memref<2x32768xf32, #tpu.memory_space<vmem>>, vector<1x16xf32>,
      %get3A_625 = vector.shape_cast %get3A_624 : vector<1x16xf32> to vector<16xf32>
      %gt3A_626 = arith.cmpf ogt, %get3A_625, %max3A_583 : vector<16xf32>
      %max3A_627 = arith.maximumf %get3A_625, %max3A_583 : vector<16xf32>
      %broadcast_in_dim3A_628 = vector.broadcast %add3A_620 : i32 to vector<16xi32>
      %select_n3A_629 = arith.select %gt3A_626, %broadcast_in_dim3A_628, %select_n3A_585 : vector<16xi1>, vector<16xi32>
      %add3A_630 = arith.constant 144 : i32
      %add3A_631 = arith.addi %add3A_532, %add3A_630 : i32
      %get3A_632 = arith.constant 1 : i32
      %get3A_633 = arith.index_cast %get3A_632 : i32 to index
      %get3A_634 = arith.index_cast %add3A_631 : i32 to index
      %get3A_635 = tpu.vector_load %arg4[%get3A_633, %get3A_634] {strides = array<i32>} : memref<2x32768xf32, #tpu.memory_space<vmem>>, vector<1x16xf32>,
      %get3A_636 = vector.shape_cast %get3A_635 : vector<1x16xf32> to vector<16xf32>
      %gt3A_637 = arith.cmpf ogt, %get3A_636, %max3A_594 : vector<16xf32>
      %max3A_638 = arith.maximumf %get3A_636, %max3A_594 : vector<16xf32>
      %broadcast_in_dim3A_639 = vector.broadcast %add3A_631 : i32 to vector<16xi32>
      %select_n3A_640 = arith.select %gt3A_637, %broadcast_in_dim3A_639, %select_n3A_596 : vector<16xi1>, vector<16xi32>
      %add3A_641 = arith.constant 160 : i32
      %add3A_642 = arith.addi %add3A_532, %add3A_641 : i32
      %get3A_643 = arith.constant 1 : i32
      %get3A_644 = arith.index_cast %get3A_643 : i32 to index
      %get3A_645 = arith.index_cast %add3A_642 : i32 to index
      %get3A_646 = tpu.vector_load %arg4[%get3A_644, %get3A_645] {strides = array<i32>} : memref<2x32768xf32, #tpu.memory_space<vmem>>, vector<1x16xf32>,
      %get3A_647 = vector.shape_cast %get3A_646 : vector<1x16xf32> to vector<16xf32>
      %gt3A_648 = arith.cmpf ogt, %get3A_647, %max3A_605 : vector<16xf32>
      %max3A_649 = arith.maximumf %get3A_647, %max3A_605 : vector<16xf32>
      %broadcast_in_dim3A_650 = vector.broadcast %add3A_642 : i32 to vector<16xi32>
      %select_n3A_651 = arith.select %gt3A_648, %broadcast_in_dim3A_650, %select_n3A_607 : vector<16xi1>, vector<16xi32>
      %add3A_652 = arith.constant 176 : i32
      %add3A_653 = arith.addi %add3A_532, %add3A_652 : i32
      %get3A_654 = arith.constant 1 : i32
      %get3A_655 = arith.index_cast %get3A_654 : i32 to index
      %get3A_656 = arith.index_cast %add3A_653 : i32 to index
      %get3A_657 = tpu.vector_load %arg4[%get3A_655, %get3A_656] {strides = array<i32>} : memref<2x32768xf32, #tpu.memory_space<vmem>>, vector<1x16xf32>,
      %get3A_658 = vector.shape_cast %get3A_657 : vector<1x16xf32> to vector<16xf32>
      %gt3A_659 = arith.cmpf ogt, %get3A_658, %max3A_616 : vector<16xf32>
      %max3A_660 = arith.maximumf %get3A_658, %max3A_616 : vector<16xf32>
      %broadcast_in_dim3A_661 = vector.broadcast %add3A_653 : i32 to vector<16xi32>
      %select_n3A_662 = arith.select %gt3A_659, %broadcast_in_dim3A_661, %select_n3A_618 : vector<16xi1>, vector<16xi32>
      %add3A_663 = arith.constant 192 : i32
      %add3A_664 = arith.addi %add3A_532, %add3A_663 : i32
      %get3A_665 = arith.constant 1 : i32
      %get3A_666 = arith.index_cast %get3A_665 : i32 to index
      %get3A_667 = arith.index_cast %add3A_664 : i32 to index
      %get3A_668 = tpu.vector_load %arg4[%get3A_666, %get3A_667] {strides = array<i32>} : memref<2x32768xf32, #tpu.memory_space<vmem>>, vector<1x16xf32>,
      %get3A_669 = vector.shape_cast %get3A_668 : vector<1x16xf32> to vector<16xf32>
      %gt3A_670 = arith.cmpf ogt, %get3A_669, %max3A_627 : vector<16xf32>
      %max3A_671 = arith.maximumf %get3A_669, %max3A_627 : vector<16xf32>
      %broadcast_in_dim3A_672 = vector.broadcast %add3A_664 : i32 to vector<16xi32>
      %select_n3A_673 = arith.select %gt3A_670, %broadcast_in_dim3A_672, %select_n3A_629 : vector<16xi1>, vector<16xi32>
      %add3A_674 = arith.constant 208 : i32
      %add3A_675 = arith.addi %add3A_532, %add3A_674 : i32
      %get3A_676 = arith.constant 1 : i32
      %get3A_677 = arith.index_cast %get3A_676 : i32 to index
      %get3A_678 = arith.index_cast %add3A_675 : i32 to index
      %get3A_679 = tpu.vector_load %arg4[%get3A_677, %get3A_678] {strides = array<i32>} : memref<2x32768xf32, #tpu.memory_space<vmem>>, vector<1x16xf32>,
      %get3A_680 = vector.shape_cast %get3A_679 : vector<1x16xf32> to vector<16xf32>
      %gt3A_681 = arith.cmpf ogt, %get3A_680, %max3A_638 : vector<16xf32>
      %max3A_682 = arith.maximumf %get3A_680, %max3A_638 : vector<16xf32>
      %broadcast_in_dim3A_683 = vector.broadcast %add3A_675 : i32 to vector<16xi32>
      %select_n3A_684 = arith.select %gt3A_681, %broadcast_in_dim3A_683, %select_n3A_640 : vector<16xi1>, vector<16xi32>
      %add3A_685 = arith.constant 224 : i32
      %add3A_686 = arith.addi %add3A_532, %add3A_685 : i32
      %get3A_687 = arith.constant 1 : i32
      %get3A_688 = arith.index_cast %get3A_687 : i32 to index
      %get3A_689 = arith.index_cast %add3A_686 : i32 to index
      %get3A_690 = tpu.vector_load %arg4[%get3A_688, %get3A_689] {strides = array<i32>} : memref<2x32768xf32, #tpu.memory_space<vmem>>, vector<1x16xf32>,
      %get3A_691 = vector.shape_cast %get3A_690 : vector<1x16xf32> to vector<16xf32>
      %gt3A_692 = arith.cmpf ogt, %get3A_691, %max3A_649 : vector<16xf32>
      %max3A_693 = arith.maximumf %get3A_691, %max3A_649 : vector<16xf32>
      %broadcast_in_dim3A_694 = vector.broadcast %add3A_686 : i32 to vector<16xi32>
      %select_n3A_695 = arith.select %gt3A_692, %broadcast_in_dim3A_694, %select_n3A_651 : vector<16xi1>, vector<16xi32>
      %add3A_696 = arith.constant 240 : i32
      %add3A_697 = arith.addi %add3A_532, %add3A_696 : i32
      %get3A_698 = arith.constant 1 : i32
      %get3A_699 = arith.index_cast %get3A_698 : i32 to index
      %get3A_700 = arith.index_cast %add3A_697 : i32 to index
      %get3A_701 = tpu.vector_load %arg4[%get3A_699, %get3A_700] {strides = array<i32>} : memref<2x32768xf32, #tpu.memory_space<vmem>>, vector<1x16xf32>,
      %get3A_702 = vector.shape_cast %get3A_701 : vector<1x16xf32> to vector<16xf32>
      %gt3A_703 = arith.cmpf ogt, %get3A_702, %max3A_660 : vector<16xf32>
      %max3A_704 = arith.maximumf %get3A_702, %max3A_660 : vector<16xf32>
      %broadcast_in_dim3A_705 = vector.broadcast %add3A_697 : i32 to vector<16xi32>
      %select_n3A_706 = arith.select %gt3A_703, %broadcast_in_dim3A_705, %select_n3A_662 : vector<16xi1>, vector<16xi32>
      scf.yield %max3A_671, %max3A_682, %max3A_693, %max3A_704, %select_n3A_673, %select_n3A_684, %select_n3A_695, %select_n3A_706 : vector<16xf32>, vector<16xf32>, vector<16xf32>, vector<16xf32>, vector<16xi32>, vector<16xi32>, vector<16xi32>, vector<16xi32>
    }
    %scan3A_370 = arith.constant 32 : i32
    %gt3A_371 = arith.cmpf ogt, %scan3A_369#2, %scan3A_369#0 : vector<16xf32>
    %eq3A_372 = arith.cmpf oeq, %scan3A_369#2, %scan3A_369#0 : vector<16xf32>
    %lt3A_373 = arith.cmpi slt, %scan3A_369#6, %scan3A_369#4 : vector<16xi32>
    %and3A_374 = arith.andi %eq3A_372, %lt3A_373 : vector<16xi1>
    %or3A_375 = arith.ori %gt3A_371, %and3A_374 : vector<16xi1>
    %select_n3A_376 = arith.select %or3A_375, %scan3A_369#2, %scan3A_369#0 : vector<16xi1>, vector<16xf32>
    %select_n3A_377 = arith.select %or3A_375, %scan3A_369#6, %scan3A_369#4 : vector<16xi1>, vector<16xi32>
    %gt3A_378 = arith.cmpf ogt, %scan3A_369#3, %scan3A_369#1 : vector<16xf32>
    %eq3A_379 = arith.cmpf oeq, %scan3A_369#3, %scan3A_369#1 : vector<16xf32>
    %lt3A_380 = arith.cmpi slt, %scan3A_369#7, %scan3A_369#5 : vector<16xi32>
    %and3A_381 = arith.andi %eq3A_379, %lt3A_380 : vector<16xi1>
    %or3A_382 = arith.ori %gt3A_378, %and3A_381 : vector<16xi1>
    %select_n3A_383 = arith.select %or3A_382, %scan3A_369#3, %scan3A_369#1 : vector<16xi1>, vector<16xf32>
    %select_n3A_384 = arith.select %or3A_382, %scan3A_369#7, %scan3A_369#5 : vector<16xi1>, vector<16xi32>
    %gt3A_385 = arith.cmpf ogt, %select_n3A_383, %select_n3A_376 : vector<16xf32>
    %eq3A_386 = arith.cmpf oeq, %select_n3A_383, %select_n3A_376 : vector<16xf32>
    %lt3A_387 = arith.cmpi slt, %select_n3A_384, %select_n3A_377 : vector<16xi32>
    %and3A_388 = arith.andi %eq3A_386, %lt3A_387 : vector<16xi1>
    %or3A_389 = arith.ori %gt3A_385, %and3A_388 : vector<16xi1>
    %select_n3A_390 = arith.select %or3A_389, %select_n3A_383, %select_n3A_376 : vector<16xi1>, vector<16xf32>
    %select_n3A_391 = arith.select %or3A_389, %select_n3A_384, %select_n3A_377 : vector<16xi1>, vector<16xi32>
    %add3A_392 = arith.addi %select_n3A_391, %iota3A : vector<16xi32>
    %xor3A_393 = arith.constant 8 : i32
    %xor3A_394 = vector.broadcast %xor3A_393 : i32 to vector<16xi32>
    %xor3A_395 = arith.xori %iota3A, %xor3A_394 : vector<16xi32>
    %lt3A_396 = arith.constant 0 : i32
    %lt3A_397 = vector.broadcast %lt3A_396 : i32 to vector<16xi32>
    %lt3A_398 = arith.cmpi slt, %xor3A_395, %lt3A_397 : vector<16xi32>
    %add3A_399 = arith.constant 16 : i32
    %add3A_400 = vector.broadcast %add3A_399 : i32 to vector<16xi32>
    %add3A_401 = arith.addi %xor3A_395, %add3A_400 : vector<16xi32>
    %select_n3A_402 = arith.select %lt3A_398, %add3A_401, %xor3A_395 : vector<16xi1>, vector<16xi32>
    %broadcast_in_dim3A_403 = vector.shape_cast %select_n3A_402 : vector<16xi32> to vector<16x1xi32>
    %gather3A_404 = vector.shape_cast %broadcast_in_dim3A_403 : vector<16x1xi32> to vector<16xi32>
    %gather3A_405 = tpu.dynamic_gather %select_n3A_390[%gather3A_404] in [0] : vector<16xf32>, vector<16xi32> -> vector<16xf32>
    %lt3A_406 = arith.constant 0 : i32
    %lt3A_407 = vector.broadcast %lt3A_406 : i32 to vector<16xi32>
    %lt3A_408 = arith.cmpi slt, %xor3A_395, %lt3A_407 : vector<16xi32>
    %add3A_409 = arith.constant 16 : i32
    %add3A_410 = vector.broadcast %add3A_409 : i32 to vector<16xi32>
    %add3A_411 = arith.addi %xor3A_395, %add3A_410 : vector<16xi32>
    %select_n3A_412 = arith.select %lt3A_408, %add3A_411, %xor3A_395 : vector<16xi1>, vector<16xi32>
    %broadcast_in_dim3A_413 = vector.shape_cast %select_n3A_412 : vector<16xi32> to vector<16x1xi32>
    %gather3A_414 = vector.shape_cast %broadcast_in_dim3A_413 : vector<16x1xi32> to vector<16xi32>
    %gather3A_415 = tpu.dynamic_gather %add3A_392[%gather3A_414] in [0] : vector<16xi32>, vector<16xi32> -> vector<16xi32>
    %gt3A_416 = arith.cmpf ogt, %gather3A_405, %select_n3A_390 : vector<16xf32>
    %eq3A_417 = arith.cmpf oeq, %gather3A_405, %select_n3A_390 : vector<16xf32>
    %lt3A_418 = arith.cmpi slt, %gather3A_415, %add3A_392 : vector<16xi32>
    %and3A_419 = arith.andi %eq3A_417, %lt3A_418 : vector<16xi1>
    %or3A_420 = arith.ori %gt3A_416, %and3A_419 : vector<16xi1>
    %select_n3A_421 = arith.select %or3A_420, %gather3A_405, %select_n3A_390 : vector<16xi1>, vector<16xf32>
    %select_n3A_422 = arith.select %or3A_420, %gather3A_415, %add3A_392 : vector<16xi1>, vector<16xi32>
    %xor3A_423 = arith.constant 4 : i32
    %xor3A_424 = vector.broadcast %xor3A_423 : i32 to vector<16xi32>
    %xor3A_425 = arith.xori %iota3A, %xor3A_424 : vector<16xi32>
    %lt3A_426 = arith.constant 0 : i32
    %lt3A_427 = vector.broadcast %lt3A_426 : i32 to vector<16xi32>
    %lt3A_428 = arith.cmpi slt, %xor3A_425, %lt3A_427 : vector<16xi32>
    %add3A_429 = arith.constant 16 : i32
    %add3A_430 = vector.broadcast %add3A_429 : i32 to vector<16xi32>
    %add3A_431 = arith.addi %xor3A_425, %add3A_430 : vector<16xi32>
    %select_n3A_432 = arith.select %lt3A_428, %add3A_431, %xor3A_425 : vector<16xi1>, vector<16xi32>
    %broadcast_in_dim3A_433 = vector.shape_cast %select_n3A_432 : vector<16xi32> to vector<16x1xi32>
    %gather3A_434 = vector.shape_cast %broadcast_in_dim3A_433 : vector<16x1xi32> to vector<16xi32>
    %gather3A_435 = tpu.dynamic_gather %select_n3A_421[%gather3A_434] in [0] : vector<16xf32>, vector<16xi32> -> vector<16xf32>
    %lt3A_436 = arith.constant 0 : i32
    %lt3A_437 = vector.broadcast %lt3A_436 : i32 to vector<16xi32>
    %lt3A_438 = arith.cmpi slt, %xor3A_425, %lt3A_437 : vector<16xi32>
    %add3A_439 = arith.constant 16 : i32
    %add3A_440 = vector.broadcast %add3A_439 : i32 to vector<16xi32>
    %add3A_441 = arith.addi %xor3A_425, %add3A_440 : vector<16xi32>
    %select_n3A_442 = arith.select %lt3A_438, %add3A_441, %xor3A_425 : vector<16xi1>, vector<16xi32>
    %broadcast_in_dim3A_443 = vector.shape_cast %select_n3A_442 : vector<16xi32> to vector<16x1xi32>
    %gather3A_444 = vector.shape_cast %broadcast_in_dim3A_443 : vector<16x1xi32> to vector<16xi32>
    %gather3A_445 = tpu.dynamic_gather %select_n3A_422[%gather3A_444] in [0] : vector<16xi32>, vector<16xi32> -> vector<16xi32>
    %gt3A_446 = arith.cmpf ogt, %gather3A_435, %select_n3A_421 : vector<16xf32>
    %eq3A_447 = arith.cmpf oeq, %gather3A_435, %select_n3A_421 : vector<16xf32>
    %lt3A_448 = arith.cmpi slt, %gather3A_445, %select_n3A_422 : vector<16xi32>
    %and3A_449 = arith.andi %eq3A_447, %lt3A_448 : vector<16xi1>
    %or3A_450 = arith.ori %gt3A_446, %and3A_449 : vector<16xi1>
    %select_n3A_451 = arith.select %or3A_450, %gather3A_435, %select_n3A_421 : vector<16xi1>, vector<16xf32>
    %select_n3A_452 = arith.select %or3A_450, %gather3A_445, %select_n3A_422 : vector<16xi1>, vector<16xi32>
    %xor3A_453 = arith.constant 2 : i32
    %xor3A_454 = vector.broadcast %xor3A_453 : i32 to vector<16xi32>
    %xor3A_455 = arith.xori %iota3A, %xor3A_454 : vector<16xi32>
    %lt3A_456 = arith.constant 0 : i32
    %lt3A_457 = vector.broadcast %lt3A_456 : i32 to vector<16xi32>
    %lt3A_458 = arith.cmpi slt, %xor3A_455, %lt3A_457 : vector<16xi32>
    %add3A_459 = arith.constant 16 : i32
    %add3A_460 = vector.broadcast %add3A_459 : i32 to vector<16xi32>
    %add3A_461 = arith.addi %xor3A_455, %add3A_460 : vector<16xi32>
    %select_n3A_462 = arith.select %lt3A_458, %add3A_461, %xor3A_455 : vector<16xi1>, vector<16xi32>
    %broadcast_in_dim3A_463 = vector.shape_cast %select_n3A_462 : vector<16xi32> to vector<16x1xi32>
    %gather3A_464 = vector.shape_cast %broadcast_in_dim3A_463 : vector<16x1xi32> to vector<16xi32>
    %gather3A_465 = tpu.dynamic_gather %select_n3A_451[%gather3A_464] in [0] : vector<16xf32>, vector<16xi32> -> vector<16xf32>
    %lt3A_466 = arith.constant 0 : i32
    %lt3A_467 = vector.broadcast %lt3A_466 : i32 to vector<16xi32>
    %lt3A_468 = arith.cmpi slt, %xor3A_455, %lt3A_467 : vector<16xi32>
    %add3A_469 = arith.constant 16 : i32
    %add3A_470 = vector.broadcast %add3A_469 : i32 to vector<16xi32>
    %add3A_471 = arith.addi %xor3A_455, %add3A_470 : vector<16xi32>
    %select_n3A_472 = arith.select %lt3A_468, %add3A_471, %xor3A_455 : vector<16xi1>, vector<16xi32>
    %broadcast_in_dim3A_473 = vector.shape_cast %select_n3A_472 : vector<16xi32> to vector<16x1xi32>
    %gather3A_474 = vector.shape_cast %broadcast_in_dim3A_473 : vector<16x1xi32> to vector<16xi32>
    %gather3A_475 = tpu.dynamic_gather %select_n3A_452[%gather3A_474] in [0] : vector<16xi32>, vector<16xi32> -> vector<16xi32>
    %gt3A_476 = arith.cmpf ogt, %gather3A_465, %select_n3A_451 : vector<16xf32>
    %eq3A_477 = arith.cmpf oeq, %gather3A_465, %select_n3A_451 : vector<16xf32>
    %lt3A_478 = arith.cmpi slt, %gather3A_475, %select_n3A_452 : vector<16xi32>
    %and3A_479 = arith.andi %eq3A_477, %lt3A_478 : vector<16xi1>
    %or3A_480 = arith.ori %gt3A_476, %and3A_479 : vector<16xi1>
    %select_n3A_481 = arith.select %or3A_480, %gather3A_465, %select_n3A_451 : vector<16xi1>, vector<16xf32>
    %select_n3A_482 = arith.select %or3A_480, %gather3A_475, %select_n3A_452 : vector<16xi1>, vector<16xi32>
    %xor3A_483 = arith.constant 1 : i32
    %xor3A_484 = vector.broadcast %xor3A_483 : i32 to vector<16xi32>
    %xor3A_485 = arith.xori %iota3A, %xor3A_484 : vector<16xi32>
    %lt3A_486 = arith.constant 0 : i32
    %lt3A_487 = vector.broadcast %lt3A_486 : i32 to vector<16xi32>
    %lt3A_488 = arith.cmpi slt, %xor3A_485, %lt3A_487 : vector<16xi32>
    %add3A_489 = arith.constant 16 : i32
    %add3A_490 = vector.broadcast %add3A_489 : i32 to vector<16xi32>
    %add3A_491 = arith.addi %xor3A_485, %add3A_490 : vector<16xi32>
    %select_n3A_492 = arith.select %lt3A_488, %add3A_491, %xor3A_485 : vector<16xi1>, vector<16xi32>
    %broadcast_in_dim3A_493 = vector.shape_cast %select_n3A_492 : vector<16xi32> to vector<16x1xi32>
    %gather3A_494 = vector.shape_cast %broadcast_in_dim3A_493 : vector<16x1xi32> to vector<16xi32>
    %gather3A_495 = tpu.dynamic_gather %select_n3A_481[%gather3A_494] in [0] : vector<16xf32>, vector<16xi32> -> vector<16xf32>
    %lt3A_496 = arith.constant 0 : i32
    %lt3A_497 = vector.broadcast %lt3A_496 : i32 to vector<16xi32>
    %lt3A_498 = arith.cmpi slt, %xor3A_485, %lt3A_497 : vector<16xi32>
    %add3A_499 = arith.constant 16 : i32
    %add3A_500 = vector.broadcast %add3A_499 : i32 to vector<16xi32>
    %add3A_501 = arith.addi %xor3A_485, %add3A_500 : vector<16xi32>
    %select_n3A_502 = arith.select %lt3A_498, %add3A_501, %xor3A_485 : vector<16xi1>, vector<16xi32>
    %broadcast_in_dim3A_503 = vector.shape_cast %select_n3A_502 : vector<16xi32> to vector<16x1xi32>
    %gather3A_504 = vector.shape_cast %broadcast_in_dim3A_503 : vector<16x1xi32> to vector<16xi32>
    %gather3A_505 = tpu.dynamic_gather %select_n3A_482[%gather3A_504] in [0] : vector<16xi32>, vector<16xi32> -> vector<16xi32>
    %gt3A_506 = arith.cmpf ogt, %gather3A_495, %select_n3A_481 : vector<16xf32>
    %eq3A_507 = arith.cmpf oeq, %gather3A_495, %select_n3A_481 : vector<16xf32>
    %lt3A_508 = arith.cmpi slt, %gather3A_505, %select_n3A_482 : vector<16xi32>
    %and3A_509 = arith.andi %eq3A_507, %lt3A_508 : vector<16xi1>
    %or3A_510 = arith.ori %gt3A_506, %and3A_509 : vector<16xi1>
    %select_n3A_511 = arith.select %or3A_510, %gather3A_495, %select_n3A_481 : vector<16xi1>, vector<16xf32>
    %select_n3A_512 = arith.select %or3A_510, %gather3A_505, %select_n3A_482 : vector<16xi1>, vector<16xi32>
    %eq3A_513 = arith.constant 1 : i32
    %eq3A_514 = vector.broadcast %eq3A_513 : i32 to vector<16xi32>
    %eq3A_515 = arith.cmpi eq, %iota3A, %eq3A_514 : vector<16xi32>
    %select_n3A_516 = arith.select %eq3A_515, %select_n3A_512, %select_n3A_302 : vector<16xi1>, vector<16xi32>
    %swap3A = arith.constant 0 : index
    %swap3A_517 = tpu.vector_load %arg5[%swap3A] {strides = array<i32>} : memref<16xi32, #tpu.memory_space<vmem>>, vector<16xi32>,
    %swap3A_518 = vector.shape_cast %swap3A_517 : vector<16xi32> to vector<16xi32>
    %swap3A_519 = vector.shape_cast %select_n3A_516 : vector<16xi32> to vector<16xi32>
    tpu.vector_store %arg5[%swap3A], %swap3A_519 {strides = array<i32>} : memref<16xi32, #tpu.memory_space<vmem>>, vector<16xi32>,
    "tpu.region"() ({
      %run_scoped3A = tpu.sem_alloc : memref<!tpu.dma_semaphore, #tpu.memory_space<semaphore_mem>>
      %dma_start3A_520 = arith.constant 0 : i32
      %dma_start3A_521 = tpu.memref_slice %arg3[%add3A, %dma_start3A_520] : memref<32x16xi32, #tpu.memory_space<hbm>> -> memref<1x16xi32, #tpu.memory_space<hbm>>
      %dma_start3A_522 = tpu.memref_squeeze %dma_start3A_521 : memref<1x16xi32, #tpu.memory_space<hbm>> -> memref<16xi32, #tpu.memory_space<hbm>>
      %dma_start3A_523 = arith.constant 0 : i32
      %dma_start3A_524 = tpu.memref_slice %arg3[%add3A, %dma_start3A_523] : memref<32x16xi32, #tpu.memory_space<hbm>> -> memref<1x16xi32, #tpu.memory_space<hbm>>
      %dma_start3A_525 = tpu.memref_squeeze %dma_start3A_524 : memref<1x16xi32, #tpu.memory_space<hbm>> -> memref<16xi32, #tpu.memory_space<hbm>>
      tpu.enqueue_dma source(%arg5 : memref<16xi32, #tpu.memory_space<vmem>>) target(%dma_start3A_525 : memref<16xi32, #tpu.memory_space<hbm>>) target_semaphore(%run_scoped3A : memref<!tpu.dma_semaphore, #tpu.memory_space<semaphore_mem>>)
      %dma_wait3A_526 = arith.constant 0 : i32
      %dma_wait3A_527 = tpu.memref_slice %arg3[%add3A, %dma_wait3A_526] : memref<32x16xi32, #tpu.memory_space<hbm>> -> memref<1x16xi32, #tpu.memory_space<hbm>>
      %dma_wait3A_528 = tpu.memref_squeeze %dma_wait3A_527 : memref<1x16xi32, #tpu.memory_space<hbm>> -> memref<16xi32, #tpu.memory_space<hbm>>
      %dma_wait3A_529 = arith.constant 0 : i32
      %dma_wait3A_530 = tpu.memref_slice %arg3[%add3A, %dma_wait3A_529] : memref<32x16xi32, #tpu.memory_space<hbm>> -> memref<1x16xi32, #tpu.memory_space<hbm>>
      %dma_wait3A_531 = tpu.memref_squeeze %dma_wait3A_530 : memref<1x16xi32, #tpu.memory_space<hbm>> -> memref<16xi32, #tpu.memory_space<hbm>>
      tpu.wait_dma2 semaphore(%run_scoped3A : memref<!tpu.dma_semaphore, #tpu.memory_space<semaphore_mem>>) src(%arg5 : memref<16xi32, #tpu.memory_space<vmem>>) dst(%dma_wait3A_531 : memref<16xi32, #tpu.memory_space<hbm>>)
      tpu.yield
    }) : () -> ()
    return
  }
}

</mosaic_0001>

<sc_bundles>
// kernel: kernel.3.cloned.1.call-start
scs
__scs_entry_jumppad:
0x0: {  	(pc) =	sbr.rel $0x88, $3  }
0x1: {  	(tag) =	ssettag $0x0;
	lr =	simm.s32 $0x1  }
0x2: {  	[smem:$0x3FA0] =	sst lr;
	_ =	strace $0xD0000000  }
0x3: {  	_ = 	snop  }
0x4: {  	_ = 	snop  }
0x5: {  	_ = 	snop  }
0x6: {  	_ = 	snop  }
0x7: {  	_ = 	snop  }
__scs_overlays_trampoline_lowered:
0x8: {  	[smem:$0x3FAF] =	sst s0  }
0x9: {  	[smem:$0x3FB0] =	sst s1  }
0xa: {  	[smem:$0x3FB1] =	sst s2  }
0xb: {  	[smem:$0x3FB2] =	sst s3  }
0xc: {  	[smem:$0x3FB3] =	sst s4  }
0xd: {  	[smem:$0x3FB4] =	sst s5  }
0xe: {  	[smem:$0x3FB5] =	sst s6  }
0xf: {  	[smem:$0x3FB6] =	sst s7  }
0x10: {  	[smem:$0x3FB7] =	sst s8  }
0x11: {  	[smem:$0x3FB8] =	sst s9;
	s0 =	simm.s32 @!p0 $0x0  }
0x12: {  	s1 =	sld [smem:$0x3F9E];
	s0 =	simm.s32 @p0 $0x1  }
0x13: {  	[smem:$0x3FB9] =	sst s0;
	s0 =	simm.s32 @!p1 $0x0  }
0x14: {  	s2 =	sld [smem:$0x3F9D];
	s0 =	simm.s32 @p1 $0x1  }
0x15: {  	[smem:$0x3FBA] =	sst s0;
	s0 =	simm.s32 @!p2 $0x0  }
0x16: {  	s3 =	sld [smem:$0x3FDB];
	s0 =	simm.s32 @p2 $0x1  }
0x17: {  	s4 =	simm.s32 $0x1BF5;
	[smem:$0x3FBC] =	sst s0  }
0x18: {  	s0 =	sld [smem:$0x3F9F];
	_ =	swait.ge [sflag:s4], $0x0  }
0x19: {  	s7 =	sld [smem:$0x3FA0]  }
0x1a: {  	s8 =	sadd.s32 $0xFFFFE003, lr  }
0x1b: {  	s9 =	sadd.s32 $0xFFFFFEF7, lr;
	s5 =	simm.s32 $0xFFFFFFFF;
	p2 =	slt.u32 s8, $0xFFFFF086  }
0x1c: {  	p1 =	slt.u32 s9, $0xF7A;
	s5 =	simm.s32 @!p2 $0x0  }
0x1d: {  	s5 =	simm.s32 @p1 $0x1;
	p0 =	seq.s32 s7, s2  }
0x1e: {  	s7 =	smul.u32 @!p0 $0xF7A, s2;
	p2 =	seq.s32 @!p0 s5, $0x0  }
0x1f: {  	s9 =	smul.u32 $0xF7A, s1;
	s8 =	simm.s32 @!p0 $0x1BF5;
	p2 =	por !p2, p0  }
0x20: {  	[sflag:s8] =	ssyncset.s32 @!p0 $0xFFFFF086;
	s6 =	sadd.s32 @!p0 s3, s7;
	s7 =	simm.s32 @!p0 $0x108  }
0x21: {  	s3 =	sadd.s32 s3, s9;
	s6 =	sadd.s32 @!p0 $0x88, s6;
	s7 =	simm.s32 @p2 $0x1082  }
0x22: {  	[simem:s7], [sflag:s8] =	dma.local @!p0 [hbm:s6], $0xF7A  }
0x23: {  	s9 =	sor.u32 $0xD0000000, s2;
	s6 =	simm.s32 $0x108;
	_ =	swait.ge @!p0 [sflag:s8], $0x0  }
0x24: {  	s3 =	sadd.s32 $0x88, s3;
	s6 =	simm.s32 @!p1 $0x1082;
	[sflag:s4] =	ssyncset.s32 $0xFFFFF086  }
0x25: {  	[simem:s6], [sflag:s4] =	dma.local [hbm:s3], $0xF7A  }
0x26: {  	[smem:$0x3FA0] =	sst s1;
	(tag) =	ssettag s2;
	_ =	strace s9  }
0x27: {  	s1 =	sld [smem:$0x3FB0]  }
0x28: {  	s2 =	sld [smem:$0x3FB1]  }
0x29: {  	s4 =	sld [smem:$0x3FB3]  }
0x2a: {  	p0 =	seq.s32 s5, $0x0;
	s5 =	sld [smem:$0x3FB4]  }
0x2b: {  	s6 =	sld [smem:$0x3FB5]  }
0x2c: {  	s7 =	sld [smem:$0x3FB6]  }
0x2d: {  	s3 =	simm.s32 $0x108;
	s8 =	sld [smem:$0x3FB7]  }
0x2e: {  	s3 =	simm.s32 @!p0 $0x1082;
	s9 =	sld [smem:$0x3FB8]  }
0x2f: {  	lr =	sadd.s32 s0, s3;
	s0 =	sld [smem:$0x3FAF]  }
0x30: {  	s3 =	sld [smem:$0x3FB2]  }
0x31: {  	[smem:$0x3FBB] =	sst s10  }
0x32: {  	s10 =	sld [smem:$0x3FB9];
	_ =	sdelay $0x3  }
0x33: {  	p0 =	seq.s32 s10, $0x1;
	s10 =	sld [smem:$0x3FBB];
	_ =	sdelay $0x3  }
0x34: {  	[smem:$0x3FBB] =	sst s10  }
0x35: {  	s10 =	sld [smem:$0x3FBA];
	_ =	sdelay $0x3  }
0x36: {  	p1 =	seq.s32 s10, $0x1;
	s10 =	sld [smem:$0x3FBB];
	_ =	sdelay $0x3  }
0x37: {  	[smem:$0x3FBB] =	sst s10  }
0x38: {  	s10 =	sld [smem:$0x3FBC]  }
0x39: {  	_ = 	snop;
	(pc) =	sbr.ind lr, $3  }
0x3a: {  	_ = 	snop  }
0x3b: {  	_ = 	snop  }
0x3c: {  	p2 =	seq.s32 s10, $0x1;
	s10 =	sld [smem:$0x3FBB]  }
0x3d: {  	_ =	shalt  }
0x3e: {  	_ =	shalt  }
0x3f: {  	_ =	shalt  }
0x40: {  	_ =	shalt  }
0x41: {  	_ =	shalt  }
0x42: {  	_ =	shalt  }
0x43: {  	_ =	shalt  }
0x44: {  	_ =	shalt  }
0x45: {  	_ =	shalt  }
0x46: {  	_ =	shalt  }
0x47: {  	_ =	shalt  }
0x48: {  	_ =	shalt  }
0x49: {  	_ =	shalt  }
0x4a: {  	_ =	shalt  }
0x4b: {  	_ =	shalt  }
0x4c: {  	_ =	shalt  }
0x4d: {  	_ =	shalt  }
0x4e: {  	_ =	shalt  }
0x4f: {  	_ =	shalt  }
0x50: {  	_ =	shalt  }
0x51: {  	_ =	shalt  }
0x52: {  	_ =	shalt  }
0x53: {  	_ =	shalt  }
0x54: {  	_ =	shalt  }
0x55: {  	_ =	shalt  }
0x56: {  	_ =	shalt  }
0x57: {  	_ =	shalt  }
0x58: {  	_ =	shalt  }
0x59: {  	_ =	shalt  }
0x5a: {  	_ =	shalt  }
0x5b: {  	_ =	shalt  }
0x5c: {  	_ =	shalt  }
0x5d: {  	_ =	shalt  }
0x5e: {  	_ =	shalt  }
0x5f: {  	_ =	shalt  }
0x60: {  	_ =	shalt  }
0x61: {  	_ =	shalt  }
0x62: {  	_ =	shalt  }
0x63: {  	_ =	shalt  }
0x64: {  	_ =	shalt  }
0x65: {  	_ =	shalt  }
0x66: {  	_ =	shalt  }
0x67: {  	_ =	shalt  }
0x68: {  	_ =	shalt  }
0x69: {  	_ =	shalt  }
0x6a: {  	_ =	shalt  }
0x6b: {  	_ =	shalt  }
0x6c: {  	_ =	shalt  }
0x6d: {  	_ =	shalt  }
0x6e: {  	_ =	shalt  }
0x6f: {  	_ =	shalt  }
0x70: {  	_ =	shalt  }
0x71: {  	_ =	shalt  }
0x72: {  	_ =	shalt  }
0x73: {  	_ =	shalt  }
0x74: {  	_ =	shalt  }
0x75: {  	_ =	shalt  }
0x76: {  	_ =	shalt  }
0x77: {  	_ =	shalt  }
0x78: {  	_ =	shalt  }
0x79: {  	_ =	shalt  }
0x7a: {  	_ =	shalt  }
0x7b: {  	_ =	shalt  }
0x7c: {  	_ =	shalt  }
0x7d: {  	_ =	shalt  }
0x7e: {  	_ =	shalt  }
0x7f: {  	_ =	shalt  }
0x80: {  	_ =	shalt  }
0x81: {  	_ =	shalt  }
0x82: {  	_ =	shalt  }
0x83: {  	_ =	shalt  }
0x84: {  	_ =	shalt  }
0x85: {  	_ =	shalt  }
0x86: {  	_ =	shalt  }
0x87: {  	_ =	shalt  }
.Lfunc_end0:
.L_simem_size_0:
called_computation_lowered:
.L_overlay_start_0:
0x88: {  	s2 =	sld [smem:$0x3FD9]  }
0x89: {  	s3 =	sld [smem:$0x3FFE];
	_ =	sdelay $0x1  }
0x8a: {  	s1 =	srdreg.scid  }
0x8b: {  	s0 =	sand.u32 $0x1, s1  }
0x8c: {  	s17 =	sshll.u32 s0, $0xA;
	s2 =	sadd.s32 s3, s2  }
0x8d: {  	s2 =	sadd.s32 s2, s17  }
0x8e: {  	[smem:$0x3FC7] =	sst s2  }
0x8f: {  	_ = 	snop  }
0x90: {  	s2 =	sld [smem:$0x3FC9];
	(tm) =	ssettm $0x1  }
0x91: {  	s18 =	sld [smem:$0x3FFB];
	_ =	sdelay $0x3  }
0x92: {  	_ =	strace s18  }
0x93: {  	s3 =	sld [smem:$0x3FFC];
	_ =	sdelay $0x3  }
0x94: {  	_ =	strace s3  }
0x95: {  	s3 =	sld [smem:$0x3FFD];
	_ =	sdelay $0x3  }
0x96: {  	_ =	strace s3  }
0x97: {  	_ =	strace $0x8FFFFFFF  }
0x98: {  	s19 =	sld [smem:$0x3FDB];
	_ =	sdelay $0x1  }
0x99: {  	s4 =	simm.s32 $_scs_section_size  }
0x9a: {  	s5 =	simm.s32 $_size__tile_overlayer_lowered;
	s6 =	simm.s32 $_tile_overlayer_lowered  }
0x9b: {  	s22 =	simm.s32 $0x1BFF;
	s21 =	sshll.u32 s6, $0x1;
	s3 =	sadd.s32 s4, s19  }
0x9c: {  	s7 =	simm.s32 $0x0;
	s20 =	sshll.u32 s5, $0x1;
	s5 =	sadd.s32 s21, s3  }
0x9d: {  	[timem:s7], [sflag:s22] =	dma.local [hbm:s5], s20  }
0x9e: {  	_ =	swait.ge [sflag:s22], s20  }
0x9f: {  	s4 =	ssub.s32 $0x0, s20;
	[sflag:s22] =	ssyncset.done $0x0  }
0xa0: {  	[sflag:s22] =	ssyncadd.s32 s4;
	_ =	sdelay $0x1  }
0xa1: {  	s23 =	simm.s32 $0x1B8B  }
0xa2: {  	_ =	swait.ge [sflag:s23], $0x1  }
0xa3: {  	[sflag:s23] =	ssyncset.done $0x0  }
0xa4: {  	s25 =	simm.s32 $0x1B8E;
	s24 =	sld [smem:$0x3FFE];
	[sflag:s23] =	ssyncadd.s32 $0xFFFFFFFF  }
0xa5: {  	s26 =	simm.s32 $execute0_lowered;
	[smem:$0x3FD2] =	sst s25  }
0xa6: {  	s5 =	sshll.u32 s26, $0x1;
	_ =	strace $0x80000046;
	[dreg:$0x1] =	wrdreg $0xFFFFFFFF  }
0xa7: {  	s28 =	simm.s32 $_size_execute0_lowered;
	s3 =	sadd.s32 s3, s5;
	[dreg:$0x0] =	wrdreg $0x0  }
0xa8: {  	s5 =	sshll.u32 s28, $0x1;
	[dreg:$0x2] =	wrdreg s3  }
0xa9: {  	[dreg:$0x3] =	wrdreg s5  }
0xaa: {  	[dreg:$0x4] =	wrdreg $0xC0  }
0xab: {  	_ =	task [dreg:s7], $0x5FFFF  }
0xac: {  	[dreg:$0x1] =	wrdreg $0xFFFFFFFF  }
0xad: {  	[dreg:$0x0] =	wrdreg $0x60  }
0xae: {  	[dreg:$0x2] =	wrdreg s2  }
0xaf: {  	[dreg:$0x3] =	wrdreg s24  }
0xb0: {  	[dreg:$0x4] =	wrdreg $0x9  }
0xb1: {  	_ =	task.clear_ibuf [dreg:s7], $0x5FFFF;
	_ =	strace $0x90000046  }
0xb2: {  	s29 =	simm.s32 $0x9;
	_ =	strace $0x80000048  }
0xb3: {  	_ =	swait.ge [sflag:s29], $0x1  }
0xb4: {  	[sflag:s29] =	ssyncadd.s32 $0xFFFFFFFF  }
0xb5: {  	_ =	strace $0x90000048  }
0xb6: {  	_ =	sfence  }
0xb7: {  	s30 =	sld [smem:$0x0];
	_ =	sdelay $0x2  }
0xb8: {  	s31 =	sshll.u32 s1, $0xD;
	s1 =	sshrl.u32 s1, $0x2  }
0xb9: {  	s3 =	sand.u32 $0x4000, s31;
	s1 =	sadd.s32 s1, s30  }
0xba: {  	s0 =	sor.u32 s3, s0;
	s1 =	sshll.u32 s1, $0x11  }
0xbb: {  	s0 =	sor.u32 s1, s0  }
0xbc: {  	s0 =	sadd.s32 $0x8F2B, s0  }
0xbd: {  	[sflag:s0] =	ssyncadd.remote.s32 $0x1  }
0xbe: {  	_ =	sfence.sel $0xFFFF  }
0xbf: {  	[dreg:$0x0] =	wrdreg $0xFFFFFFFF;
	(pc) =	sbr.abs _section_cstart, $3  }
0xc0: {  	[dreg:$0x1] =	wrdreg $0xFFFFFFFF  }
0xc1: {  	_ =	task.clear_ibuf [dreg:s7], $0x2FFFF;
	_ =	strace $0x9FFFFFFF  }
0xc2: {  	(tm) =	ssettm $0x7FFFFFFF  }
0xc3: {  	_ =	shalt  }
tec
execute0_lowered:
.L_overlay_start_1:
0x0: {  	(tag) =	ssettag $0x1  }
0x1: {  	s0 =	rddreg [dreg:$0x0]  }
0x2: {  	s1 =	rddreg [dreg:$0x1];
	s3 =	srdreg.scid;
	s2 =	simm.s32 $0x0  }
0x3: {  	s6 =	stileid.u32;
	s19 =	simm.s32 $0x7;
	s20 =	simm.s32 $0x8  }
0x4: {  	s3 =	sand.u32 $0x1, s3;
	[smem:$0x7FF] =	sst s2;
	s4 =	sshll.u32 s6, $0x4  }
0x5: {  	s21 =	sshll.u32 s6, $0x8;
	s26 =	sadd.s32 $0x2000, s0;
	s12 =	sadd.s32 $0x4000, s0  }
0x6: {  	s5 =	sshll.u32 s3, $0x4;
	_ =	strace $0x80000047;
	s4 =	sand.u32 $0x70, s4  }
0x7: {  	v0 =	vimm.s32 $0xFEDCBA98;
	v1 =	vimm.s32 $0x76543210;
	s3 =	ssub.s32 $0x2, s3;
	s22 =	sand.u32 $0x300, s21;
	s7 =	sor.u32 s6, s5  }
0x8: {  	v2 =	vimm.s32 $0xBA98FEDC;
	v3 =	vimm.s32 $0x32107654;
	v4 =	vimm.s32 $0xDCFE98BA;
	s1 =	sadd.s32 s4, s1;
	s23 =	sshrl.u32 s3, $0x1;
	s14 =	sor.u32 $0x80, s22  }
0x9: {  	v5 =	vimm.s32 $0x54761032;
	v6 =	vimm.s32 $0xEFCDAB89;
	v7 =	vimm.s32 $0x67452301;
	s8 =	sshll.u32 s7, $0x10;
	s11 =	ssub.s32 s3, s23;
	s28 =	sshll.u32 s7, $0x4  }
0xa: {  	v0 =	vunpack.c.l.s4.s8 v0;
	v1 =	vunpack.c.l.s4.s8 v1;
	v2 =	vunpack.c.l.s4.s8 v2;
	s23 =	simm.s32 $0x0;
	s9 =	sand.u32 $0x1C0000, s8;
	s10 =	sor.u32 s22, s8  }
0xb: {  	v3 =	vunpack.c.l.s4.s8 v3;
	v4 =	vunpack.c.l.s4.s8 v4;
	v5 =	vunpack.c.l.s4.s8 v5;
	s8 =	sor.u32 s14, s8;
	s31 =	smax.u32 s11, $0x1;
	s24 =	sor.u32 s22, s9  }
0xc: {  	v6 =	vunpack.c.l.s4.s8 v6;
	v7 =	vunpack.c.l.s4.s8 v7;
	v0 =	vunpack.c.0.s8.s32 v0;
	s25 =	sshrl.u32 s10, $0x3;
	s9 =	sor.u32 s14, s9;
	s14 =	sshrl.u32 s8, $0x3  }
0xd: {  	v2 =	vunpack.c.0.s8.s32 v2;
	v3 =	vunpack.c.0.s8.s32 v3;
	v4 =	vunpack.c.0.s8.s32 v4;
	[dreg:$0x4] =	wrdreg s31;
	s22 =	simm.s32 $0x9;
	s6 =	sshrl.u32 s24, $0x3  }
0xe: {  	v5 =	vunpack.c.0.s8.s32 v5;
	v6 =	vunpack.c.0.s8.s32 v6;
	v7 =	vunpack.c.0.s8.s32 v7;
	s13 =	sor.u32 $0x6000, s25;
	s3 =	sadd.s32 s0, s6;
	s4 =	sadd.s32 s6, s26  }
0xf: {  	v1 =	vunpack.c.0.s8.s32 v1;
	v2 =	vcombine.low v3, v2;
	s5 =	sadd.s32 s6, s12;
	s6 =	sadd.s32 s0, s13;
	s13 =	sand.u32 $0x180, s28  }
0x10: {  	v3 =	vcombine.low v5, v4;
	v4 =	vand.u32 $0xF, v0;
	v5 =	vcombine.low v7, v6;
	s9 =	sshrl.u32 s9, $0x3;
	s29 =	sor.u32 $0x6000, s14;
	s1 =	sadd.s32 s13, s1  }
0x11: {  	vm0 =	vcmask $0x308;
	v0 =	vlaneseq.u32;
	v1 =	vcombine.low v4, v1;
	s7 =	sadd.s32 s0, s9;
	s8 =	sadd.s32 s9, s26;
	s30 =	sadd.s32 $0x400, s1  }
0x12: {  	v2 =	vand.u32 $0xF, v2;
	v3 =	vand.u32 $0xF, v3;
	v4 =	vand.u32 $0xF, v5;
	s9 =	sadd.s32 s9, s12;
	s10 =	sadd.s32 s0, s29;
	[dreg:$0x3] =	wrdreg s30  }
.LBB2_1:
0x13: {  	s0 =	simm.s32 $0x80  }
0x14: {  	s21 =	sadd.s32 $0x0, s3;
	s1 =	simm.s32 $0x100;
	s11 =	simm.s32 $0x0  }
.LBB2_2:
0x15: {  	[tilespmem:s11], [sflag:$0x1] =	stream.linear.gather [hbm4b:s21+s2], $0x80, $0x38;
	[tilespmem:$0x10080] =	vst v63  }
0x16: {  	s12 =	smov.u32 s0;
	s11 =	smov.u32 s1;
	p0 =	sne.s32 s0, $0x1F80  }
.Ltmp0:
0x17: {  	s0 =	sadd.s32 $0x80, s0;
	(pc) =	sbr.rel @p0 .LBB2_2-.Ltmp0, $2  }
0x18: {  	_ =	sdelay $0x2  }
0x19: {  	s1 =	sadd.s32 $0x100, s1;
	s21 =	sadd.s32 s12, s3  }
0x1a: {  	[tilespmem:s11], [sflag:$0x1] =	stream.linear.gather [hbm4b:s21+s2], $0x80, $0x38;
	[tilespmem:$0x10080] =	vst v63  }
0x1b: {  	s0 =	simm.s32 $0x4000  }
0x1c: {  	s1 =	simm.s32 $0x80;
	s12 =	sadd.s32 $0x0, s4;
	s11 =	simm.s32 $0x4100  }
.LBB2_4:
0x1d: {  	[tilespmem:s0], [sflag:$0x2] =	stream.linear.gather [hbm4b:s12+s2], $0x80, $0x38;
	[tilespmem:$0x10080] =	vst v63  }
0x1e: {  	s12 =	smov.u32 s1;
	s0 =	smov.u32 s11;
	p0 =	sne.s32 s1, $0x1F80  }
.Ltmp1:
0x1f: {  	s1 =	sadd.s32 $0x80, s1;
	(pc) =	sbr.rel @p0 .LBB2_4-.Ltmp1, $2  }
0x20: {  	_ =	sdelay $0x2  }
0x21: {  	s11 =	sadd.s32 $0x100, s11;
	s12 =	sadd.s32 s12, s4  }
0x22: {  	[tilespmem:s0], [sflag:$0x2] =	stream.linear.gather [hbm4b:s12+s2], $0x80, $0x38;
	[tilespmem:$0x10080] =	vst v63  }
0x23: {  	s0 =	simm.s32 $0x8000  }
0x24: {  	s1 =	simm.s32 $0x80;
	s12 =	sadd.s32 $0x0, s5;
	s11 =	simm.s32 $0x8100  }
.LBB2_6:
0x25: {  	[tilespmem:s0], [sflag:$0x3] =	stream.linear.gather [hbm4b:s12+s2], $0x80, $0x38;
	[tilespmem:$0x10080] =	vst v63  }
0x26: {  	s12 =	smov.u32 s1;
	s0 =	smov.u32 s11;
	p0 =	sne.s32 s1, $0x1F80  }
.Ltmp2:
0x27: {  	s1 =	sadd.s32 $0x80, s1;
	(pc) =	sbr.rel @p0 .LBB2_6-.Ltmp2, $2  }
0x28: {  	_ =	sdelay $0x2  }
0x29: {  	s11 =	sadd.s32 $0x100, s11;
	s12 =	sadd.s32 s12, s5  }
0x2a: {  	[tilespmem:s0], [sflag:$0x3] =	stream.linear.gather [hbm4b:s12+s2], $0x80, $0x38;
	[tilespmem:$0x10080] =	vst v63  }
0x2b: {  	s0 =	simm.s32 $0xC000  }
0x2c: {  	s1 =	simm.s32 $0x80;
	s12 =	sadd.s32 $0x0, s6;
	s11 =	simm.s32 $0xC100  }
.LBB2_8:
0x2d: {  	[tilespmem:s0], [sflag:$0x4] =	stream.linear.gather [hbm4b:s12+s2], $0x80, $0x38;
	[tilespmem:$0x10080] =	vst v63  }
0x2e: {  	s12 =	smov.u32 s1;
	s0 =	smov.u32 s11;
	p0 =	sne.s32 s1, $0x1F80  }
.Ltmp3:
0x2f: {  	s1 =	sadd.s32 $0x80, s1;
	(pc) =	sbr.rel @p0 .LBB2_8-.Ltmp3, $2  }
0x30: {  	_ =	sdelay $0x2  }
0x31: {  	s11 =	sadd.s32 $0x100, s11;
	s12 =	sadd.s32 s12, s6  }
0x32: {  	[tilespmem:s0], [sflag:$0x4] =	stream.linear.gather [hbm4b:s12+s2], $0x80, $0x38;
	[tilespmem:$0x10080] =	vst v63  }
0x33: {  	s0 =	simm.s32 $0x80  }
0x34: {  	s1 =	simm.s32 $0x80;
	s12 =	sadd.s32 $0x0, s7;
	s11 =	simm.s32 $0x180  }
.LBB2_10:
0x35: {  	[tilespmem:s0], [sflag:$0x5] =	stream.linear.gather [hbm4b:s12+s2], $0x80, $0x38;
	[tilespmem:$0x10080] =	vst v63  }
0x36: {  	s12 =	smov.u32 s1;
	s0 =	smov.u32 s11;
	p0 =	sne.s32 s1, $0x1F80  }
.Ltmp4:
0x37: {  	s1 =	sadd.s32 $0x80, s1;
	(pc) =	sbr.rel @p0 .LBB2_10-.Ltmp4, $2  }
0x38: {  	_ =	sdelay $0x2  }
0x39: {  	s11 =	sadd.s32 $0x100, s11;
	s12 =	sadd.s32 s12, s7  }
0x3a: {  	[tilespmem:s0], [sflag:$0x5] =	stream.linear.gather [hbm4b:s12+s2], $0x80, $0x38;
	[tilespmem:$0x10080] =	vst v63  }
0x3b: {  	s0 =	simm.s32 $0x4080  }
0x3c: {  	s1 =	simm.s32 $0x80;
	s12 =	sadd.s32 $0x0, s8;
	s11 =	simm.s32 $0x4180  }
.LBB2_12:
0x3d: {  	[tilespmem:s0], [sflag:$0x6] =	stream.linear.gather [hbm4b:s12+s2], $0x80, $0x38;
	[tilespmem:$0x10080] =	vst v63  }
0x3e: {  	s12 =	smov.u32 s1;
	s0 =	smov.u32 s11;
	p0 =	sne.s32 s1, $0x1F80  }
.Ltmp5:
0x3f: {  	s1 =	sadd.s32 $0x80, s1;
	(pc) =	sbr.rel @p0 .LBB2_12-.Ltmp5, $2  }
0x40: {  	_ =	sdelay $0x2  }
0x41: {  	s11 =	sadd.s32 $0x100, s11;
	s12 =	sadd.s32 s12, s8  }
0x42: {  	[tilespmem:s0], [sflag:$0x6] =	stream.linear.gather [hbm4b:s12+s2], $0x80, $0x38;
	[tilespmem:$0x10080] =	vst v63  }
0x43: {  	s0 =	simm.s32 $0x8080  }
0x44: {  	s1 =	simm.s32 $0x80;
	s12 =	sadd.s32 $0x0, s9;
	s11 =	simm.s32 $0x8180  }
.LBB2_14:
0x45: {  	[tilespmem:s0], [sflag:$0x7] =	stream.linear.gather [hbm4b:s12+s2], $0x80, $0x38;
	[tilespmem:$0x10080] =	vst v63  }
0x46: {  	s12 =	smov.u32 s1;
	s0 =	smov.u32 s11;
	p0 =	sne.s32 s1, $0x1F80  }
.Ltmp6:
0x47: {  	s1 =	sadd.s32 $0x80, s1;
	(pc) =	sbr.rel @p0 .LBB2_14-.Ltmp6, $2  }
0x48: {  	_ =	sdelay $0x2  }
0x49: {  	s11 =	sadd.s32 $0x100, s11;
	s12 =	sadd.s32 s12, s9  }
0x4a: {  	[tilespmem:s0], [sflag:$0x7] =	stream.linear.gather [hbm4b:s12+s2], $0x80, $0x38;
	[tilespmem:$0x10080] =	vst v63  }
0x4b: {  	s0 =	simm.s32 $0xC080  }
0x4c: {  	s1 =	simm.s32 $0x80;
	s12 =	sadd.s32 $0x0, s10;
	s11 =	simm.s32 $0xC180  }
.LBB2_16:
0x4d: {  	[tilespmem:s0], [sflag:$0x8] =	stream.linear.gather [hbm4b:s12+s2], $0x80, $0x38;
	[tilespmem:$0x10080] =	vst v63  }
0x4e: {  	s12 =	smov.u32 s1;
	s0 =	smov.u32 s11;
	p0 =	sne.s32 s1, $0x1F80  }
.Ltmp7:
0x4f: {  	s1 =	sadd.s32 $0x80, s1;
	(pc) =	sbr.rel @p0 .LBB2_16-.Ltmp7, $2  }
0x50: {  	_ =	sdelay $0x2  }
0x51: {  	s11 =	sadd.s32 $0x100, s11;
	s12 =	sadd.s32 s12, s10  }
0x52: {  	[tilespmem:s0], [sflag:$0x8] =	stream.linear.gather [hbm4b:s12+s2], $0x80, $0x38;
	[tilespmem:$0x10080] =	vst v63  }
0x53: {  	s26 =	simm.s32 $0x1  }
0x54: {  	_ =	swait.ge [sflag:s26], $0x2000  }
0x55: {  	[sflag:s26] =	ssyncset.done $0x0  }
0x56: {  	s28 =	simm.s32 $0x100;
	[sflag:s26] =	ssyncadd.s32 $0xFFFFE000  }
0x57: {  	v7 =	vld [tilespmem:s28+$0x70]  }
0x58: {  	v8 =	vld [tilespmem:s28+$0xFFFFFF30]  }
0x59: {  	v10 =	vld [tilespmem:s28+$0xFFFFFF20]  }
0x5a: {  	v11 =	vld [tilespmem:s28+$0xFFFFFF10]  }
0x5b: {  	v16 =	vld [tilespmem:s28+$0xFFFFFF00]  }
0x5c: {  	v14 =	vld [tilespmem:s28+$0x30]  }
0x5d: {  	v5 =	vld [tilespmem:s28+$0xFFFFFF70]  }
0x5e: {  	v13 =	vimm.f32 $-Inf;
	v6 =	vld [tilespmem:s28+$0xFFFFFF60]  }
0x5f: {  	v9 =	vimm.s32 $0x0;
	v19 =	vld [tilespmem:s28+$0xFFFFFF40];
	vm1 =	vgt.f32 v8, v13;
	v8 =	vmax.f32 v8, v13  }
0x60: {  	s1 =	simm.s32 $0x30;
	v18 =	vld [tilespmem:s28+$0x0];
	v17 =	vmax.f32 v10, v13;
	vm2 =	vgt.f32 v11, v13;
	vm4 =	vgt.f32 v16, v13  }
0x61: {  	v15 =	vld [tilespmem:s28+$0x40];
	v11 =	vmax.f32 v11, v13;
	v16 =	vmax.f32 v16, v13;
	v20 =	vsel vm1, s1, v9  }
0x62: {  	s29 =	simm.s32 $0x20;
	s11 =	simm.s32 $0x70;
	vm3 =	vgt.f32 v5, v8;
	v21 =	vmax.f32 v5, v8;
	v8 =	vld [tilespmem:s28+$0x20];
	vm1 =	vgt.f32 v10, v13  }
0x63: {  	v10 =	vld [tilespmem:s28+$0x10];
	v22 =	vmax.f32 v14, v21;
	v12 =	vsel vm1, s29, v9;
	v13 =	vsel vm3, s11, v20  }
0x64: {  	s30 =	simm.s32 $0x0;
	v20 =	vmax.f32 v19, v16;
	v5 =	vmax.f32 v7, v22;
	vm1 =	vgt.f32 v7, v22;
	v7 =	vld [tilespmem:s28+$0x60]  }
0x65: {  	s24 =	simm.s32 $0xF0;
	s25 =	simm.s32 $0x1F0;
	s31 =	simm.s32 $0x40;
	vm3 =	vgt.f32 v14, v21;
	v22 =	vsel vm4, s30, v9;
	vm4 =	vgt.f32 v19, v16;
	v16 =	vld [tilespmem:s28+$0xFFFFFF50]  }
0x66: {  	s26 =	simm.s32 $0x300;
	s1 =	simm.s32 $0xC0;
	s11 =	simm.s32 $0x80;
	v14 =	vld [tilespmem:s28+$0x50];
	v19 =	vmax.f32 v6, v17;
	v21 =	vsel vm4, s31, v22;
	vm4 =	vgt.f32 v18, v20  }
.LBB2_18:
0x67: {  	v22 =	vld [tilespmem:s26+$0x70];
	p0 =	sne.s32 s25, $0x1FF0;
	vm5 =	vgt.f32 v6, v17;
	v6 =	vmax.f32 v18, v20;
	v17 =	vsel vm4, s11, v21;
	s0 =	smov.u32 s25;
	s25 =	sadd.s32 $0x100, s25  }
0x68: {  	s11 =	sadd.s32 $0xFFFFFF20, s24;
	v18 =	vmax.f32 v8, v19;
	v21 =	vld [tilespmem:s26+$0x30];
	vm4 =	vgt.f32 v15, v6;
	v20 =	vmax.f32 v15, v6  }
0x69: {  	v9 =	vsel vm2, s11, v9;
	s11 =	sadd.s32 $0xFFFFFF70, s24;
	v15 =	vld [tilespmem:s26+$0xFFFFFF70];
	v23 =	vsel vm4, s1, v17;
	vm2 =	vgt.f32 v7, v18  }
0x6a: {  	v12 =	vsel vm5, s11, v12;
	s1 =	sadd.s32 $0xFFFFFFB0, s24;
	vm4 =	vgt.f32 v8, v19;
	s11 =	sadd.s32 $0xFFFFFFC0, s24;
	v17 =	vld [tilespmem:s26+$0xFFFFFF30];
	v24 =	vmax.f32 v16, v11  }
0x6b: {  	s12 =	sadd.s32 $0xFFFFFF60, s24;
	vm5 =	vgt.f32 v16, v11;
	v8 =	vsel vm4, s1, v12;
	v11 =	vsel vm3, s11, v13;
	s1 =	sadd.s32 $0xFFFFFFF0, s24;
	v6 =	vld [tilespmem:s26+$0xFFFFFF60]  }
0x6c: {  	s11 =	sadd.s32 $0xFFFFFFA0, s24;
	vm3 =	vgt.f32 v10, v24;
	v10 =	vmax.f32 v10, v24;
	v13 =	vsel vm2, s1, v8;
	v12 =	vld [tilespmem:s26+$0xFFFFFF20]  }
0x6d: {  	v8 =	vsel vm5, s12, v9;
	s1 =	sadd.s32 $0xFFFFFFE0, s24;
	vm2 =	vgt.f32 v14, v10;
	v10 =	vmax.f32 v14, v10;
	v16 =	vld [tilespmem:s26+$0xFFFFFF10]  }
0x6e: {  	v7 =	vmax.f32 v7, v18;
	v11 =	vsel vm1, s24, v11;
	s24 =	smov.u32 s0;
	v8 =	vsel vm3, s11, v8;
	v14 =	vld [tilespmem:s26+$0xFFFFFF00]  }
0x6f: {  	s0 =	sadd.s32 $0xFFFFFF40, s24;
	v9 =	vsel vm2, s1, v8;
	vm1 =	vgt.f32 v17, v5;
	v5 =	vmax.f32 v17, v5;
	v19 =	vld [tilespmem:s26+$0xFFFFFF40]  }
0x70: {  	v24 =	vsel vm1, s0, v11;
	vm3 =	vgt.f32 v15, v5;
	v25 =	vmax.f32 v15, v5;
	v8 =	vld [tilespmem:s26+$0x20]  }
0x71: {  	s0 =	sadd.s32 $0xFFFFFF30, s24;
	vm1 =	vgt.f32 v12, v7;
	v17 =	vmax.f32 v12, v7;
	v18 =	vld [tilespmem:s26+$0x0];
	v7 =	vmax.f32 v21, v25  }
.Ltmp8:
0x72: {  	vm2 =	vgt.f32 v16, v10;
	v12 =	vsel vm1, s0, v13;
	v15 =	vld [tilespmem:s26+$0x40];
	v5 =	vmax.f32 v22, v7;
	(pc) =	sbr.rel @p0 .LBB2_18-.Ltmp8, $4  }
0x73: {  	s1 =	sadd.s32 $0xFFFFFF80, s24;
	s0 =	sadd.s32 $0xFFFFFF10, s24;
	v11 =	vmax.f32 v16, v10;
	vm1 =	vgt.f32 v22, v7;
	vm4 =	vgt.f32 v14, v20;
	v10 =	vld [tilespmem:s26+$0x10]  }
0x74: {  	v13 =	vsel vm3, s1, v24;
	v14 =	vmax.f32 v14, v20;
	v22 =	vsel vm4, s0, v23;
	s0 =	sadd.s32 $0xFFFFFF50, s24;
	v7 =	vld [tilespmem:s26+$0x60]  }
0x75: {  	s11 =	sadd.s32 $0xFFFFFF90, s24;
	vm3 =	vgt.f32 v21, v25;
	vm4 =	vgt.f32 v19, v14;
	v20 =	vmax.f32 v19, v14;
	v16 =	vld [tilespmem:s26+$0xFFFFFF50]  }
0x76: {  	s1 =	sadd.s32 $0xFFFFFFD0, s24;
	v19 =	vmax.f32 v6, v17;
	v21 =	vsel vm4, s0, v22;
	vm4 =	vgt.f32 v18, v20;
	v14 =	vld [tilespmem:s26+$0x50];
	s26 =	sadd.s32 $0x200, s26  }
0x77: {  	s0 =	simm.s32 $0x2  }
0x78: {  	_ =	swait.ge [sflag:s0], $0x2000  }
0x79: {  	[sflag:s0] =	ssyncset.done $0x0  }
0x7a: {  	[sflag:s0] =	ssyncadd.s32 $0xFFFFE000;
	s0 =	simm.s32 $0x4170  }
0x7b: {  	vm5 =	vgt.f32 v6, v17;
	v6 =	vmax.f32 v18, v20;
	v17 =	vsel vm4, s11, v21;
	v18 =	vld [tilespmem:s0+$0x0]  }
0x7c: {  	s12 =	sadd.s32 $0xFFFFFF20, s24;
	v20 =	vmax.f32 v8, v19;
	s13 =	sadd.s32 $0xFFFFFF70, s24;
	vm4 =	vgt.f32 v15, v6;
	v15 =	vmax.f32 v15, v6;
	v21 =	vld [tilespmem:s0+$0xFFFFFFC0]  }
0x7d: {  	s15 =	sadd.s32 $0xFFFFFFC0, s24;
	v9 =	vsel vm2, s12, v9;
	v6 =	vsel vm5, s13, v12;
	v22 =	vsel vm4, s1, v17;
	v17 =	vld [tilespmem:s0+$0xFFFFFF00]  }
0x7e: {  	s14 =	sadd.s32 $0xFFFFFFB0, s24;
	v12 =	vsel vm3, s15, v13;
	vm2 =	vgt.f32 v7, v20;
	vm4 =	vgt.f32 v8, v19;
	v8 =	vld [tilespmem:s0+$0xFFFFFEC0]  }
0x7f: {  	s16 =	sadd.s32 $0xFFFFFFF0, s24;
	v23 =	vmax.f32 v16, v11;
	vm5 =	vgt.f32 v16, v11;
	v11 =	vsel vm4, s14, v6;
	v19 =	vld [tilespmem:s0+$0xFFFFFE90]  }
0x80: {  	s17 =	sadd.s32 $0xFFFFFF60, s24;
	vm3 =	vgt.f32 v10, v23;
	v10 =	vmax.f32 v10, v23;
	v13 =	vsel vm2, s16, v11;
	v16 =	vld [tilespmem:s0+$0xFFFFFEB0]  }
0x81: {  	s18 =	sadd.s32 $0xFFFFFFA0, s24;
	v9 =	vsel vm5, s17, v9;
	vm2 =	vgt.f32 v14, v10;
	v10 =	vmax.f32 v14, v10;
	v14 =	vld [tilespmem:s0+$0xFFFFFEA0]  }
0x82: {  	s21 =	sadd.s32 $0xFFFFFFE0, s24;
	v7 =	vmax.f32 v7, v20;
	v12 =	vsel vm1, s24, v12;
	v20 =	vld [tilespmem:s0+$0xFFFFFED0];
	v9 =	vsel vm3, s18, v9  }
0x83: {  	s25 =	simm.s32 $0x2030;
	v6 =	vld [tilespmem:s0+$0xFFFFFEF0];
	v11 =	vsel vm2, s21, v9;
	vm1 =	vgt.f32 v8, v5;
	v5 =	vmax.f32 v8, v5  }
0x84: {  	v9 =	vld [tilespmem:s0+$0xFFFFFF90];
	vm4 =	vgt.f32 v19, v15;
	v15 =	vmax.f32 v19, v15;
	v8 =	vsel vm1, s25, v12  }
0x85: {  	vm3 =	vgt.f32 v17, v5;
	v23 =	vmax.f32 v17, v5;
	v5 =	vld [tilespmem:s0+$0xFFFFFFB0];
	vm1 =	vgt.f32 v16, v7  }
0x86: {  	s29 =	simm.s32 $0x2000;
	v17 =	vmax.f32 v16, v7;
	vm2 =	vgt.f32 v14, v10;
	v16 =	vld [tilespmem:s0+$0xFFFFFFD0];
	v12 =	vmax.f32 v14, v10  }
0x87: {  	s26 =	simm.s32 $0x2020;
	s30 =	simm.s32 $0x2070;
	v10 =	vld [tilespmem:s0+$0xFFFFFFA0];
	v19 =	vsel vm4, s29, v22;
	vm4 =	vgt.f32 v20, v15;
	v20 =	vmax.f32 v20, v15  }
0x88: {  	v24 =	vmax.f32 v21, v23;
	v13 =	vsel vm1, s26, v13;
	v14 =	vsel vm3, s30, v8;
	v8 =	vld [tilespmem:s0+$0xFFFFFFF0]  }
0x89: {  	s28 =	simm.s32 $0x20F0;
	s31 =	simm.s32 $0x2040;
	s11 =	simm.s32 $0x2080;
	vm3 =	vgt.f32 v21, v23;
	v7 =	vmax.f32 v18, v24;
	vm1 =	vgt.f32 v18, v24;
	v18 =	vld [tilespmem:s0+$0xFFFFFEE0]  }
0x8a: {  	s24 =	simm.s32 $0x21F0;
	s1 =	simm.s32 $0x20C0;
	v15 =	vld [tilespmem:s0+$0xFFFFFFE0];
	s25 =	simm.s32 $0x4370;
	v21 =	vsel vm4, s31, v19;
	v19 =	vmax.f32 v6, v17;
	vm4 =	vgt.f32 v9, v20  }
.LBB2_20:
0x8b: {  	v22 =	vld [tilespmem:s25+$0x0];
	p0 =	sne.s32 s24, $0x3FF0;
	vm5 =	vgt.f32 v6, v17;
	v6 =	vmax.f32 v9, v20;
	v9 =	vsel vm4, s11, v21;
	s0 =	smov.u32 s24;
	s24 =	sadd.s32 $0x100, s24  }
0x8c: {  	s11 =	sadd.s32 $0xFFFFFF20, s28;
	v17 =	vmax.f32 v5, v19;
	v21 =	vld [tilespmem:s25+$0xFFFFFFC0];
	vm4 =	vgt.f32 v16, v6;
	v20 =	vmax.f32 v16, v6  }
0x8d: {  	v11 =	vsel vm2, s11, v11;
	s11 =	sadd.s32 $0xFFFFFF70, s28;
	v16 =	vld [tilespmem:s25+$0xFFFFFF00];
	v23 =	vsel vm4, s1, v9;
	vm2 =	vgt.f32 v8, v17  }
0x8e: {  	v13 =	vsel vm5, s11, v13;
	s1 =	sadd.s32 $0xFFFFFFB0, s28;
	vm4 =	vgt.f32 v5, v19;
	s11 =	sadd.s32 $0xFFFFFFC0, s28;
	v9 =	vld [tilespmem:s25+$0xFFFFFEC0];
	v24 =	vmax.f32 v18, v12  }
0x8f: {  	s12 =	sadd.s32 $0xFFFFFF60, s28;
	vm5 =	vgt.f32 v18, v12;
	v5 =	vsel vm4, s1, v13;
	v12 =	vsel vm3, s11, v14;
	s1 =	sadd.s32 $0xFFFFFFF0, s28;
	v6 =	vld [tilespmem:s25+$0xFFFFFEF0]  }
0x90: {  	s11 =	sadd.s32 $0xFFFFFFA0, s28;
	vm3 =	vgt.f32 v10, v24;
	v10 =	vmax.f32 v10, v24;
	v14 =	vsel vm2, s1, v5;
	v13 =	vld [tilespmem:s25+$0xFFFFFEB0]  }
0x91: {  	v5 =	vsel vm5, s12, v11;
	s1 =	sadd.s32 $0xFFFFFFE0, s28;
	vm2 =	vgt.f32 v15, v10;
	v10 =	vmax.f32 v15, v10;
	v18 =	vld [tilespmem:s25+$0xFFFFFEA0]  }
0x92: {  	v8 =	vmax.f32 v8, v17;
	v12 =	vsel vm1, s28, v12;
	s28 =	smov.u32 s0;
	v5 =	vsel vm3, s11, v5;
	v15 =	vld [tilespmem:s25+$0xFFFFFE90]  }
0x93: {  	s0 =	sadd.s32 $0xFFFFFF40, s28;
	v11 =	vsel vm2, s1, v5;
	vm1 =	vgt.f32 v9, v7;
	v7 =	vmax.f32 v9, v7;
	v19 =	vld [tilespmem:s25+$0xFFFFFED0]  }
0x94: {  	v24 =	vsel vm1, s0, v12;
	vm3 =	vgt.f32 v16, v7;
	v25 =	vmax.f32 v16, v7;
	v5 =	vld [tilespmem:s25+$0xFFFFFFB0]  }
0x95: {  	s0 =	sadd.s32 $0xFFFFFF30, s28;
	vm1 =	vgt.f32 v13, v8;
	v17 =	vmax.f32 v13, v8;
	v9 =	vld [tilespmem:s25+$0xFFFFFF90];
	v8 =	vmax.f32 v21, v25  }
.Ltmp9:
0x96: {  	vm2 =	vgt.f32 v18, v10;
	v13 =	vsel vm1, s0, v14;
	v16 =	vld [tilespmem:s25+$0xFFFFFFD0];
	v7 =	vmax.f32 v22, v8;
	(pc) =	sbr.rel @p0 .LBB2_20-.Ltmp9, $4  }
0x97: {  	s1 =	sadd.s32 $0xFFFFFF80, s28;
	s0 =	sadd.s32 $0xFFFFFF10, s28;
	v12 =	vmax.f32 v18, v10;
	vm1 =	vgt.f32 v22, v8;
	vm4 =	vgt.f32 v15, v20;
	v10 =	vld [tilespmem:s25+$0xFFFFFFA0]  }
0x98: {  	v14 =	vsel vm3, s1, v24;
	v15 =	vmax.f32 v15, v20;
	v22 =	vsel vm4, s0, v23;
	s0 =	sadd.s32 $0xFFFFFF50, s28;
	v8 =	vld [tilespmem:s25+$0xFFFFFFF0]  }
0x99: {  	s11 =	sadd.s32 $0xFFFFFF90, s28;
	vm3 =	vgt.f32 v21, v25;
	vm4 =	vgt.f32 v19, v15;
	v20 =	vmax.f32 v19, v15;
	v18 =	vld [tilespmem:s25+$0xFFFFFEE0]  }
0x9a: {  	s1 =	sadd.s32 $0xFFFFFFD0, s28;
	v19 =	vmax.f32 v6, v17;
	v21 =	vsel vm4, s0, v22;
	vm4 =	vgt.f32 v9, v20;
	v15 =	vld [tilespmem:s25+$0xFFFFFFE0];
	s25 =	sadd.s32 $0x200, s25  }
0x9b: {  	s0 =	sadd.s32 $0xFFFFFF20, s28;
	s12 =	sadd.s32 $0xFFFFFF70, s28;
	s14 =	simm.s32 $0x3  }
0x9c: {  	s21 =	sadd.s32 $0xFFFFFFB0, s28;
	s29 =	sadd.s32 $0xFFFFFFC0, s28;
	_ =	swait.ge [sflag:s14], $0x2000  }
0x9d: {  	s30 =	sadd.s32 $0xFFFFFF60, s28;
	s31 =	sadd.s32 $0xFFFFFFF0, s28;
	[sflag:s14] =	ssyncset.done $0x0  }
0x9e: {  	s13 =	sadd.s32 $0xFFFFFFA0, s28;
	s26 =	simm.s32 $0x8100;
	[sflag:s14] =	ssyncadd.s32 $0xFFFFE000  }
0x9f: {  	v20 =	vmax.f32 v9, v20;
	v21 =	vsel vm4, s11, v21;
	s11 =	sadd.s32 $0xFFFFFFE0, s28;
	s24 =	simm.s32 $0x40F0;
	s16 =	simm.s32 $0x8060;
	v22 =	vmax.f32 v5, v19;
	v9 =	vld [tilespmem:s26+$0x0]  }
0xa0: {  	s25 =	simm.s32 $0x81E0;
	s17 =	simm.s32 $0x80A0;
	vm4 =	vgt.f32 v16, v20;
	v11 =	vsel vm2, s0, v11;
	vm2 =	vgt.f32 v6, v17;
	s18 =	sand.u32 $0xBE00, s16;
	v63 =	vld [tilespmem:s26+$0xFFFFFF00]  }
0xa1: {  	s15 =	simm.s32 $0x81A0;
	s0 =	sand.u32 $0xBE00, s17;
	v14 =	vsel vm3, s29, v14;
	v17 =	vsel vm4, s1, v21;
	v6 =	vsel vm2, s12, v13;
	s14 =	simm.s32 $0x80E0;
	v13 =	vld [tilespmem:s18+$0x30]  }
0xa2: {  	s16 =	simm.s32 $0x8080;
	s17 =	simm.s32 $0x81C0;
	vm2 =	vgt.f32 v5, v19;
	v19 =	vmax.f32 v16, v20;
	vm4 =	vgt.f32 v8, v22;
	v5 =	vld [tilespmem:s0+$0x50];
	s1 =	sand.u32 $0xBE00, s14  }
0xa3: {  	s29 =	sand.u32 $0xBF00, s15;
	v8 =	vmax.f32 v8, v22;
	v6 =	vsel vm2, s21, v6;
	v16 =	vmax.f32 v18, v12;
	s21 =	simm.s32 $0x8020;
	s0 =	sand.u32 $0xBE00, s16;
	v20 =	vld [tilespmem:s1+$0x70]  }
0xa4: {  	s15 =	simm.s32 $0x8040;
	vm2 =	vgt.f32 v18, v12;
	s18 =	simm.s32 $0x8160;
	vm3 =	vgt.f32 v10, v16;
	v10 =	vmax.f32 v10, v16;
	s12 =	sand.u32 $0xBE00, s21;
	v23 =	vld [tilespmem:s0+$0x40]  }
0xa5: {  	s26 =	simm.s32 $0x41F0;
	v6 =	vsel vm4, s31, v6;
	v16 =	vsel vm2, s30, v11;
	s31 =	sand.u32 $0xBF00, s17;
	s1 =	sand.u32 $0xBF00, s18;
	vm2 =	vgt.f32 v15, v10;
	v18 =	vld [tilespmem:s12+$0x10]  }
0xa6: {  	s16 =	sand.u32 $0xBE00, s15;
	s17 =	simm.s32 $0x8180;
	v12 =	vmax.f32 v15, v10;
	v15 =	vsel vm3, s13, v16;
	v10 =	vsel vm1, s28, v14;
	s18 =	sand.u32 $0xBF00, s25;
	v11 =	vld [tilespmem:s1+$0x30]  }
0xa7: {  	s21 =	simm.s32 $0x80C0;
	s30 =	simm.s32 $0x8300;
	s0 =	sand.u32 $0xBF00, s17;
	v16 =	vsel vm2, s11, v15;
	v14 =	vld [tilespmem:s18+$0x70];
	vm3 =	vgt.f32 v13, v7;
	v7 =	vmax.f32 v13, v7  }
0xa8: {  	s28 =	simm.s32 $0x4060;
	s12 =	sand.u32 $0xBE00, s21;
	s21 =	simm.s32 $0x8140;
	vm2 =	vgt.f32 v63, v19;
	v19 =	vmax.f32 v63, v19;
	v13 =	vld [tilespmem:s0+$0x40];
	vm4 =	vgt.f32 v20, v7  }
0xa9: {  	s1 =	simm.s32 $0x4030;
	s11 =	simm.s32 $0x4010;
	s0 =	simm.s32 $0x4000;
	v15 =	vmax.f32 v20, v7;
	v7 =	vld [tilespmem:s16+$0x20];
	vm1 =	vgt.f32 v23, v19;
	v19 =	vmax.f32 v23, v19  }
.LBB2_22:
0xaa: {  	v20 =	vld [tilespmem:s12+$0x60];
	s12 =	sadd.s32 $0xFFFFFF40, s25  }
0xab: {  	v17 =	vsel vm2, s0, v17;
	vm2 =	vgt.f32 v9, v19;
	v9 =	vmax.f32 v9, v19;
	s13 =	sand.u32 $0xBF00, s21;
	s25 =	sadd.s32 $0x200, s25;
	s0 =	smov.u32 s26  }
0xac: {  	p0 =	sne.s32 s26, $0x5FF0;
	s26 =	sadd.s32 $0x100, s26;
	v19 =	vmax.f32 v11, v15;
	vm5 =	vgt.f32 v18, v12;
	v12 =	vmax.f32 v18, v12;
	s12 =	sand.u32 $0xBF00, s12;
	v18 =	vld [tilespmem:s13+$0x20]  }
0xad: {  	v10 =	vsel vm3, s1, v10;
	s13 =	sadd.s32 $0xFFFFFFC0, s25;
	s14 =	sadd.s32 $0xFFFFFFE0, s25;
	v16 =	vsel vm5, s11, v16;
	s11 =	sadd.s32 $0xFFFFFF80, s24;
	v21 =	vld [tilespmem:s12+$0x10];
	vm5 =	vgt.f32 v14, v19  }
0xae: {  	s12 =	sand.u32 $0xBF00, s13;
	s1 =	sand.u32 $0xBF00, s14;
	s13 =	sadd.s32 $0xFFFFFF50, s24;
	vm3 =	vgt.f32 v5, v12;
	v14 =	vmax.f32 v14, v19;
	v10 =	vsel vm4, s11, v10  }
0xaf: {  	s21 =	sadd.s32 $0xFFFFFFC0, s24;
	s14 =	sadd.s32 $0xFFFFFF60, s24;
	s11 =	sadd.s32 $0xFFFFFF30, s24;
	vm4 =	vgt.f32 v11, v15;
	v15 =	vmax.f32 v13, v9;
	v19 =	vmax.f32 v7, v8;
	v11 =	vld [tilespmem:s29+$0x50]  }
0xb0: {  	s15 =	sadd.s32 $0xFFFFFEC0, s25;
	s16 =	sadd.s32 $0xFFFFFF00, s25;
	s29 =	sadd.s32 $0xFFFFFEA0, s25;
	v10 =	vsel vm4, s21, v10;
	vm4 =	vgt.f32 v13, v9;
	v22 =	vmax.f32 v20, v19;
	v13 =	vld [tilespmem:s31+$0x60]  }
0xb1: {  	s17 =	sadd.s32 $0xFFFFFE80, s25;
	v5 =	vmax.f32 v5, v12;
	s21 =	sadd.s32 $0xFFFFFE40, s25;
	s31 =	sadd.s32 $0xFFFFFE60, s25;
	v10 =	vsel vm5, s24, v10;
	v9 =	vld [tilespmem:s30+$0x0];
	v23 =	vmax.f32 v18, v22  }
0xb2: {  	s17 =	sand.u32 $0xBE00, s17;
	vm6 =	vgt.f32 v7, v8;
	s18 =	sand.u32 $0xBE00, s21;
	s21 =	sand.u32 $0xBE00, s31;
	v24 =	vld [tilespmem:s30+$0xFFFFFF00];
	vm5 =	vgt.f32 v21, v5;
	v7 =	vmax.f32 v21, v5  }
0xb3: {  	s15 =	sand.u32 $0xBE00, s15;
	s16 =	sand.u32 $0xBE00, s16;
	v16 =	vsel vm3, s14, v16;
	v6 =	vsel vm6, s11, v6;
	vm3 =	vgt.f32 v20, v19;
	v21 =	vld [tilespmem:s17+$0x30];
	s17 =	sand.u32 $0xBE00, s29  }
0xb4: {  	v8 =	vsel vm1, s13, v17;
	s13 =	sadd.s32 $0xFFFFFFF0, s24;
	s11 =	sadd.s32 $0xFFFFFF80, s25;
	v6 =	vsel vm3, s28, v6;
	s29 =	smov.u32 s12;
	v5 =	vld [tilespmem:s15+$0x50];
	vm1 =	vgt.f32 v11, v7  }
0xb5: {  	s14 =	sadd.s32 $0xFFFFFFB0, s24;
	s11 =	sand.u32 $0xBF00, s11;
	vm3 =	vgt.f32 v18, v22;
	s12 =	sadd.s32 $0xFFFFFF90, s24;
	v12 =	vmax.f32 v11, v7;
	v19 =	vld [tilespmem:s16+$0x70];
	vm6 =	vgt.f32 v13, v23  }
0xb6: {  	v6 =	vsel vm3, s14, v6;
	s14 =	sadd.s32 $0xFFFFFFE0, s24;
	s15 =	sadd.s32 $0xFFFFFFA0, s25;
	v7 =	vsel vm2, s12, v8;
	s12 =	sadd.s32 $0xFFFFFFA0, s24;
	v8 =	vmax.f32 v13, v23;
	v20 =	vld [tilespmem:s17+$0x40]  }
.Ltmp10:
0xb7: {  	s15 =	sand.u32 $0xBF00, s15;
	v13 =	vsel vm5, s12, v16;
	v6 =	vsel vm6, s13, v6;
	vm2 =	vgt.f32 v24, v15;
	v11 =	vld [tilespmem:s11+$0x30];
	s11 =	sadd.s32 $0xFFFFFFD0, s24;
	(pc) =	sbr.rel @p0 .LBB2_22-.Ltmp10, $4  }
0xb8: {  	s31 =	smov.u32 s1;
	s12 =	sand.u32 $0xBF00, s25;
	v16 =	vsel vm1, s14, v13;
	s24 =	smov.u32 s0;
	v18 =	vld [tilespmem:s18+$0x10];
	vm3 =	vgt.f32 v21, v14;
	v21 =	vmax.f32 v21, v14  }
0xb9: {  	v22 =	vmax.f32 v24, v15;
	s1 =	sadd.s32 $0xFFFFFF40, s24;
	s28 =	sadd.s32 $0xFFFFFF70, s24;
	v17 =	vsel vm4, s11, v7;
	v14 =	vld [tilespmem:s12+$0x70]  }
0xba: {  	s30 =	sadd.s32 $0x200, s30;
	s11 =	sadd.s32 $0xFFFFFF20, s24;
	s12 =	sadd.s32 $0xFFFFFEE0, s25;
	vm4 =	vgt.f32 v19, v21;
	v15 =	vmax.f32 v19, v21;
	v13 =	vld [tilespmem:s15+$0x40]  }
0xbb: {  	s0 =	sadd.s32 $0xFFFFFF10, s24;
	s12 =	sand.u32 $0xBE00, s12;
	v7 =	vld [tilespmem:s21+$0x20];
	vm1 =	vgt.f32 v20, v22;
	v19 =	vmax.f32 v20, v22;
	s21 =	sadd.s32 $0xFFFFFF60, s25  }
0xbc: {  	v20 =	vld [tilespmem:s12+$0x60]  }
0xbd: {  	v17 =	vsel vm2, s0, v17;
	vm2 =	vgt.f32 v9, v19;
	v9 =	vmax.f32 v9, v19;
	v19 =	vld [tilespmem:s29+$0x50]  }
0xbe: {  	s26 =	sadd.s32 $0xFFFFFF40, s25;
	s13 =	sand.u32 $0xBF00, s21;
	v23 =	vld [tilespmem:s31+$0x60]  }
0xbf: {  	v10 =	vsel vm3, s1, v10;
	s29 =	sadd.s32 $0xFFFFFF80, s24;
	s30 =	simm.s32 $0x4;
	vm3 =	vgt.f32 v11, v15;
	s12 =	sand.u32 $0xBF00, s26;
	v21 =	vld [tilespmem:s13+$0x20];
	vm5 =	vgt.f32 v18, v12  }
0xc0: {  	s14 =	sadd.s32 $0xFFFFFF50, s24;
	v12 =	vmax.f32 v18, v12;
	v18 =	vmax.f32 v11, v15;
	v10 =	vsel vm4, s29, v10;
	v22 =	vld [tilespmem:s12+$0x10];
	_ =	swait.ge [sflag:s30], $0x2000  }
0xc1: {  	s31 =	sadd.s32 $0xFFFFFFC0, s24;
	v15 =	vsel vm1, s14, v17;
	v16 =	vsel vm5, s11, v16;
	vm5 =	vgt.f32 v14, v18;
	[sflag:s30] =	ssyncset.done $0x0  }
0xc2: {  	s0 =	simm.s32 $0xC170;
	vm4 =	vgt.f32 v5, v12;
	v14 =	vmax.f32 v14, v18;
	v10 =	vsel vm3, s31, v10;
	[sflag:s30] =	ssyncadd.s32 $0xFFFFE000  }
0xc3: {  	s15 =	sadd.s32 $0xFFFFFF90, s24;
	v5 =	vmax.f32 v5, v12;
	v24 =	vmax.f32 v13, v9;
	vm3 =	vgt.f32 v13, v9;
	v9 =	vld [tilespmem:s0+$0x0]  }
0xc4: {  	s13 =	sadd.s32 $0xFFFFFF60, s24;
	v15 =	vsel vm2, s15, v15;
	v10 =	vsel vm5, s24, v10;
	v18 =	vmax.f32 v7, v8;
	v25 =	vld [tilespmem:s0+$0xFFFFFFC0]  }
0xc5: {  	s12 =	sadd.s32 $0xFFFFFF30, s24;
	vm5 =	vgt.f32 v7, v8;
	v8 =	vsel vm4, s13, v16;
	v11 =	vmax.f32 v20, v18;
	v13 =	vld [tilespmem:s0+$0xFFFFFEC0]  }
0xc6: {  	s25 =	sadd.s32 $0xFFFFFFD0, s24;
	v6 =	vsel vm5, s12, v6;
	vm4 =	vgt.f32 v20, v18;
	v18 =	vld [tilespmem:s0+$0xFFFFFEA0];
	v12 =	vmax.f32 v21, v11  }
0xc7: {  	v20 =	vld [tilespmem:s0+$0xFFFFFE90];
	v16 =	vsel vm4, s28, v6;
	vm4 =	vgt.f32 v21, v11;
	v21 =	vsel vm3, s25, v15  }
0xc8: {  	s16 =	sadd.s32 $0xFFFFFFB0, s24;
	v7 =	vld [tilespmem:s0+$0xFFFFFF00];
	vm6 =	vgt.f32 v22, v5;
	v5 =	vmax.f32 v22, v5;
	vm5 =	vgt.f32 v23, v12  }
0xc9: {  	s17 =	sadd.s32 $0xFFFFFFA0, s24;
	s18 =	sadd.s32 $0xFFFFFFF0, s24;
	v16 =	vsel vm4, s16, v16;
	vm1 =	vgt.f32 v19, v5;
	v11 =	vmax.f32 v19, v5;
	v5 =	vld [tilespmem:s0+$0xFFFFFEB0]  }
0xca: {  	s21 =	sadd.s32 $0xFFFFFFE0, s24;
	v17 =	vld [tilespmem:s0+$0xFFFFFF90];
	v12 =	vmax.f32 v23, v12;
	v8 =	vsel vm6, s17, v8;
	v19 =	vsel vm5, s18, v16  }
0xcb: {  	v6 =	vld [tilespmem:s0+$0xFFFFFEF0];
	v8 =	vsel vm1, s21, v8;
	vm1 =	vgt.f32 v13, v14;
	v13 =	vmax.f32 v13, v14  }
0xcc: {  	s26 =	simm.s32 $0x6030;
	v14 =	vld [tilespmem:s0+$0xFFFFFED0];
	vm2 =	vgt.f32 v18, v11;
	vm4 =	vgt.f32 v20, v24;
	v11 =	vmax.f32 v18, v11  }
0xcd: {  	v15 =	vld [tilespmem:s0+$0xFFFFFFD0];
	v18 =	vmax.f32 v20, v24;
	v22 =	vsel vm1, s26, v10;
	v23 =	vmax.f32 v7, v13  }
0xce: {  	s28 =	simm.s32 $0x6020;
	vm3 =	vgt.f32 v7, v13;
	v7 =	vld [tilespmem:s0+$0xFFFFFFB0];
	v13 =	vmax.f32 v25, v23;
	vm1 =	vgt.f32 v5, v12  }
0xcf: {  	s29 =	simm.s32 $0x6000;
	s30 =	simm.s32 $0x6070;
	v10 =	vld [tilespmem:s0+$0xFFFFFFA0];
	v16 =	vmax.f32 v5, v12;
	v5 =	vmax.f32 v9, v13;
	v12 =	vsel vm1, s28, v19  }
0xd0: {  	vm1 =	vgt.f32 v9, v13;
	v19 =	vsel vm4, s29, v21;
	v13 =	vsel vm3, s30, v22;
	v9 =	vld [tilespmem:s0+$0xFFFFFFF0]  }
0xd1: {  	s1 =	simm.s32 $0x60C0;
	s31 =	simm.s32 $0x6040;
	s11 =	simm.s32 $0x6080;
	vm3 =	vgt.f32 v25, v23;
	vm4 =	vgt.f32 v14, v18;
	v20 =	vmax.f32 v14, v18;
	v18 =	vld [tilespmem:s0+$0xFFFFFEE0]  }
0xd2: {  	s24 =	simm.s32 $0x60F0;
	s25 =	simm.s32 $0x61F0;
	s26 =	simm.s32 $0xC370;
	v14 =	vld [tilespmem:s0+$0xFFFFFFE0];
	v21 =	vsel vm4, s31, v19;
	v19 =	vmax.f32 v6, v16;
	vm4 =	vgt.f32 v17, v20  }
.LBB2_24:
0xd3: {  	v22 =	vld [tilespmem:s26+$0x0];
	p0 =	sne.s32 s25, $0x7FF0;
	vm5 =	vgt.f32 v6, v16;
	v6 =	vmax.f32 v17, v20;
	v16 =	vsel vm4, s11, v21;
	s0 =	smov.u32 s25;
	s25 =	sadd.s32 $0x100, s25  }
0xd4: {  	s11 =	sadd.s32 $0xFFFFFF20, s24;
	v17 =	vmax.f32 v7, v19;
	v21 =	vld [tilespmem:s26+$0xFFFFFFC0];
	vm4 =	vgt.f32 v15, v6;
	v20 =	vmax.f32 v15, v6  }
0xd5: {  	v8 =	vsel vm2, s11, v8;
	s11 =	sadd.s32 $0xFFFFFF70, s24;
	v15 =	vld [tilespmem:s26+$0xFFFFFF00];
	v23 =	vsel vm4, s1, v16;
	vm2 =	vgt.f32 v9, v17  }
0xd6: {  	v12 =	vsel vm5, s11, v12;
	s1 =	sadd.s32 $0xFFFFFFB0, s24;
	vm4 =	vgt.f32 v7, v19;
	s11 =	sadd.s32 $0xFFFFFFC0, s24;
	v16 =	vld [tilespmem:s26+$0xFFFFFEC0];
	v24 =	vmax.f32 v18, v11  }
0xd7: {  	s12 =	sadd.s32 $0xFFFFFF60, s24;
	vm5 =	vgt.f32 v18, v11;
	v7 =	vsel vm4, s1, v12;
	v11 =	vsel vm3, s11, v13;
	s1 =	sadd.s32 $0xFFFFFFF0, s24;
	v6 =	vld [tilespmem:s26+$0xFFFFFEF0]  }
0xd8: {  	s11 =	sadd.s32 $0xFFFFFFA0, s24;
	vm3 =	vgt.f32 v10, v24;
	v10 =	vmax.f32 v10, v24;
	v13 =	vsel vm2, s1, v7;
	v12 =	vld [tilespmem:s26+$0xFFFFFEB0]  }
0xd9: {  	v7 =	vsel vm5, s12, v8;
	s1 =	sadd.s32 $0xFFFFFFE0, s24;
	vm2 =	vgt.f32 v14, v10;
	v10 =	vmax.f32 v14, v10;
	v18 =	vld [tilespmem:s26+$0xFFFFFEA0]  }
0xda: {  	v9 =	vmax.f32 v9, v17;
	v11 =	vsel vm1, s24, v11;
	s24 =	smov.u32 s0;
	v7 =	vsel vm3, s11, v7;
	v14 =	vld [tilespmem:s26+$0xFFFFFE90]  }
0xdb: {  	s0 =	sadd.s32 $0xFFFFFF40, s24;
	v8 =	vsel vm2, s1, v7;
	vm1 =	vgt.f32 v16, v5;
	v5 =	vmax.f32 v16, v5;
	v19 =	vld [tilespmem:s26+$0xFFFFFED0]  }
0xdc: {  	v24 =	vsel vm1, s0, v11;
	vm3 =	vgt.f32 v15, v5;
	v25 =	vmax.f32 v15, v5;
	v7 =	vld [tilespmem:s26+$0xFFFFFFB0]  }
0xdd: {  	s0 =	sadd.s32 $0xFFFFFF30, s24;
	vm1 =	vgt.f32 v12, v9;
	v16 =	vmax.f32 v12, v9;
	v17 =	vld [tilespmem:s26+$0xFFFFFF90];
	v9 =	vmax.f32 v21, v25  }
.Ltmp11:
0xde: {  	vm2 =	vgt.f32 v18, v10;
	v12 =	vsel vm1, s0, v13;
	v15 =	vld [tilespmem:s26+$0xFFFFFFD0];
	v5 =	vmax.f32 v22, v9;
	(pc) =	sbr.rel @p0 .LBB2_24-.Ltmp11, $4  }
0xdf: {  	s1 =	sadd.s32 $0xFFFFFF80, s24;
	s0 =	sadd.s32 $0xFFFFFF10, s24;
	v11 =	vmax.f32 v18, v10;
	vm1 =	vgt.f32 v22, v9;
	vm4 =	vgt.f32 v14, v20;
	v10 =	vld [tilespmem:s26+$0xFFFFFFA0]  }
0xe0: {  	v13 =	vsel vm3, s1, v24;
	v14 =	vmax.f32 v14, v20;
	v22 =	vsel vm4, s0, v23;
	s0 =	sadd.s32 $0xFFFFFF50, s24;
	v9 =	vld [tilespmem:s26+$0xFFFFFFF0]  }
0xe1: {  	s11 =	sadd.s32 $0xFFFFFF90, s24;
	vm3 =	vgt.f32 v21, v25;
	vm4 =	vgt.f32 v19, v14;
	v20 =	vmax.f32 v19, v14;
	v18 =	vld [tilespmem:s26+$0xFFFFFEE0]  }
0xe2: {  	s1 =	sadd.s32 $0xFFFFFFD0, s24;
	v19 =	vmax.f32 v6, v16;
	v21 =	vsel vm4, s0, v22;
	vm4 =	vgt.f32 v17, v20;
	v14 =	vld [tilespmem:s26+$0xFFFFFFE0];
	s26 =	sadd.s32 $0x200, s26  }
0xe3: {  	vm5 =	vgt.f32 v6, v16  }
0xe4: {  	v6 =	vmax.f32 v17, v20;
	v16 =	vsel vm4, s11, v21;
	s0 =	sadd.s32 $0xFFFFFF20, s24;
	v17 =	vmax.f32 v7, v19  }
0xe5: {  	s31 =	sadd.s32 $0xFFFFFF70, s24;
	vm4 =	vgt.f32 v15, v6;
	v6 =	vmax.f32 v15, v6;
	v8 =	vsel vm2, s0, v8  }
0xe6: {  	v12 =	vsel vm5, s31, v12;
	v15 =	vsel vm4, s1, v16;
	vm2 =	vgt.f32 v9, v17  }
0xe7: {  	s11 =	sadd.s32 $0xFFFFFFC0, s24;
	s1 =	sadd.s32 $0xFFFFFFB0, s24;
	vm4 =	vgt.f32 v7, v19;
	v9 =	vmax.f32 v9, v17;
	v16 =	vmax.f32 v18, v11  }
0xe8: {  	s13 =	sadd.s32 $0xFFFFFFF0, s24;
	vm5 =	vgt.f32 v18, v11;
	v7 =	vsel vm4, s1, v12;
	v11 =	vsel vm3, s11, v13  }
0xe9: {  	s12 =	sadd.s32 $0xFFFFFF60, s24;
	vm3 =	vgt.f32 v10, v16;
	v10 =	vmax.f32 v10, v16;
	v7 =	vsel vm2, s13, v7  }
0xea: {  	s14 =	sadd.s32 $0xFFFFFFA0, s24;
	v8 =	vsel vm5, s12, v8;
	v11 =	vsel vm1, s24, v11;
	vm1 =	vgt.f32 v9, v6  }
0xeb: {  	s15 =	sadd.s32 $0xFFFFFFE0, s24;
	vm2 =	vgt.f32 v14, v10;
	v10 =	vmax.f32 v14, v10;
	v8 =	vsel vm3, s14, v8  }
0xec: {  	vm3 =	vlt.s32 v7, v15;
	v8 =	vsel vm2, s15, v8;
	vm2 =	veq.f32 v9, v6  }
0xed: {  	vm2 =	vmand vm2, vm3;
	vm3 =	veq.f32 v5, v10;
	vm4 =	vlt.s32 v11, v8  }
0xee: {  	vm1 =	vmor vm1, vm2;
	vm2 =	vgt.f32 v5, v10;
	vm3 =	vmand vm3, vm4  }
0xef: {  	v6 =	vsel vm1, v9, v6;
	vm2 =	vmor vm2, vm3  }
0xf0: {  	v7 =	vsel vm1, v7, v15;
	v5 =	vsel vm2, v5, v10;
	v8 =	vsel vm2, v11, v8  }
0xf1: {  	vm1 =	veq.f32 v5, v6;
	vm2 =	vlt.s32 v8, v7  }
0xf2: {  	vm3 =	vgt.f32 v5, v6;
	vm1 =	vmand vm1, vm2  }
0xf3: {  	vm1 =	vmor vm3, vm1  }
0xf4: {  	v7 =	vsel vm1, v8, v7  }
0xf5: {  	v5 =	vsel vm1, v5, v6;
	v6 =	vadd.s32 v0, v7  }
0xf6: {  	v7 =	vperm.xlane v5, v1;
	v8 =	vperm.xlane v6, v1;
	_ =	sdelay $0x1  }
0xf7: {  	vm1 =	veq.f32 v7, v5;
	vm2 =	vlt.s32 v8, v6  }
0xf8: {  	vm3 =	vgt.f32 v7, v5;
	vm1 =	vmand vm1, vm2  }
0xf9: {  	vm1 =	vmor vm3, vm1  }
0xfa: {  	s16 =	simm.s32 $0x5;
	v5 =	vsel vm1, v7, v5;
	v6 =	vsel vm1, v8, v6  }
0xfb: {  	_ =	swait.ge [sflag:s16], $0x2000;
	v7 =	vperm.xlane v5, v2;
	v8 =	vperm.xlane v6, v2  }
0xfc: {  	s17 =	simm.s32 $0x1E0;
	[sflag:s16] =	ssyncset.done $0x0  }
0xfd: {  	s0 =	sor.u32 $0x70, s17;
	[sflag:s16] =	ssyncadd.s32 $0xFFFFE000;
	vm1 =	veq.f32 v7, v5;
	vm2 =	vlt.s32 v8, v6  }
0xfe: {  	s24 =	simm.s32 $0xF0;
	v16 =	vld [tilespmem:s0+$0x0];
	vm3 =	vgt.f32 v7, v5;
	vm1 =	vmand vm1, vm2  }
0xff: {  	v14 =	vld [tilespmem:s24+$0xFFFFFFB0];
	vm1 =	vmor vm3, vm1  }
0x100: {  	v20 =	vld [tilespmem:s24+$0xFFFFFF90];
	v5 =	vsel vm1, v7, v5;
	v6 =	vsel vm1, v8, v6  }
0x101: {  	v15 =	vld [tilespmem:s24+$0xFFFFFFA0];
	v7 =	vperm.xlane v5, v3;
	v8 =	vperm.xlane v6, v3  }
0x102: {  	v17 =	vimm.f32 $-Inf;
	v11 =	vld [tilespmem:s24+$0xFFFFFFC0]  }
0x103: {  	v13 =	vimm.s32 $0x0;
	v18 =	vld [tilespmem:s24+$0xC0];
	vm1 =	veq.f32 v7, v5;
	vm2 =	vlt.s32 v8, v6  }
0x104: {  	v9 =	vld [tilespmem:s24+$0x0];
	v21 =	vmax.f32 v14, v17;
	vm3 =	vgt.f32 v7, v5;
	vm1 =	vmand vm1, vm2  }
0x105: {  	v23 =	vld [tilespmem:s24+$0xFFFFFFD0];
	vm4 =	vgt.f32 v20, v17;
	v20 =	vmax.f32 v20, v17;
	vm1 =	vmor vm3, vm1  }
0x106: {  	v12 =	vld [tilespmem:s24+$0xB0];
	vm2 =	vgt.f32 v15, v17;
	v15 =	vmax.f32 v15, v17;
	v7 =	vsel vm1, v7, v5  }
0x107: {  	s18 =	simm.s32 $0x30;
	v22 =	vld [tilespmem:s24+$0x90];
	v5 =	vsel vm1, v8, v6;
	vm1 =	vgt.f32 v11, v17;
	v11 =	vmax.f32 v11, v17  }
0x108: {  	s25 =	simm.s32 $0x1C0;
	v10 =	vld [tilespmem:s24+$0xFFFFFFF0];
	v8 =	vperm.xlane v7, v4;
	v6 =	vperm.xlane v5, v4;
	v24 =	vsel vm1, s18, v13  }
0x109: {  	s21 =	simm.s32 $0x20;
	s30 =	simm.s32 $0x70;
	s26 =	sor.u32 $0x60, s25;
	v19 =	vld [tilespmem:s24+$0xD0];
	vm3 =	vgt.f32 v9, v11;
	v25 =	vmax.f32 v9, v11;
	vm1 =	vgt.f32 v14, v17  }
0x10a: {  	v11 =	vld [tilespmem:s26+$0x0];
	v26 =	vmax.f32 v18, v25;
	v14 =	vsel vm1, s21, v13;
	v17 =	vsel vm3, s30, v24  }
0x10b: {  	s29 =	simm.s32 $0x0;
	v24 =	vmax.f32 v23, v20;
	vm3 =	vgt.f32 v18, v25;
	v18 =	vld [tilespmem:s24+$0xE0];
	v9 =	vmax.f32 v16, v26  }
0x10c: {  	s28 =	simm.s32 $0x2F0;
	s25 =	simm.s32 $0x1F0;
	s31 =	simm.s32 $0x40;
	vm1 =	vgt.f32 v16, v26;
	v26 =	vsel vm4, s29, v13;
	v16 =	vld [tilespmem:s24+$0xA0];
	vm4 =	vgt.f32 v23, v20  }
0x10d: {  	s11 =	simm.s32 $0x80;
	s1 =	simm.s32 $0xC0;
	s26 =	simm.s32 $0x3E0;
	v20 =	vld [tilespmem:s24+$0xFFFFFFE0];
	v23 =	vmax.f32 v10, v21;
	v25 =	vsel vm4, s31, v26;
	vm4 =	vgt.f32 v22, v24  }
.LBB2_26:
0x10e: {  	s0 =	sor.u32 $0x70, s26  }
0x10f: {  	v26 =	vld [tilespmem:s28+$0xC0];
	p0 =	sne.s32 s25, $0x1FF0;
	vm5 =	vgt.f32 v10, v21;
	v10 =	vmax.f32 v22, v24;
	v21 =	vsel vm4, s11, v25;
	s11 =	smov.u32 s25;
	s25 =	sadd.s32 $0x100, s25  }
0x110: {  	v22 =	vmax.f32 v12, v23;
	v24 =	vld [tilespmem:s0+$0x0];
	s0 =	sadd.s32 $0xFFFFFF20, s24;
	vm4 =	vgt.f32 v19, v10;
	v25 =	vmax.f32 v19, v10  }
0x111: {  	v19 =	vld [tilespmem:s28+$0x0];
	v13 =	vsel vm2, s0, v13;
	s0 =	sadd.s32 $0xFFFFFF70, s24;
	v27 =	vsel vm4, s1, v21;
	vm2 =	vgt.f32 v11, v22  }
0x112: {  	vm4 =	vgt.f32 v12, v23;
	s1 =	sadd.s32 $0xFFFFFFC0, s24;
	v21 =	vld [tilespmem:s28+$0xFFFFFFC0];
	v28 =	vmax.f32 v20, v15;
	v14 =	vsel vm5, s0, v14;
	s0 =	sadd.s32 $0xFFFFFFB0, s24  }
0x113: {  	s12 =	sadd.s32 $0xFFFFFF60, s24;
	vm5 =	vgt.f32 v20, v15;
	v10 =	vld [tilespmem:s28+$0xFFFFFFF0];
	v12 =	vsel vm4, s0, v14;
	v14 =	vsel vm3, s1, v17;
	s0 =	sadd.s32 $0xFFFFFFF0, s24  }
0x114: {  	s1 =	sadd.s32 $0xFFFFFFA0, s24;
	vm3 =	vgt.f32 v16, v28;
	v16 =	vmax.f32 v16, v28;
	v15 =	vld [tilespmem:s28+$0xFFFFFFB0];
	v17 =	vsel vm2, s0, v12  }
0x115: {  	v12 =	vsel vm5, s12, v13;
	s0 =	sadd.s32 $0xFFFFFFE0, s24;
	vm2 =	vgt.f32 v18, v16;
	v16 =	vmax.f32 v18, v16;
	v20 =	vld [tilespmem:s28+$0xFFFFFFA0]  }
0x116: {  	v11 =	vmax.f32 v11, v22;
	v14 =	vsel vm1, s24, v14;
	s24 =	smov.u32 s11;
	v12 =	vsel vm3, s1, v12;
	v18 =	vld [tilespmem:s28+$0xFFFFFF90]  }
0x117: {  	s1 =	sadd.s32 $0xFFFFFF40, s24;
	v13 =	vsel vm2, s0, v12;
	vm1 =	vgt.f32 v21, v9;
	v9 =	vmax.f32 v21, v9;
	v23 =	vld [tilespmem:s28+$0xFFFFFFD0]  }
0x118: {  	v28 =	vsel vm1, s1, v14;
	vm3 =	vgt.f32 v19, v9;
	v29 =	vmax.f32 v19, v9;
	v12 =	vld [tilespmem:s28+$0xB0]  }
0x119: {  	s0 =	sadd.s32 $0xFFFFFF30, s24;
	s1 =	sadd.s32 $0xFFFFFFE0, s26;
	vm1 =	vgt.f32 v15, v11;
	v21 =	vmax.f32 v15, v11;
	v22 =	vld [tilespmem:s28+$0x90];
	v30 =	vmax.f32 v26, v29  }
.Ltmp12:
0x11a: {  	vm2 =	vgt.f32 v20, v16;
	v14 =	vsel vm1, s0, v17;
	v19 =	vld [tilespmem:s28+$0xD0];
	s0 =	sor.u32 $0x60, s1;
	v9 =	vmax.f32 v24, v30;
	(pc) =	sbr.rel @p0 .LBB2_26-.Ltmp12, $4  }
0x11b: {  	s11 =	sadd.s32 $0xFFFFFF80, s24;
	s1 =	sadd.s32 $0xFFFFFF10, s24;
	v15 =	vmax.f32 v20, v16;
	vm1 =	vgt.f32 v24, v30;
	vm4 =	vgt.f32 v18, v25;
	v11 =	vld [tilespmem:s0+$0x0]  }
0x11c: {  	v17 =	vsel vm3, s11, v28;
	v18 =	vmax.f32 v18, v25;
	s0 =	sadd.s32 $0xFFFFFF50, s24;
	v25 =	vsel vm4, s1, v27;
	v16 =	vld [tilespmem:s28+$0xA0]  }
0x11d: {  	s11 =	sadd.s32 $0xFFFFFF90, s24;
	vm3 =	vgt.f32 v26, v29;
	vm4 =	vgt.f32 v23, v18;
	v24 =	vmax.f32 v23, v18;
	v20 =	vld [tilespmem:s28+$0xFFFFFFE0]  }
0x11e: {  	s26 =	sadd.s32 $0x200, s26;
	v23 =	vmax.f32 v10, v21;
	s1 =	sadd.s32 $0xFFFFFFD0, s24;
	v25 =	vsel vm4, s0, v25;
	vm4 =	vgt.f32 v22, v24;
	v18 =	vld [tilespmem:s28+$0xE0];
	s28 =	sadd.s32 $0x200, s28  }
0x11f: {  	s0 =	simm.s32 $0x6  }
0x120: {  	_ =	swait.ge [sflag:s0], $0x2000  }
0x121: {  	[sflag:s0] =	ssyncset.done $0x0  }
0x122: {  	s12 =	simm.s32 $0x41E0;
	vm5 =	vgt.f32 v10, v21;
	v10 =	vmax.f32 v22, v24;
	[sflag:s0] =	ssyncadd.s32 $0xFFFFE000;
	s0 =	simm.s32 $0x41D0  }
0x123: {  	v21 =	vsel vm4, s11, v25;
	s25 =	simm.s32 $0x40E0;
	s13 =	sadd.s32 $0xFFFFFF20, s24;
	v24 =	vmax.f32 v12, v23;
	s12 =	sor.u32 $0x70, s12;
	vm4 =	vgt.f32 v19, v10;
	v22 =	vld [tilespmem:s0+$0xFFFFFFE0]  }
0x124: {  	s26 =	sadd.s32 $0xFFFFFF70, s24;
	v19 =	vmax.f32 v19, v10;
	s11 =	sor.u32 $0x70, s25;
	v13 =	vsel vm2, s13, v13;
	vm2 =	vgt.f32 v11, v24;
	v25 =	vld [tilespmem:s12+$0x0]  }
0x125: {  	s30 =	sadd.s32 $0xFFFFFFB0, s24;
	v10 =	vsel vm5, s26, v14;
	v26 =	vsel vm4, s1, v21;
	vm4 =	vgt.f32 v12, v23;
	v21 =	vld [tilespmem:s11+$0x0]  }
0x126: {  	s31 =	sadd.s32 $0xFFFFFFC0, s24;
	v12 =	vmax.f32 v20, v15;
	vm5 =	vgt.f32 v20, v15;
	v14 =	vsel vm4, s30, v10;
	v23 =	vld [tilespmem:s0+$0xFFFFFEE0]  }
0x127: {  	s29 =	simm.s32 $0x40C0;
	s13 =	sadd.s32 $0xFFFFFFF0, s24;
	v15 =	vsel vm3, s31, v17;
	vm3 =	vgt.f32 v16, v12;
	v12 =	vmax.f32 v16, v12;
	v16 =	vld [tilespmem:s0+$0xFFFFFED0]  }
0x128: {  	s14 =	sadd.s32 $0xFFFFFF60, s24;
	s1 =	sor.u32 $0x60, s29;
	v17 =	vsel vm2, s13, v14;
	vm2 =	vgt.f32 v18, v12;
	v12 =	vmax.f32 v18, v12;
	v18 =	vld [tilespmem:s0+$0xFFFFFEC0]  }
0x129: {  	s15 =	sadd.s32 $0xFFFFFFA0, s24;
	v10 =	vld [tilespmem:s1+$0x0];
	v13 =	vsel vm5, s14, v13  }
0x12a: {  	s16 =	sadd.s32 $0xFFFFFFE0, s24;
	v11 =	vmax.f32 v11, v24;
	v15 =	vsel vm1, s24, v15;
	v20 =	vld [tilespmem:s0+$0xFFFFFEB0];
	v13 =	vsel vm3, s15, v13  }
0x12b: {  	s17 =	simm.s32 $0x2030;
	v14 =	vsel vm2, s16, v13;
	v13 =	vld [tilespmem:s0+$0x0];
	vm1 =	vgt.f32 v23, v9;
	v9 =	vmax.f32 v23, v9  }
0x12c: {  	v23 =	vld [tilespmem:s0+$0xFFFFFEF0];
	v24 =	vsel vm1, s17, v15;
	vm3 =	vgt.f32 v21, v9;
	v21 =	vmax.f32 v21, v9  }
0x12d: {  	s18 =	simm.s32 $0x2020;
	vm1 =	vgt.f32 v16, v11;
	v16 =	vmax.f32 v16, v11;
	v9 =	vld [tilespmem:s0+$0xFFFFFFB0];
	vm2 =	vgt.f32 v18, v12  }
0x12e: {  	v11 =	vld [tilespmem:s0+$0xFFFFFFF0];
	v18 =	vmax.f32 v18, v12;
	vm4 =	vgt.f32 v22, v21;
	v15 =	vsel vm1, s18, v17  }
0x12f: {  	s21 =	simm.s32 $0x2000;
	s28 =	simm.s32 $0x43D0;
	s25 =	simm.s32 $0x20F0;
	v17 =	vmax.f32 v22, v21;
	vm1 =	vgt.f32 v20, v19;
	v21 =	vld [tilespmem:s0+$0xFFFFFFD0];
	v19 =	vmax.f32 v20, v19  }
0x130: {  	s26 =	simm.s32 $0x2040;
	s29 =	simm.s32 $0x2070;
	s30 =	simm.s32 $0x41C0;
	v20 =	vld [tilespmem:s0+$0xFFFFFF00];
	v12 =	vmax.f32 v25, v17;
	v26 =	vsel vm1, s21, v26;
	vm1 =	vgt.f32 v25, v17  }
0x131: {  	s31 =	simm.s32 $0x20B0;
	s24 =	simm.s32 $0x21F0;
	s12 =	sor.u32 $0x60, s30;
	v22 =	vld [tilespmem:s0+$0xFFFFFFC0];
	v17 =	vsel vm3, s29, v24;
	vm5 =	vgt.f32 v23, v19;
	v23 =	vmax.f32 v23, v19  }
0x132: {  	s1 =	simm.s32 $0x2080;
	s0 =	simm.s32 $0x20C0;
	v17 =	vsel vm4, s31, v17;
	v19 =	vld [tilespmem:s12+$0x0];
	v24 =	vsel vm5, s26, v26;
	vm3 =	vgt.f32 v9, v23;
	s26 =	simm.s32 $0x43E0  }
.LBB2_28:
0x133: {  	s11 =	sadd.s32 $0xFFFFFF00, s26;
	v25 =	vld [tilespmem:s28+$0xFFFFFFE0];
	s12 =	sor.u32 $0x70, s26;
	p0 =	sne.s32 s24, $0x3FF0;
	v26 =	vmax.f32 v10, v16;
	v9 =	vmax.f32 v9, v23;
	v23 =	vsel vm3, s1, v24  }
0x134: {  	s1 =	sor.u32 $0x70, s11;
	v24 =	vld [tilespmem:s12+$0x0];
	v27 =	vmax.f32 v21, v26;
	vm3 =	vgt.f32 v11, v9;
	v28 =	vmax.f32 v11, v9;
	s11 =	smov.u32 s24;
	s24 =	sadd.s32 $0x100, s24  }
0x135: {  	s12 =	sadd.s32 $0xFFFFFEE0, s26;
	vm4 =	vgt.f32 v21, v26;
	v9 =	vld [tilespmem:s1+$0x0];
	s1 =	sadd.s32 $0xFFFFFF20, s25;
	v11 =	vmax.f32 v20, v18;
	v23 =	vsel vm3, s0, v23  }
0x136: {  	vm5 =	vgt.f32 v10, v16;
	s0 =	sor.u32 $0x60, s12;
	vm3 =	vgt.f32 v20, v18;
	v21 =	vld [tilespmem:s28+$0xFFFFFEE0];
	vm6 =	vgt.f32 v22, v11  }
0x137: {  	v14 =	vsel vm2, s1, v14;
	s1 =	sadd.s32 $0xFFFFFF70, s25;
	v11 =	vmax.f32 v22, v11;
	v10 =	vld [tilespmem:s0+$0x0];
	s0 =	sadd.s32 $0xFFFFFF60, s25;
	v16 =	vmax.f32 v19, v27  }
0x138: {  	s12 =	sadd.s32 $0xFFFFFFB0, s25;
	v15 =	vsel vm5, s1, v15;
	s1 =	sadd.s32 $0xFFFFFFA0, s25;
	vm2 =	vgt.f32 v13, v11;
	vm5 =	vgt.f32 v19, v27;
	v18 =	vld [tilespmem:s28+$0xFFFFFED0]  }
0x139: {  	v20 =	vmax.f32 v13, v11;
	v14 =	vsel vm3, s0, v14;
	v15 =	vsel vm4, s12, v15;
	s0 =	sadd.s32 $0xFFFFFFE0, s25;
	s12 =	sadd.s32 $0xFFFFFFF0, s25;
	v19 =	vld [tilespmem:s28+$0xFFFFFEC0]  }
0x13a: {  	v13 =	vsel vm1, s25, v17;
	s25 =	smov.u32 s11;
	v11 =	vsel vm6, s1, v14;
	v15 =	vsel vm5, s12, v15;
	v22 =	vld [tilespmem:s28+$0xFFFFFEB0]  }
0x13b: {  	s1 =	sadd.s32 $0xFFFFFF40, s25;
	v14 =	vsel vm2, s0, v11;
	vm1 =	vgt.f32 v21, v12;
	v12 =	vmax.f32 v21, v12;
	v17 =	vld [tilespmem:s28+$0xFFFFFEF0]  }
0x13c: {  	v26 =	vsel vm1, s1, v13;
	vm3 =	vgt.f32 v9, v12;
	v11 =	vmax.f32 v9, v12;
	v13 =	vld [tilespmem:s28+$0x0]  }
0x13d: {  	s0 =	sadd.s32 $0xFFFFFF30, s25;
	vm1 =	vgt.f32 v18, v16;
	v16 =	vmax.f32 v18, v16;
	v9 =	vld [tilespmem:s28+$0xFFFFFFB0];
	vm4 =	vgt.f32 v25, v11  }
.Ltmp13:
0x13e: {  	v25 =	vmax.f32 v25, v11;
	vm2 =	vgt.f32 v19, v20;
	v15 =	vsel vm1, s0, v15;
	v11 =	vld [tilespmem:s28+$0xFFFFFFF0];
	(pc) =	sbr.rel @p0 .LBB2_28-.Ltmp13, $4  }
0x13f: {  	s0 =	sadd.s32 $0xFFFFFF10, s25;
	v18 =	vmax.f32 v19, v20;
	v12 =	vmax.f32 v24, v25;
	vm1 =	vgt.f32 v22, v28;
	v21 =	vld [tilespmem:s28+$0xFFFFFFD0]  }
0x140: {  	s11 =	sadd.s32 $0xFFFFFFE0, s26;
	s1 =	sadd.s32 $0xFFFFFF80, s25;
	v19 =	vmax.f32 v22, v28;
	v27 =	vsel vm1, s0, v23;
	s0 =	sadd.s32 $0xFFFFFF50, s25;
	v20 =	vld [tilespmem:s28+$0xFFFFFF00];
	vm1 =	vgt.f32 v24, v25  }
0x141: {  	s12 =	sadd.s32 $0xFFFFFFC0, s25;
	s11 =	sor.u32 $0x60, s11;
	vm5 =	vgt.f32 v17, v19;
	v23 =	vmax.f32 v17, v19;
	v17 =	vsel vm3, s1, v26;
	s1 =	sadd.s32 $0xFFFFFF90, s25;
	v22 =	vld [tilespmem:s28+$0xFFFFFFC0]  }
0x142: {  	s26 =	sadd.s32 $0x200, s26;
	v24 =	vsel vm5, s0, v27;
	v17 =	vsel vm4, s12, v17;
	s0 =	sadd.s32 $0xFFFFFFD0, s25;
	s28 =	sadd.s32 $0x200, s28;
	vm3 =	vgt.f32 v9, v23;
	v19 =	vld [tilespmem:s11+$0x0]  }
0x143: {  	_ =	swait.ge [sflag:s19], $0x2000  }
0x144: {  	[sflag:s19] =	ssyncset.done $0x0  }
0x145: {  	s11 =	simm.s32 $0x81C0;
	[sflag:s19] =	ssyncadd.s32 $0xFFFFE000  }
0x146: {  	v25 =	vmax.f32 v10, v16;
	v23 =	vmax.f32 v9, v23;
	v24 =	vsel vm3, s1, v24;
	s26 =	sadd.s32 $0xFFFFFF20, s25;
	s12 =	sadd.s32 $0xFFFFFF60, s25;
	v9 =	vld [tilespmem:s11+$0x0]  }
0x147: {  	s13 =	sadd.s32 $0xFFFFFF70, s25;
	s14 =	sadd.s32 $0xFFFFFFA0, s25;
	s15 =	sadd.s32 $0xFFFFFFB0, s25;
	vm5 =	vgt.f32 v10, v16;
	vm3 =	vgt.f32 v11, v23;
	v23 =	vmax.f32 v11, v23;
	v11 =	vld [tilespmem:s11+$0xFFFFFFC0]  }
0x148: {  	s16 =	sadd.s32 $0xFFFFFFF0, s25;
	s17 =	simm.s32 $0x8060;
	s24 =	simm.s32 $0x40F0;
	v26 =	vmax.f32 v21, v25;
	vm4 =	vgt.f32 v21, v25;
	v10 =	vsel vm2, s26, v14;
	v27 =	vld [tilespmem:s11+$0xFFFFFF00]  }
0x149: {  	s21 =	simm.s32 $0x80E0;
	s18 =	sand.u32 $0xBE00, s17;
	v15 =	vsel vm5, s13, v15;
	v21 =	vmax.f32 v20, v18;
	v24 =	vsel vm3, s0, v24;
	v16 =	vld [tilespmem:s11+$0xFFFFFEC0];
	s11 =	simm.s32 $0x8020  }
0x14a: {  	s30 =	simm.s32 $0x4050;
	s29 =	simm.s32 $0x40D0;
	vm3 =	vgt.f32 v20, v18;
	vm2 =	vgt.f32 v22, v21;
	v14 =	vmax.f32 v22, v21;
	v21 =	vld [tilespmem:s18+$0xB0];
	s1 =	sand.u32 $0xBE00, s11  }
0x14b: {  	s31 =	simm.s32 $0x83C0;
	s13 =	simm.s32 $0x8040;
	v15 =	vsel vm4, s15, v15;
	v10 =	vsel vm3, s12, v10;
	v18 =	vmax.f32 v19, v26;
	s11 =	sor.u32 $0x70, s21;
	v25 =	vld [tilespmem:s1+$0x90]  }
0x14c: {  	s26 =	simm.s32 $0x81E0;
	s15 =	simm.s32 $0x80A0;
	vm5 =	vgt.f32 v13, v14;
	vm3 =	vgt.f32 v19, v26;
	v13 =	vmax.f32 v13, v14;
	s1 =	sand.u32 $0xBE00, s13;
	v14 =	vld [tilespmem:s11+$0x0]  }
0x14d: {  	s0 =	sadd.s32 $0xFFFFFFE0, s25;
	s17 =	sand.u32 $0xBE80, s15;
	s18 =	simm.s32 $0x80C0;
	v19 =	vsel vm2, s14, v10;
	v26 =	vsel vm1, s25, v17;
	v10 =	vsel vm3, s16, v15;
	v20 =	vld [tilespmem:s1+$0xA0]  }
0x14e: {  	s21 =	simm.s32 $0x4000;
	v28 =	vsel vm5, s0, v19;
	v15 =	vld [tilespmem:s17+$0x50];
	s11 =	sor.u32 $0x60, s18;
	s13 =	simm.s32 $0x8160;
	vm1 =	vgt.f32 v16, v23;
	v29 =	vmax.f32 v16, v23  }
0x14f: {  	s12 =	simm.s32 $0x8140;
	s14 =	simm.s32 $0x81C0;
	s15 =	sand.u32 $0xBF00, s13;
	v22 =	vmax.f32 v21, v12;
	v16 =	vld [tilespmem:s11+$0x0];
	v17 =	vsel vm1, s21, v24;
	vm1 =	vgt.f32 v21, v12  }
0x150: {  	s28 =	sand.u32 $0xBF00, s12;
	s17 =	simm.s32 $0x4030;
	s12 =	sor.u32 $0x60, s14;
	v23 =	vld [tilespmem:s15+$0xB0];
	vm4 =	vgt.f32 v27, v29;
	vm2 =	vgt.f32 v25, v13;
	v19 =	vmax.f32 v25, v13  }
0x151: {  	s16 =	simm.s32 $0x4010;
	s18 =	sor.u32 $0x70, s26;
	s21 =	simm.s32 $0x8120;
	v12 =	vld [tilespmem:s12+$0x0];
	v25 =	vmax.f32 v27, v29;
	v21 =	vsel vm1, s17, v26;
	vm3 =	vgt.f32 v14, v22  }
0x152: {  	s25 =	simm.s32 $0x41F0;
	s11 =	simm.s32 $0x81A0;
	v13 =	vld [tilespmem:s18+$0x0];
	s1 =	sand.u32 $0xBF00, s21;
	v24 =	vsel vm2, s16, v28;
	vm1 =	vgt.f32 v11, v25;
	vm2 =	vgt.f32 v20, v18  }
.LBB2_30:
0x153: {  	s21 =	sadd.s32 $0xFFFFFF60, s25  }
0x154: {  	v18 =	vmax.f32 v20, v18;
	vm5 =	vgt.f32 v15, v19;
	v20 =	vmax.f32 v11, v25;
	v25 =	vld [tilespmem:s1+$0x90];
	s0 =	sand.u32 $0xBF80, s11;
	s26 =	sadd.s32 $0x200, s26;
	s1 =	smov.u32 s25  }
0x155: {  	p0 =	sne.s32 s25, $0x5FF0;
	s25 =	sadd.s32 $0x100, s25;
	v11 =	vmax.f32 v14, v22;
	s11 =	sadd.s32 $0xFFFFFF60, s26;
	v24 =	vsel vm5, s30, v24;
	vm5 =	vgt.f32 v16, v18;
	v14 =	vld [tilespmem:s0+$0x50]  }
0x156: {  	s12 =	sadd.s32 $0xFFFFFF50, s24;
	s0 =	sadd.s32 $0xFFFFFFE0, s26;
	v26 =	vmax.f32 v9, v20;
	v22 =	vld [tilespmem:s28+$0xA0];
	s28 =	sand.u32 $0xBF00, s11;
	vm6 =	vgt.f32 v23, v11;
	v23 =	vmax.f32 v23, v11  }
0x157: {  	v15 =	vmax.f32 v15, v19;
	v17 =	vsel vm4, s12, v17;
	s12 =	sadd.s32 $0xFFFFFFA0, s24;
	s0 =	sor.u32 $0x60, s0;
	s11 =	sadd.s32 $0xFFFFFF80, s24;
	v27 =	vld [tilespmem:s31+$0x0];
	vm4 =	vgt.f32 v13, v23  }
0x158: {  	s13 =	sadd.s32 $0xFFFFFF30, s24;
	s14 =	sadd.s32 $0xFFFFFFC0, s24;
	v16 =	vmax.f32 v16, v18;
	v18 =	vsel vm3, s11, v21;
	s11 =	sadd.s32 $0xFFFFFF90, s24;
	vm3 =	vgt.f32 v9, v20;
	v11 =	vld [tilespmem:s31+$0xFFFFFFC0]  }
0x159: {  	s15 =	sadd.s32 $0xFFFFFE40, s26;
	s16 =	sadd.s32 $0xFFFFFE60, s26;
	s17 =	sadd.s32 $0xFFFFFE80, s26;
	v10 =	vsel vm2, s13, v10;
	v19 =	vsel vm6, s14, v18;
	v28 =	vld [tilespmem:s31+$0xFFFFFF00];
	vm2 =	vgt.f32 v25, v15  }
0x15a: {  	s13 =	sand.u32 $0xBE00, s15;
	s15 =	sand.u32 $0xBE00, s17;
	s14 =	sand.u32 $0xBE00, s16;
	v17 =	vsel vm1, s11, v17;
	v18 =	vmax.f32 v25, v15;
	v21 =	vld [tilespmem:s31+$0xFFFFFEC0];
	v15 =	vsel vm2, s12, v24  }
0x15b: {  	s30 =	smov.u32 s21;
	v13 =	vmax.f32 v13, v23;
	s11 =	sadd.s32 $0xFFFFFF00, s26;
	s12 =	sadd.s32 $0xFFFFFF70, s24;
	vm1 =	vgt.f32 v14, v18;
	v25 =	vmax.f32 v14, v18;
	v24 =	vld [tilespmem:s15+$0xB0]  }
0x15c: {  	s11 =	sor.u32 $0x70, s11;
	vm2 =	vgt.f32 v22, v16;
	v16 =	vmax.f32 v22, v16;
	v29 =	vsel vm1, s29, v15;
	v23 =	vld [tilespmem:s13+$0x90];
	s13 =	sadd.s32 $0xFFFFFFB0, s24;
	v9 =	vmovc v27  }
0x15d: {  	s15 =	sadd.s32 $0xFFFFFEC0, s26;
	v10 =	vsel vm5, s12, v10;
	s12 =	sadd.s32 $0xFFFFFFF0, s24;
	vm1 =	vgt.f32 v12, v16;
	v18 =	vmax.f32 v12, v16;
	v14 =	vld [tilespmem:s11+$0x0];
	s11 =	sadd.s32 $0xFFFFFFD0, s24  }
0x15e: {  	s16 =	sadd.s32 $0xFFFFFF10, s1;
	v27 =	vsel vm4, s24, v19;
	v10 =	vsel vm2, s13, v10;
	v20 =	vld [tilespmem:s14+$0xA0];
	s14 =	sand.u32 $0xBE80, s15;
	s15 =	sadd.s32 $0xFFFFFEE0, s26;
	v12 =	vsel vm3, s11, v17  }
.Ltmp14:
0x15f: {  	s13 =	sadd.s32 $0xFFFFFF80, s26;
	v10 =	vsel vm1, s12, v10;
	vm2 =	vgt.f32 v21, v26;
	v26 =	vmax.f32 v21, v26;
	v15 =	vld [tilespmem:s14+$0x50];
	s11 =	sor.u32 $0x60, s15;
	(pc) =	sbr.rel @p0 .LBB2_30-.Ltmp14, $4  }
0x160: {  	s24 =	smov.u32 s1;
	v17 =	vsel vm2, s16, v12;
	vm1 =	vgt.f32 v24, v13;
	v22 =	vmax.f32 v24, v13;
	v16 =	vld [tilespmem:s11+$0x0];
	s11 =	sand.u32 $0xBF00, s13  }
0x161: {  	s1 =	sadd.s32 $0xFFFFFF20, s24;
	s12 =	sadd.s32 $0xFFFFFF40, s24;
	vm2 =	vgt.f32 v23, v25;
	v19 =	vmax.f32 v23, v25;
	v25 =	vmax.f32 v28, v26;
	v23 =	vld [tilespmem:s11+$0xB0];
	s11 =	sor.u32 $0x70, s26  }
0x162: {  	s29 =	sadd.s32 $0xFFFFFFE0, s24;
	v21 =	vsel vm1, s12, v27;
	v24 =	vsel vm2, s1, v29;
	vm1 =	vgt.f32 v11, v25;
	s1 =	sadd.s32 $0xFFFFFF40, s26;
	v13 =	vld [tilespmem:s11+$0x0]  }
0x163: {  	s31 =	sadd.s32 $0x200, s31;
	vm4 =	vgt.f32 v28, v26;
	vm3 =	vgt.f32 v14, v22;
	s11 =	sadd.s32 $0xFFFFFFC0, s26;
	vm2 =	vgt.f32 v20, v18;
	s1 =	sand.u32 $0xBF00, s1;
	v12 =	vld [tilespmem:s0+$0x0]  }
0x164: {  	v26 =	vld [tilespmem:s1+$0x90]  }
0x165: {  	s0 =	sand.u32 $0xBF80, s11;
	v28 =	vld [tilespmem:s28+$0xA0]  }
0x166: {  	v18 =	vmax.f32 v20, v18;
	v11 =	vmax.f32 v11, v25;
	vm5 =	vgt.f32 v15, v19;
	s16 =	sadd.s32 $0xFFFFFF50, s24;
	v27 =	vld [tilespmem:s0+$0x50];
	_ =	swait.ge [sflag:s20], $0x2000  }
0x167: {  	v14 =	vmax.f32 v14, v22;
	s17 =	sadd.s32 $0xFFFFFF80, s24;
	s12 =	simm.s32 $0xC1E0;
	v15 =	vmax.f32 v15, v19;
	v20 =	vsel vm5, s30, v24;
	[sflag:s20] =	ssyncset.done $0x0  }
0x168: {  	s18 =	sadd.s32 $0xFFFFFF30, s24;
	vm5 =	vgt.f32 v16, v18;
	v22 =	vmax.f32 v9, v11;
	s0 =	simm.s32 $0xC1D0;
	v17 =	vsel vm4, s16, v17;
	[sflag:s20] =	ssyncadd.s32 $0xFFFFE000  }
0x169: {  	s21 =	simm.s32 $0xC0E0;
	s25 =	sadd.s32 $0xFFFFFFC0, s24;
	v19 =	vsel vm3, s17, v21;
	s12 =	sor.u32 $0x70, s12;
	v16 =	vmax.f32 v16, v18;
	v10 =	vsel vm2, s18, v10;
	v21 =	vld [tilespmem:s0+$0xFFFFFFE0]  }
0x16a: {  	s13 =	sadd.s32 $0xFFFFFF70, s24;
	s11 =	sor.u32 $0x70, s21;
	s30 =	sadd.s32 $0xFFFFFF90, s24;
	vm2 =	vgt.f32 v9, v11;
	vm6 =	vgt.f32 v23, v14;
	v14 =	vmax.f32 v23, v14;
	v23 =	vld [tilespmem:s12+$0x0]  }
0x16b: {  	v17 =	vsel vm1, s30, v17;
	v10 =	vsel vm5, s13, v10;
	v18 =	vsel vm6, s25, v19;
	v19 =	vld [tilespmem:s11+$0x0]  }
0x16c: {  	s15 =	sadd.s32 $0xFFFFFFD0, s24;
	vm3 =	vgt.f32 v13, v14;
	vm4 =	vgt.f32 v26, v15;
	v9 =	vmax.f32 v26, v15;
	v15 =	vld [tilespmem:s0+$0xFFFFFEE0]  }
0x16d: {  	s26 =	sadd.s32 $0xFFFFFFA0, s24;
	v13 =	vmax.f32 v13, v14;
	v25 =	vsel vm2, s15, v17;
	v24 =	vld [tilespmem:s0+$0xFFFFFEC0];
	v14 =	vmax.f32 v28, v16  }
0x16e: {  	v11 =	vsel vm4, s26, v20;
	vm1 =	vgt.f32 v27, v9;
	vm4 =	vgt.f32 v28, v16;
	v16 =	vld [tilespmem:s0+$0xFFFFFED0]  }
0x16f: {  	s31 =	simm.s32 $0xC0C0;
	s14 =	sadd.s32 $0xFFFFFFB0, s24;
	v17 =	vld [tilespmem:s0+$0xFFFFFFB0];
	v20 =	vmax.f32 v27, v9;
	v11 =	vsel vm1, s29, v11;
	vm1 =	vgt.f32 v12, v14  }
0x170: {  	s16 =	sadd.s32 $0xFFFFFFF0, s24;
	s12 =	sor.u32 $0x60, s31;
	v26 =	vld [tilespmem:s0+$0xFFFFFEB0];
	v12 =	vmax.f32 v12, v14;
	v10 =	vsel vm4, s14, v10;
	v14 =	vsel vm3, s24, v18  }
0x171: {  	s17 =	simm.s32 $0x6030;
	v9 =	vld [tilespmem:s12+$0x0];
	v18 =	vsel vm1, s16, v10;
	vm1 =	vgt.f32 v15, v13;
	v10 =	vmax.f32 v15, v13  }
0x172: {  	vm2 =	vgt.f32 v24, v20;
	v15 =	vld [tilespmem:s0+$0xFFFFFEF0];
	v27 =	vsel vm1, s17, v14;
	vm3 =	vgt.f32 v19, v10  }
0x173: {  	v19 =	vmax.f32 v19, v10;
	v10 =	vld [tilespmem:s0+$0x0];
	vm1 =	vgt.f32 v16, v12;
	v14 =	vmax.f32 v16, v12  }
0x174: {  	s18 =	simm.s32 $0x6020;
	v16 =	vmax.f32 v24, v20;
	vm4 =	vgt.f32 v21, v19;
	v21 =	vmax.f32 v21, v19;
	v19 =	vld [tilespmem:s0+$0xFFFFFFF0]  }
0x175: {  	s1 =	simm.s32 $0x6080;
	s28 =	simm.s32 $0xC3D0;
	s21 =	simm.s32 $0x6000;
	v13 =	vsel vm1, s18, v18;
	vm1 =	vgt.f32 v26, v22;
	v18 =	vld [tilespmem:s0+$0xFFFFFFD0];
	v22 =	vmax.f32 v26, v22  }
0x176: {  	s30 =	simm.s32 $0xC1C0;
	s25 =	simm.s32 $0x61F0;
	s29 =	simm.s32 $0x6070;
	v20 =	vld [tilespmem:s0+$0xFFFFFF00];
	v12 =	vmax.f32 v23, v21;
	v24 =	vsel vm1, s21, v25;
	vm1 =	vgt.f32 v23, v21  }
0x177: {  	s31 =	simm.s32 $0x60B0;
	s26 =	simm.s32 $0x6040;
	s12 =	sor.u32 $0x60, s30;
	v21 =	vld [tilespmem:s0+$0xFFFFFFC0];
	vm5 =	vgt.f32 v15, v22;
	v23 =	vmax.f32 v15, v22;
	v15 =	vsel vm3, s29, v27  }
0x178: {  	s24 =	simm.s32 $0x60F0;
	s0 =	simm.s32 $0x60C0;
	v22 =	vld [tilespmem:s12+$0x0];
	v24 =	vsel vm5, s26, v24;
	vm3 =	vgt.f32 v17, v23;
	v15 =	vsel vm4, s31, v15;
	s26 =	simm.s32 $0xC3E0  }
.LBB2_32:
0x179: {  	s11 =	sadd.s32 $0xFFFFFF00, s26;
	v25 =	vld [tilespmem:s28+$0xFFFFFFE0];
	s12 =	sor.u32 $0x70, s26;
	p0 =	sne.s32 s25, $0x7FF0;
	v26 =	vmax.f32 v9, v14;
	v17 =	vmax.f32 v17, v23;
	v23 =	vsel vm3, s1, v24  }
0x17a: {  	s1 =	sor.u32 $0x70, s11;
	v24 =	vld [tilespmem:s12+$0x0];
	v27 =	vmax.f32 v18, v26;
	vm3 =	vgt.f32 v19, v17;
	v28 =	vmax.f32 v19, v17;
	s11 =	smov.u32 s25;
	s25 =	sadd.s32 $0x100, s25  }
0x17b: {  	s12 =	sadd.s32 $0xFFFFFEE0, s26;
	vm4 =	vgt.f32 v18, v26;
	v17 =	vld [tilespmem:s1+$0x0];
	s1 =	sadd.s32 $0xFFFFFF20, s24;
	v19 =	vmax.f32 v20, v16;
	v23 =	vsel vm3, s0, v23  }
0x17c: {  	vm5 =	vgt.f32 v9, v14;
	s0 =	sor.u32 $0x60, s12;
	vm3 =	vgt.f32 v20, v16;
	v18 =	vld [tilespmem:s28+$0xFFFFFEE0];
	vm6 =	vgt.f32 v21, v19  }
0x17d: {  	v11 =	vsel vm2, s1, v11;
	s1 =	sadd.s32 $0xFFFFFF70, s24;
	v14 =	vmax.f32 v21, v19;
	v9 =	vld [tilespmem:s0+$0x0];
	s0 =	sadd.s32 $0xFFFFFF60, s24;
	v16 =	vmax.f32 v22, v27  }
0x17e: {  	s12 =	sadd.s32 $0xFFFFFFB0, s24;
	v13 =	vsel vm5, s1, v13;
	s1 =	sadd.s32 $0xFFFFFFA0, s24;
	vm2 =	vgt.f32 v10, v14;
	vm5 =	vgt.f32 v22, v27;
	v19 =	vld [tilespmem:s28+$0xFFFFFED0]  }
0x17f: {  	v21 =	vmax.f32 v10, v14;
	v11 =	vsel vm3, s0, v11;
	v13 =	vsel vm4, s12, v13;
	s0 =	sadd.s32 $0xFFFFFFE0, s24;
	s12 =	sadd.s32 $0xFFFFFFF0, s24;
	v20 =	vld [tilespmem:s28+$0xFFFFFEC0]  }
0x180: {  	v14 =	vsel vm1, s24, v15;
	s24 =	smov.u32 s11;
	v10 =	vsel vm6, s1, v11;
	v13 =	vsel vm5, s12, v13;
	v22 =	vld [tilespmem:s28+$0xFFFFFEB0]  }
0x181: {  	s1 =	sadd.s32 $0xFFFFFF40, s24;
	v11 =	vsel vm2, s0, v10;
	vm1 =	vgt.f32 v18, v12;
	v12 =	vmax.f32 v18, v12;
	v15 =	vld [tilespmem:s28+$0xFFFFFEF0]  }
0x182: {  	v26 =	vsel vm1, s1, v14;
	vm3 =	vgt.f32 v17, v12;
	v12 =	vmax.f32 v17, v12;
	v10 =	vld [tilespmem:s28+$0x0]  }
0x183: {  	s0 =	sadd.s32 $0xFFFFFF30, s24;
	vm1 =	vgt.f32 v19, v16;
	v14 =	vmax.f32 v19, v16;
	v17 =	vld [tilespmem:s28+$0xFFFFFFB0];
	vm4 =	vgt.f32 v25, v12  }
.Ltmp15:
0x184: {  	v25 =	vmax.f32 v25, v12;
	vm2 =	vgt.f32 v20, v21;
	v13 =	vsel vm1, s0, v13;
	v19 =	vld [tilespmem:s28+$0xFFFFFFF0];
	(pc) =	sbr.rel @p0 .LBB2_32-.Ltmp15, $4  }
0x185: {  	s0 =	sadd.s32 $0xFFFFFF10, s24;
	v16 =	vmax.f32 v20, v21;
	v12 =	vmax.f32 v24, v25;
	vm1 =	vgt.f32 v22, v28;
	v18 =	vld [tilespmem:s28+$0xFFFFFFD0]  }
0x186: {  	s11 =	sadd.s32 $0xFFFFFFE0, s26;
	s1 =	sadd.s32 $0xFFFFFF80, s24;
	v21 =	vmax.f32 v22, v28;
	v22 =	vsel vm1, s0, v23;
	s0 =	sadd.s32 $0xFFFFFF50, s24;
	v20 =	vld [tilespmem:s28+$0xFFFFFF00];
	vm1 =	vgt.f32 v24, v25  }
0x187: {  	s12 =	sadd.s32 $0xFFFFFFC0, s24;
	s11 =	sor.u32 $0x60, s11;
	vm5 =	vgt.f32 v15, v21;
	v23 =	vmax.f32 v15, v21;
	v15 =	vsel vm3, s1, v26;
	s1 =	sadd.s32 $0xFFFFFF90, s24;
	v21 =	vld [tilespmem:s28+$0xFFFFFFC0]  }
0x188: {  	s26 =	sadd.s32 $0x200, s26;
	v24 =	vsel vm5, s0, v22;
	v15 =	vsel vm4, s12, v15;
	s0 =	sadd.s32 $0xFFFFFFD0, s24;
	s28 =	sadd.s32 $0x200, s28;
	vm3 =	vgt.f32 v17, v23;
	v22 =	vld [tilespmem:s11+$0x0]  }
0x189: {  	v25 =	vmax.f32 v9, v14  }
0x18a: {  	v17 =	vmax.f32 v17, v23;
	v52 =	vsel vm3, s1, v24;
	vm5 =	vgt.f32 v9, v14  }
0x18b: {  	s17 =	sadd.s32 $0xFFFFFF20, s24;
	v61 =	vsel vm1, s24, v15;
	v53 =	vmax.f32 v18, v25;
	vm3 =	vgt.f32 v19, v17  }
0x18c: {  	s18 =	sadd.s32 $0xFFFFFF70, s24;
	v17 =	vmax.f32 v19, v17;
	vm4 =	vgt.f32 v18, v25;
	v56 =	vsel vm2, s17, v11  }
0x18d: {  	s11 =	sadd.s32 $0xFFFFFFB0, s24;
	v13 =	vsel vm5, s18, v13;
	v54 =	vmax.f32 v20, v16;
	v55 =	vsel vm3, s0, v52  }
0x18e: {  	s21 =	sadd.s32 $0xFFFFFF60, s24;
	vm3 =	vgt.f32 v20, v16;
	v13 =	vsel vm4, s11, v13;
	vm6 =	vgt.f32 v21, v54  }
0x18f: {  	s25 =	sadd.s32 $0xFFFFFFA0, s24;
	v57 =	vmax.f32 v21, v54;
	v9 =	vsel vm3, s21, v56;
	v58 =	vmax.f32 v22, v53  }
0x190: {  	s26 =	sadd.s32 $0xFFFFFFE0, s24;
	s28 =	sadd.s32 $0xFFFFFFF0, s24;
	vm2 =	vgt.f32 v10, v57;
	vm13 =	vgt.f32 v22, v53;
	v9 =	vsel vm6, s25, v9  }
0x191: {  	v59 =	vmax.f32 v10, v57;
	v60 =	vsel vm13, s28, v13;
	v9 =	vsel vm2, s26, v9  }
0x192: {  	vm1 =	vgt.f32 v58, v17;
	vm2 =	veq.f32 v58, v17;
	vm3 =	vlt.s32 v60, v55  }
0x193: {  	vm14 =	vlt.s32 v61, v9;
	vm2 =	vmand vm2, vm3;
	vm3 =	veq.f32 v12, v59  }
0x194: {  	vm1 =	vmor vm1, vm2;
	vm2 =	vgt.f32 v12, v59;
	vm3 =	vmand vm3, vm14  }
0x195: {  	v14 =	vsel vm1, v58, v17;
	vm2 =	vmor vm2, vm3  }
0x196: {  	v11 =	vsel vm1, v60, v55;
	v10 =	vsel vm2, v12, v59;
	v9 =	vsel vm2, v61, v9  }
0x197: {  	vm1 =	veq.f32 v10, v14;
	vm2 =	vlt.s32 v9, v11  }
0x198: {  	vm3 =	vgt.f32 v10, v14;
	vm1 =	vmand vm1, vm2  }
0x199: {  	vm1 =	vmor vm3, vm1  }
0x19a: {  	v9 =	vsel vm1, v9, v11  }
0x19b: {  	v10 =	vsel vm1, v10, v14;
	v9 =	vadd.s32 v0, v9  }
0x19c: {  	v62 =	vperm.xlane v10, v1;
	v63 =	vperm.xlane v9, v1;
	_ =	sdelay $0x1  }
0x19d: {  	vm1 =	veq.f32 v62, v10;
	vm2 =	vlt.s32 v63, v9  }
0x19e: {  	vm3 =	vgt.f32 v62, v10;
	vm1 =	vmand vm1, vm2  }
0x19f: {  	vm1 =	vmor vm3, vm1  }
0x1a0: {  	v10 =	vsel vm1, v62, v10;
	v9 =	vsel vm1, v63, v9  }
0x1a1: {  	v11 =	vperm.xlane v10, v2;
	v12 =	vperm.xlane v9, v2;
	_ =	sdelay $0x1  }
0x1a2: {  	vm1 =	veq.f32 v11, v10;
	vm2 =	vlt.s32 v12, v9  }
0x1a3: {  	vm3 =	vgt.f32 v11, v10;
	vm1 =	vmand vm1, vm2  }
0x1a4: {  	vm1 =	vmor vm3, vm1  }
0x1a5: {  	v10 =	vsel vm1, v11, v10;
	v9 =	vsel vm1, v12, v9  }
0x1a6: {  	v11 =	vperm.xlane v10, v3;
	v12 =	vperm.xlane v9, v3;
	_ =	sdelay $0x1  }
0x1a7: {  	vm1 =	veq.f32 v11, v10;
	vm2 =	vlt.s32 v12, v9  }
0x1a8: {  	vm3 =	vgt.f32 v11, v10;
	vm1 =	vmand vm1, vm2  }
0x1a9: {  	vm1 =	vmor vm3, vm1  }
0x1aa: {  	v10 =	vsel vm1, v11, v10;
	v9 =	vsel vm1, v12, v9  }
0x1ab: {  	v11 =	vperm.xlane v10, v4;
	v12 =	vperm.xlane v9, v4  }
0x1ac: {  	vm2 =	veq.f32 v8, v7;
	vm3 =	vlt.s32 v6, v5;
	vm1 =	vgt.f32 v8, v7  }
0x1ad: {  	vm2 =	vmand vm2, vm3;
	vm3 =	veq.f32 v11, v10;
	vm15 =	vlt.s32 v12, v9  }
0x1ae: {  	vm1 =	vmor vm1, vm2;
	vm2 =	vgt.f32 v11, v10;
	vm3 =	vmand vm3, vm15  }
0x1af: {  	v5 =	vsel vm1, v6, v5;
	vm1 =	vmmov $0x1;
	vm2 =	vmor vm2, vm3  }
0x1b0: {  	v5 =	vnsel vm1, $0x0, v5;
	v6 =	vsel vm2, v12, v9  }
0x1b1: {  	v5 =	vsel vm0, v5, v6  }
0x1b2: {  	s29 =	rddreg [dreg:$0x3];
	s30 =	simm.s32 $0x10000;
	[tilespmem:$0x10000] =	vst v5  }
0x1b3: {  	[hbm4b:s29+s2] =	stream.linear.scatter [tilespmem:s30], [sflag:$0x9], $0x80, $0x38;
	[tilespmem:$0x10080] =	vst v63  }
0x1b4: {  	_ =	swait.ge [sflag:s22], $0x80  }
0x1b5: {  	s23 =	sadd.s32 $0x1, s23;
	s31 =	rddreg [dreg:$0x4]  }
0x1b6: {  	p0 =	sne.s32 s23, s31  }
.Ltmp16:
0x1b7: {  	_ = 	snop;
	(pc) =	sbr.rel @p0 .LBB2_1-.Ltmp16, $3  }
0x1b8: {  	_ =	sdelay $0x1  }
0x1b9: {  	[sflag:s22] =	ssyncset.done $0x0  }
0x1ba: {  	[sflag:s22] =	ssyncadd.s32 $0xFFFFFF80  }
0x1bb: {  	_ =	sfence.sel $0x180000  }
0x1bc: {  	[bflag:$0x0] =	sbarrier.arrive $0xFFFF  }
0x1bd: {  	_ =	strace $0x90000047  }
0x1be: {  	s0 =	stileid.u32;
	[bflag:$0x2] =	sbarrier.arrive $0xFFFF  }
0x1bf: {  	p0 =	sne.s32 s0, $0x0;
	s0 =	rddreg [dreg:$0x2]  }
0x1c0: {  	s0 =	sadd.s32 @!p0 $0x100000, s0  }
0x1c1: {  	[sflag:s0] =	ssyncadd.tile.s32 @!p0 $0x1;
	_ =	shalt  }
.Lfunc_end2:
_tile_overlayer_lowered:
.L_overlay_start_2:
0x1c2: {  	(tag) =	ssettag $0x2  }
0x1c3: {  	s0 =	rddreg [dreg:$0x0];
	s2 =	stileid.u32  }
0x1c4: {  	s1 =	rddreg [dreg:$0x1];
	p0 =	sne.s32 s2, $0x0  }
0x1c5: {  	s3 =	rddreg [dreg:$0x2];
	[bflag:$0x3] =	sbarrier.arrive $0xFFFF;
	s2 =	simm.s32 @!p0 $0x1C09  }
0x1c6: {  	[timem:s3], [sflag:s2] =	dma.local @!p0 [hbm:s0], s1  }
0x1c7: {  	s0 =	simm.s32 @!p0 $0x9  }
0x1c8: {  	_ =	swait.ge @!p0 [sflag:s0], s1  }
0x1c9: {  	s1 =	ssub.s32 @!p0 $0x0, s1;
	[sflag:s0] =	ssyncset.done @!p0 $0x0  }
0x1ca: {  	[sflag:s0] =	ssyncadd.s32 @!p0 s1  }
0x1cb: {  	[bflag:$0x3] =	sbarrier.arrive $0xFFFF  }
0x1cc: {  	_ =	shalt  }

</sc_bundles>
